<compile_context>
chip_gen: v7x
topology: tpu7x:2x2x1
jax: 0.10.2.dev20260603
libtpu: 0.0.44.dev20260713+nightly
codegen_flags: <defaults>
</compile_context>

<pallas_src>
import functools

import jax
import jax.numpy as jnp
from jax import lax
from jax.experimental import pallas as pl
from jax.experimental.pallas import tpu as pltpu
from jax.experimental.pallas import tpu_sc as plsc

NUM_OUT = 16
NUM_IN = 4
LANES = 16
NW = 32
CB = 1
DEPTH = 4
B_ROWS = 4096
SEQ = 1024
CBLK = SEQ // 128
IN_W = CBLK * NUM_IN * 128
OUT_W = 16384


def _sc_body(pb, in_hbm, bi_hbm, out_hbm, in_v, out_v, bi_v,
             in_sems, out_sems):
  wid = lax.axis_index("s") * 2 + lax.axis_index("c")
  steps = pb // CB
  cw_in = CB * IN_W
  cw_out = CB * OUT_W
  iota = lax.iota(jnp.int32, LANES)

  pltpu.sync_copy(bi_hbm, bi_v.at[pl.ds(0, NUM_IN)])
  v_bi = bi_v[...]
  row_off = []
  for k in range(NUM_IN):
    bik = jnp.max(jnp.where(iota == k, v_bi, 0))
    row_off.append((bik // 8) * 8192 + (bik % 8) * 128)

  zero = jnp.zeros((LANES,), jnp.float32)

  @pl.loop(0, DEPTH * cw_out // LANES)
  def _zero(i):
    out_v[pl.ds(pl.multiple_of(i * LANES, 16), LANES)] = zero

  def in_copy(s, b):
    bat0 = wid * pb + s * CB
    return pltpu.make_async_copy(
        in_hbm.at[pl.ds(pl.multiple_of(bat0 * IN_W, 8), cw_in)],
        in_v.at[pl.ds(b * cw_in, cw_in)], in_sems[b])

  def out_copy(s, b):
    bat0 = wid * pb + s * CB
    return pltpu.make_async_copy(
        out_v.at[pl.ds(b * cw_out, cw_out)],
        out_hbm.at[pl.ds(pl.multiple_of(bat0 * OUT_W, 8), cw_out)],
        out_sems[b])

  def do_step(s, b):
    @pl.when(s + DEPTH - 1 < steps)
    def _prefetch():
      in_copy(s + DEPTH - 1, (b + DEPTH - 1) % DEPTH).start()

    in_copy(s, b).wait()

    @pl.when(s >= DEPTH)
    def _drain():
      out_copy(s - DEPTH, b).wait()

    @pl.loop(0, CBLK)
    def _col(c):
      for i_loc in range(CB):
        s_in = b * cw_in + i_loc * IN_W + c * (NUM_IN * 128)
        s_out = b * cw_out + i_loc * OUT_W + c * 1024
        for k in range(NUM_IN):
          dst = s_out + row_off[k]
          for q in range(128 // LANES):
            out_v[pl.ds(dst + q * LANES, LANES)] = (
                in_v[pl.ds(pl.multiple_of(s_in + k * 128 + q * LANES, 16),
                           LANES)])

    out_copy(s, b).start()

  for p in range(DEPTH - 1):
    in_copy(p, p).start()

  @pl.loop(0, steps // DEPTH)
  def _pipe(sd):
    for p in range(DEPTH):
      do_step(sd * DEPTH + p, p)

  for p in range(DEPTH):
    out_copy(steps - DEPTH + p, p).wait()


def kernel(inputs, blade_indices):
  pb = B_ROWS // NW

  a_flat = (inputs.reshape(B_ROWS, CBLK, 128, NUM_IN)
            .transpose(0, 1, 3, 2).reshape(-1))
  bi32 = blade_indices.astype(jnp.int32)

  mesh = plsc.VectorSubcoreMesh(core_axis_name="c", subcore_axis_name="s")
  b_flat = pl.kernel(
      functools.partial(_sc_body, pb),
      out_type=jax.ShapeDtypeStruct((B_ROWS * OUT_W,), inputs.dtype),
      mesh=mesh,
      compiler_params=pltpu.CompilerParams(needs_layout_passes=False),
      scratch_types=[
          pltpu.VMEM((DEPTH * CB * IN_W,), jnp.float32),
          pltpu.VMEM((DEPTH * CB * OUT_W,), jnp.float32),
          pltpu.VMEM((LANES,), jnp.int32),
          [pltpu.SemaphoreType.DMA] * DEPTH,
          [pltpu.SemaphoreType.DMA] * DEPTH,
      ],
  )(a_flat, bi32)
  return (b_flat.reshape(B_ROWS, 2, CBLK, 8, 128)
          .transpose(0, 2, 4, 1, 3).reshape(B_ROWS, SEQ, NUM_OUT))

# --- scband reference (transcript-rebuilt; emitter-appended) ---
"""Pipeline reference for scband-tensor-with-kind-to-geometric-2388001817288 (READ-ONLY COPY).

The authoritative reference and input builder live on the scoring server;
editing this copy changes nothing except your own understanding.
"""

import jax, jax.numpy as jnp
import numpy as np

# GeometricAlgebra with metric [1,1,1,1] -> 2^4 = 16 blades ordered by grade:
# [scalar, e0, e1, e2, e3, e01, e02, e03, e12, e13, e23, e012, e013, e023, e123, e0123]
# BladeKind 'vector' selects the grade-1 blades at indices [1, 2, 3, 4].
NUM_BLADES = 16


def setup_inputs(seed: int = 0) -> dict:
    key = jax.random.key(seed)
    inputs = jax.random.normal(key, (4096, 1024, 4), dtype=jnp.float32)
    blade_indices = jnp.array([1, 2, 3, 4], dtype=jnp.int32)
    return {"inputs": inputs, "blade_indices": blade_indices}


def reference(inputs, blade_indices):
    # tfga GeometricAlgebra.from_tensor_with_kind(inputs, kind):
    #   looks up the blade indices of the given kind and scatters the input
    #   values into a zero tensor over the full blade dimension (last axis).
    out_shape = inputs.shape[:-1] + (NUM_BLADES,)
    out = jnp.zeros(out_shape, dtype=inputs.dtype)
    out = out.at[..., blade_indices].set(inputs)
    return out

if __name__ == "__main__":
    import jax
    _d = setup_inputs()
    print(jax.jit(kernel)(*tuple(_d.values())))

</pallas_src>

<mosaic_0001>
#map = affine_map<(d0, d1) -> (0)>
module attributes {stable_mosaic.version = 14 : i64} {
  func.func @_sc_body(%arg0: i32, %arg1: i32, %arg2: memref<16777216xf32, #tpu.memory_space<hbm>>, %arg3: memref<4xi32, #tpu.memory_space<hbm>>, %arg4: memref<67108864xf32, #tpu.memory_space<hbm>>, %arg5: memref<16384xf32, #tpu.memory_space<vmem>>, %arg6: memref<65536xf32, #tpu.memory_space<vmem>>, %arg7: memref<16xi32, #tpu.memory_space<vmem>>, %arg8: memref<!tpu.dma_semaphore, #tpu.memory_space<semaphore_mem>>, %arg9: memref<!tpu.dma_semaphore, #tpu.memory_space<semaphore_mem>>, %arg10: memref<!tpu.dma_semaphore, #tpu.memory_space<semaphore_mem>>, %arg11: memref<!tpu.dma_semaphore, #tpu.memory_space<semaphore_mem>>, %arg12: memref<!tpu.dma_semaphore, #tpu.memory_space<semaphore_mem>>, %arg13: memref<!tpu.dma_semaphore, #tpu.memory_space<semaphore_mem>>, %arg14: memref<!tpu.dma_semaphore, #tpu.memory_space<semaphore_mem>>, %arg15: memref<!tpu.dma_semaphore, #tpu.memory_space<semaphore_mem>>) attributes {dimension_semantics = [#tpu.dimension_semantics<core_parallel>, #tpu.dimension_semantics<subcore_parallel>], iteration_bounds = array<i64: 2, 16>, scalar_prefetch = 0 : i64, scratch_operands = 11 : i64, tpu.core_type = #tpu.core_type<sc_vector_subcore>, window_params = [{transform_indices = #map}, {transform_indices = #map}, {transform_indices = #map}]} {
    %mul3A = arith.constant 2 : i32
    %mul3A_0 = arith.muli %arg1, %mul3A : i32
    %add3A = arith.addi %mul3A_0, %arg0 : i32
    %iota3A = tpu.iota {dimensions = array<i32: 0>} : vector<16xi32>
    "tpu.region"() ({
      %run_scoped3A = tpu.sem_alloc : memref<!tpu.dma_semaphore, #tpu.memory_space<semaphore_mem>>
      %dma_start3A_325 = arith.constant 0 : i32
      %dma_start3A_326 = tpu.memref_slice %arg7[%dma_start3A_325] : memref<16xi32, #tpu.memory_space<vmem>> -> memref<4xi32, #tpu.memory_space<vmem>>
      %dma_start3A_327 = arith.constant 0 : i32
      %dma_start3A_328 = tpu.memref_slice %arg7[%dma_start3A_327] : memref<16xi32, #tpu.memory_space<vmem>> -> memref<4xi32, #tpu.memory_space<vmem>>
      tpu.enqueue_dma source(%arg3 : memref<4xi32, #tpu.memory_space<hbm>>) target(%dma_start3A_328 : memref<4xi32, #tpu.memory_space<vmem>>) target_semaphore(%run_scoped3A : memref<!tpu.dma_semaphore, #tpu.memory_space<semaphore_mem>>)
      %dma_wait3A_329 = arith.constant 0 : i32
      %dma_wait3A_330 = tpu.memref_slice %arg7[%dma_wait3A_329] : memref<16xi32, #tpu.memory_space<vmem>> -> memref<4xi32, #tpu.memory_space<vmem>>
      %dma_wait3A_331 = arith.constant 0 : i32
      %dma_wait3A_332 = tpu.memref_slice %arg7[%dma_wait3A_331] : memref<16xi32, #tpu.memory_space<vmem>> -> memref<4xi32, #tpu.memory_space<vmem>>
      tpu.wait_dma2 semaphore(%run_scoped3A : memref<!tpu.dma_semaphore, #tpu.memory_space<semaphore_mem>>) src(%arg3 : memref<4xi32, #tpu.memory_space<hbm>>) dst(%dma_wait3A_332 : memref<4xi32, #tpu.memory_space<vmem>>)
      tpu.yield
    }) : () -> ()
    %get3A = arith.constant 0 : index
    %get3A_1 = tpu.vector_load %arg7[%get3A] {strides = array<i32>} : memref<16xi32, #tpu.memory_space<vmem>>, vector<16xi32>,
    %eq3A = arith.constant 0 : i32
    %eq3A_2 = vector.broadcast %eq3A : i32 to vector<16xi32>
    %eq3A_3 = arith.cmpi eq, %iota3A, %eq3A_2 : vector<16xi32>
    %jit3A = arith.constant 0 : i32
    %broadcast_in_dim3A = vector.broadcast %jit3A : i32 to vector<16xi32>
    %select_n3A = arith.select %eq3A_3, %get3A_1, %broadcast_in_dim3A : vector<16xi1>, vector<16xi32>
    %reduce_max3A = arith.constant true
    %reduce_max3A_4 = vector.broadcast %reduce_max3A : i1 to vector<16xi1>
    %reduce_max3A_5 = arith.constant -2147483648 : i32
    %reduce_max3A_6 = vector.broadcast %reduce_max3A_5 : i32 to vector<16xi32>
    %reduce_max3A_7 = arith.xori %select_n3A, %reduce_max3A_6 : vector<16xi32>
    %reduce_max3A_8 = tpu.scan <max>, %reduce_max3A_7 masked %reduce_max3A_4 : vector<16xi32>, vector<16xi1> -> vector<16xi32>
    %reduce_max3A_9 = arith.xori %reduce_max3A_8, %reduce_max3A_6 : vector<16xi32>
    %reduce_max3A_10 = vector.extract %reduce_max3A_9[15] : i32 from vector<16xi32>
    %jit3A_11 = arith.constant 8 : i32
    %div3A = arith.divsi %reduce_max3A_10, %jit3A_11 : i32
    %sign3A = arith.constant 0 : i32
    %sign3A_12 = arith.cmpi sgt, %reduce_max3A_10, %sign3A : i32
    %sign3A_13 = arith.extui %sign3A_12 : i1 to i32
    %sign3A_14 = arith.constant 0 : i32
    %sign3A_15 = arith.cmpi slt, %reduce_max3A_10, %sign3A_14 : i32
    %sign3A_16 = arith.extui %sign3A_15 : i1 to i32
    %sign3A_17 = arith.subi %sign3A_13, %sign3A_16 : i32
    %sign3A_18 = arith.constant 0 : i32
    %sign3A_19 = arith.cmpi sgt, %jit3A_11, %sign3A_18 : i32
    %sign3A_20 = arith.extui %sign3A_19 : i1 to i32
    %sign3A_21 = arith.constant 0 : i32
    %sign3A_22 = arith.cmpi slt, %jit3A_11, %sign3A_21 : i32
    %sign3A_23 = arith.extui %sign3A_22 : i1 to i32
    %sign3A_24 = arith.subi %sign3A_20, %sign3A_23 : i32
    %ne3A = arith.cmpi ne, %sign3A_17, %sign3A_24 : i32
    %rem3A = arith.remsi %reduce_max3A_10, %jit3A_11 : i32
    %ne3A_25 = arith.constant 0 : i32
    %ne3A_26 = arith.cmpi ne, %rem3A, %ne3A_25 : i32
    %and3A = arith.andi %ne3A, %ne3A_26 : i1
    %sub3A = arith.constant 1 : i32
    %sub3A_27 = arith.subi %div3A, %sub3A : i32
    %select_n3A_28 = arith.select %and3A, %sub3A_27, %div3A : i32
    %mul3A_29 = arith.constant 8192 : i32
    %mul3A_30 = arith.muli %select_n3A_28, %mul3A_29 : i32
    %jit3A_31 = arith.constant 8 : i32
    %eq3A_32 = arith.constant 0 : i32
    %eq3A_33 = arith.cmpi eq, %jit3A_31, %eq3A_32 : i32
    %jit3A_34 = arith.constant 1 : i32
    %select_n3A_35 = arith.select %eq3A_33, %jit3A_34, %jit3A_31 : i32
    %rem3A_36 = arith.remsi %reduce_max3A_10, %select_n3A_35 : i32
    %ne3A_37 = arith.constant 0 : i32
    %ne3A_38 = arith.cmpi ne, %rem3A_36, %ne3A_37 : i32
    %lt3A = arith.constant 0 : i32
    %lt3A_39 = arith.cmpi slt, %rem3A_36, %lt3A : i32
    %lt3A_40 = arith.constant 0 : i32
    %lt3A_41 = arith.cmpi slt, %select_n3A_35, %lt3A_40 : i32
    %ne3A_42 = arith.xori %lt3A_39, %lt3A_41 : i1
    %and3A_43 = arith.andi %ne3A_42, %ne3A_38 : i1
    %add3A_44 = arith.addi %rem3A_36, %select_n3A_35 : i32
    %select_n3A_45 = arith.select %and3A_43, %add3A_44, %rem3A_36 : i32
    %mul3A_46 = arith.constant 128 : i32
    %mul3A_47 = arith.muli %select_n3A_45, %mul3A_46 : i32
    %add3A_48 = arith.addi %mul3A_30, %mul3A_47 : i32
    %eq3A_49 = arith.constant 1 : i32
    %eq3A_50 = vector.broadcast %eq3A_49 : i32 to vector<16xi32>
    %eq3A_51 = arith.cmpi eq, %iota3A, %eq3A_50 : vector<16xi32>
    %jit3A_52 = arith.constant 0 : i32
    %broadcast_in_dim3A_53 = vector.broadcast %jit3A_52 : i32 to vector<16xi32>
    %select_n3A_54 = arith.select %eq3A_51, %get3A_1, %broadcast_in_dim3A_53 : vector<16xi1>, vector<16xi32>
    %reduce_max3A_55 = arith.constant true
    %reduce_max3A_56 = vector.broadcast %reduce_max3A_55 : i1 to vector<16xi1>
    %reduce_max3A_57 = arith.constant -2147483648 : i32
    %reduce_max3A_58 = vector.broadcast %reduce_max3A_57 : i32 to vector<16xi32>
    %reduce_max3A_59 = arith.xori %select_n3A_54, %reduce_max3A_58 : vector<16xi32>
    %reduce_max3A_60 = tpu.scan <max>, %reduce_max3A_59 masked %reduce_max3A_56 : vector<16xi32>, vector<16xi1> -> vector<16xi32>
    %reduce_max3A_61 = arith.xori %reduce_max3A_60, %reduce_max3A_58 : vector<16xi32>
    %reduce_max3A_62 = vector.extract %reduce_max3A_61[15] : i32 from vector<16xi32>
    %jit3A_63 = arith.constant 8 : i32
    %div3A_64 = arith.divsi %reduce_max3A_62, %jit3A_63 : i32
    %sign3A_65 = arith.constant 0 : i32
    %sign3A_66 = arith.cmpi sgt, %reduce_max3A_62, %sign3A_65 : i32
    %sign3A_67 = arith.extui %sign3A_66 : i1 to i32
    %sign3A_68 = arith.constant 0 : i32
    %sign3A_69 = arith.cmpi slt, %reduce_max3A_62, %sign3A_68 : i32
    %sign3A_70 = arith.extui %sign3A_69 : i1 to i32
    %sign3A_71 = arith.subi %sign3A_67, %sign3A_70 : i32
    %sign3A_72 = arith.constant 0 : i32
    %sign3A_73 = arith.cmpi sgt, %jit3A_63, %sign3A_72 : i32
    %sign3A_74 = arith.extui %sign3A_73 : i1 to i32
    %sign3A_75 = arith.constant 0 : i32
    %sign3A_76 = arith.cmpi slt, %jit3A_63, %sign3A_75 : i32
    %sign3A_77 = arith.extui %sign3A_76 : i1 to i32
    %sign3A_78 = arith.subi %sign3A_74, %sign3A_77 : i32
    %ne3A_79 = arith.cmpi ne, %sign3A_71, %sign3A_78 : i32
    %rem3A_80 = arith.remsi %reduce_max3A_62, %jit3A_63 : i32
    %ne3A_81 = arith.constant 0 : i32
    %ne3A_82 = arith.cmpi ne, %rem3A_80, %ne3A_81 : i32
    %and3A_83 = arith.andi %ne3A_79, %ne3A_82 : i1
    %sub3A_84 = arith.constant 1 : i32
    %sub3A_85 = arith.subi %div3A_64, %sub3A_84 : i32
    %select_n3A_86 = arith.select %and3A_83, %sub3A_85, %div3A_64 : i32
    %mul3A_87 = arith.constant 8192 : i32
    %mul3A_88 = arith.muli %select_n3A_86, %mul3A_87 : i32
    %jit3A_89 = arith.constant 8 : i32
    %eq3A_90 = arith.constant 0 : i32
    %eq3A_91 = arith.cmpi eq, %jit3A_89, %eq3A_90 : i32
    %jit3A_92 = arith.constant 1 : i32
    %select_n3A_93 = arith.select %eq3A_91, %jit3A_92, %jit3A_89 : i32
    %rem3A_94 = arith.remsi %reduce_max3A_62, %select_n3A_93 : i32
    %ne3A_95 = arith.constant 0 : i32
    %ne3A_96 = arith.cmpi ne, %rem3A_94, %ne3A_95 : i32
    %lt3A_97 = arith.constant 0 : i32
    %lt3A_98 = arith.cmpi slt, %rem3A_94, %lt3A_97 : i32
    %lt3A_99 = arith.constant 0 : i32
    %lt3A_100 = arith.cmpi slt, %select_n3A_93, %lt3A_99 : i32
    %ne3A_101 = arith.xori %lt3A_98, %lt3A_100 : i1
    %and3A_102 = arith.andi %ne3A_101, %ne3A_96 : i1
    %add3A_103 = arith.addi %rem3A_94, %select_n3A_93 : i32
    %select_n3A_104 = arith.select %and3A_102, %add3A_103, %rem3A_94 : i32
    %mul3A_105 = arith.constant 128 : i32
    %mul3A_106 = arith.muli %select_n3A_104, %mul3A_105 : i32
    %add3A_107 = arith.addi %mul3A_88, %mul3A_106 : i32
    %eq3A_108 = arith.constant 2 : i32
    %eq3A_109 = vector.broadcast %eq3A_108 : i32 to vector<16xi32>
    %eq3A_110 = arith.cmpi eq, %iota3A, %eq3A_109 : vector<16xi32>
    %jit3A_111 = arith.constant 0 : i32
    %broadcast_in_dim3A_112 = vector.broadcast %jit3A_111 : i32 to vector<16xi32>
    %select_n3A_113 = arith.select %eq3A_110, %get3A_1, %broadcast_in_dim3A_112 : vector<16xi1>, vector<16xi32>
    %reduce_max3A_114 = arith.constant true
    %reduce_max3A_115 = vector.broadcast %reduce_max3A_114 : i1 to vector<16xi1>
    %reduce_max3A_116 = arith.constant -2147483648 : i32
    %reduce_max3A_117 = vector.broadcast %reduce_max3A_116 : i32 to vector<16xi32>
    %reduce_max3A_118 = arith.xori %select_n3A_113, %reduce_max3A_117 : vector<16xi32>
    %reduce_max3A_119 = tpu.scan <max>, %reduce_max3A_118 masked %reduce_max3A_115 : vector<16xi32>, vector<16xi1> -> vector<16xi32>
    %reduce_max3A_120 = arith.xori %reduce_max3A_119, %reduce_max3A_117 : vector<16xi32>
    %reduce_max3A_121 = vector.extract %reduce_max3A_120[15] : i32 from vector<16xi32>
    %jit3A_122 = arith.constant 8 : i32
    %div3A_123 = arith.divsi %reduce_max3A_121, %jit3A_122 : i32
    %sign3A_124 = arith.constant 0 : i32
    %sign3A_125 = arith.cmpi sgt, %reduce_max3A_121, %sign3A_124 : i32
    %sign3A_126 = arith.extui %sign3A_125 : i1 to i32
    %sign3A_127 = arith.constant 0 : i32
    %sign3A_128 = arith.cmpi slt, %reduce_max3A_121, %sign3A_127 : i32
    %sign3A_129 = arith.extui %sign3A_128 : i1 to i32
    %sign3A_130 = arith.subi %sign3A_126, %sign3A_129 : i32
    %sign3A_131 = arith.constant 0 : i32
    %sign3A_132 = arith.cmpi sgt, %jit3A_122, %sign3A_131 : i32
    %sign3A_133 = arith.extui %sign3A_132 : i1 to i32
    %sign3A_134 = arith.constant 0 : i32
    %sign3A_135 = arith.cmpi slt, %jit3A_122, %sign3A_134 : i32
    %sign3A_136 = arith.extui %sign3A_135 : i1 to i32
    %sign3A_137 = arith.subi %sign3A_133, %sign3A_136 : i32
    %ne3A_138 = arith.cmpi ne, %sign3A_130, %sign3A_137 : i32
    %rem3A_139 = arith.remsi %reduce_max3A_121, %jit3A_122 : i32
    %ne3A_140 = arith.constant 0 : i32
    %ne3A_141 = arith.cmpi ne, %rem3A_139, %ne3A_140 : i32
    %and3A_142 = arith.andi %ne3A_138, %ne3A_141 : i1
    %sub3A_143 = arith.constant 1 : i32
    %sub3A_144 = arith.subi %div3A_123, %sub3A_143 : i32
    %select_n3A_145 = arith.select %and3A_142, %sub3A_144, %div3A_123 : i32
    %mul3A_146 = arith.constant 8192 : i32
    %mul3A_147 = arith.muli %select_n3A_145, %mul3A_146 : i32
    %jit3A_148 = arith.constant 8 : i32
    %eq3A_149 = arith.constant 0 : i32
    %eq3A_150 = arith.cmpi eq, %jit3A_148, %eq3A_149 : i32
    %jit3A_151 = arith.constant 1 : i32
    %select_n3A_152 = arith.select %eq3A_150, %jit3A_151, %jit3A_148 : i32
    %rem3A_153 = arith.remsi %reduce_max3A_121, %select_n3A_152 : i32
    %ne3A_154 = arith.constant 0 : i32
    %ne3A_155 = arith.cmpi ne, %rem3A_153, %ne3A_154 : i32
    %lt3A_156 = arith.constant 0 : i32
    %lt3A_157 = arith.cmpi slt, %rem3A_153, %lt3A_156 : i32
    %lt3A_158 = arith.constant 0 : i32
    %lt3A_159 = arith.cmpi slt, %select_n3A_152, %lt3A_158 : i32
    %ne3A_160 = arith.xori %lt3A_157, %lt3A_159 : i1
    %and3A_161 = arith.andi %ne3A_160, %ne3A_155 : i1
    %add3A_162 = arith.addi %rem3A_153, %select_n3A_152 : i32
    %select_n3A_163 = arith.select %and3A_161, %add3A_162, %rem3A_153 : i32
    %mul3A_164 = arith.constant 128 : i32
    %mul3A_165 = arith.muli %select_n3A_163, %mul3A_164 : i32
    %add3A_166 = arith.addi %mul3A_147, %mul3A_165 : i32
    %eq3A_167 = arith.constant 3 : i32
    %eq3A_168 = vector.broadcast %eq3A_167 : i32 to vector<16xi32>
    %eq3A_169 = arith.cmpi eq, %iota3A, %eq3A_168 : vector<16xi32>
    %jit3A_170 = arith.constant 0 : i32
    %broadcast_in_dim3A_171 = vector.broadcast %jit3A_170 : i32 to vector<16xi32>
    %select_n3A_172 = arith.select %eq3A_169, %get3A_1, %broadcast_in_dim3A_171 : vector<16xi1>, vector<16xi32>
    %reduce_max3A_173 = arith.constant true
    %reduce_max3A_174 = vector.broadcast %reduce_max3A_173 : i1 to vector<16xi1>
    %reduce_max3A_175 = arith.constant -2147483648 : i32
    %reduce_max3A_176 = vector.broadcast %reduce_max3A_175 : i32 to vector<16xi32>
    %reduce_max3A_177 = arith.xori %select_n3A_172, %reduce_max3A_176 : vector<16xi32>
    %reduce_max3A_178 = tpu.scan <max>, %reduce_max3A_177 masked %reduce_max3A_174 : vector<16xi32>, vector<16xi1> -> vector<16xi32>
    %reduce_max3A_179 = arith.xori %reduce_max3A_178, %reduce_max3A_176 : vector<16xi32>
    %reduce_max3A_180 = vector.extract %reduce_max3A_179[15] : i32 from vector<16xi32>
    %jit3A_181 = arith.constant 8 : i32
    %div3A_182 = arith.divsi %reduce_max3A_180, %jit3A_181 : i32
    %sign3A_183 = arith.constant 0 : i32
    %sign3A_184 = arith.cmpi sgt, %reduce_max3A_180, %sign3A_183 : i32
    %sign3A_185 = arith.extui %sign3A_184 : i1 to i32
    %sign3A_186 = arith.constant 0 : i32
    %sign3A_187 = arith.cmpi slt, %reduce_max3A_180, %sign3A_186 : i32
    %sign3A_188 = arith.extui %sign3A_187 : i1 to i32
    %sign3A_189 = arith.subi %sign3A_185, %sign3A_188 : i32
    %sign3A_190 = arith.constant 0 : i32
    %sign3A_191 = arith.cmpi sgt, %jit3A_181, %sign3A_190 : i32
    %sign3A_192 = arith.extui %sign3A_191 : i1 to i32
    %sign3A_193 = arith.constant 0 : i32
    %sign3A_194 = arith.cmpi slt, %jit3A_181, %sign3A_193 : i32
    %sign3A_195 = arith.extui %sign3A_194 : i1 to i32
    %sign3A_196 = arith.subi %sign3A_192, %sign3A_195 : i32
    %ne3A_197 = arith.cmpi ne, %sign3A_189, %sign3A_196 : i32
    %rem3A_198 = arith.remsi %reduce_max3A_180, %jit3A_181 : i32
    %ne3A_199 = arith.constant 0 : i32
    %ne3A_200 = arith.cmpi ne, %rem3A_198, %ne3A_199 : i32
    %and3A_201 = arith.andi %ne3A_197, %ne3A_200 : i1
    %sub3A_202 = arith.constant 1 : i32
    %sub3A_203 = arith.subi %div3A_182, %sub3A_202 : i32
    %select_n3A_204 = arith.select %and3A_201, %sub3A_203, %div3A_182 : i32
    %mul3A_205 = arith.constant 8192 : i32
    %mul3A_206 = arith.muli %select_n3A_204, %mul3A_205 : i32
    %jit3A_207 = arith.constant 8 : i32
    %eq3A_208 = arith.constant 0 : i32
    %eq3A_209 = arith.cmpi eq, %jit3A_207, %eq3A_208 : i32
    %jit3A_210 = arith.constant 1 : i32
    %select_n3A_211 = arith.select %eq3A_209, %jit3A_210, %jit3A_207 : i32
    %rem3A_212 = arith.remsi %reduce_max3A_180, %select_n3A_211 : i32
    %ne3A_213 = arith.constant 0 : i32
    %ne3A_214 = arith.cmpi ne, %rem3A_212, %ne3A_213 : i32
    %lt3A_215 = arith.constant 0 : i32
    %lt3A_216 = arith.cmpi slt, %rem3A_212, %lt3A_215 : i32
    %lt3A_217 = arith.constant 0 : i32
    %lt3A_218 = arith.cmpi slt, %select_n3A_211, %lt3A_217 : i32
    %ne3A_219 = arith.xori %lt3A_216, %lt3A_218 : i1
    %and3A_220 = arith.andi %ne3A_219, %ne3A_214 : i1
    %add3A_221 = arith.addi %rem3A_212, %select_n3A_211 : i32
    %select_n3A_222 = arith.select %and3A_220, %add3A_221, %rem3A_212 : i32
    %mul3A_223 = arith.constant 128 : i32
    %mul3A_224 = arith.muli %select_n3A_222, %mul3A_223 : i32
    %add3A_225 = arith.addi %mul3A_206, %mul3A_224 : i32
    %broadcast_in_dim3A_226 = arith.constant 0.000000e+00 : f32
    %broadcast_in_dim3A_227 = vector.broadcast %broadcast_in_dim3A_226 : f32 to vector<16xf32>
    %scan3A = arith.constant 0 : i32
    %scan3A_228 = arith.constant 4096 : i32
    %scan3A_229 = arith.addi %scan3A, %scan3A_228 : i32
    %scan3A_230 = arith.constant 1 : i32
    scf.for %scan3A_325 = %scan3A to %scan3A_229 step %scan3A_230  : i32 {
      %mul3A_326 = arith.constant 1 : i32
      %mul3A_327 = arith.muli %scan3A_325, %mul3A_326 : i32
      %add3A_328 = arith.constant 0 : i32
      %add3A_329 = arith.addi %add3A_328, %mul3A_327 : i32
      %mul3A_330 = arith.constant 16 : i32
      %mul3A_331 = arith.muli %add3A_329, %mul3A_330 : i32
      %multiple_of3A_332 = tpu.assume_multiple %mul3A_331, 16 : i32
      %swap3A = arith.index_cast %multiple_of3A_332 : i32 to index
      %swap3A_333 = tpu.vector_load %arg6[%swap3A] {strides = array<i32>} : memref<65536xf32, #tpu.memory_space<vmem>>, vector<16xf32>,
      tpu.vector_store %arg6[%swap3A], %broadcast_in_dim3A_227 {strides = array<i32>} : memref<65536xf32, #tpu.memory_space<vmem>>, vector<16xf32>,
    }
    %scan3A_231 = arith.constant 4096 : i32
    %mul3A_232 = arith.constant 128 : i32
    %mul3A_233 = arith.muli %add3A, %mul3A_232 : i32
    %add3A_234 = arith.constant 0 : i32
    %add3A_235 = arith.addi %mul3A_233, %add3A_234 : i32
    %mul3A_236 = arith.constant 4096 : i32
    %mul3A_237 = arith.muli %add3A_235, %mul3A_236 : i32
    %multiple_of3A = tpu.assume_multiple %mul3A_237, 8 : i32
    %dma_start3A = arith.constant 0 : i32
    %dma_start3A_238 = tpu.memref_slice %arg5[%dma_start3A] : memref<16384xf32, #tpu.memory_space<vmem>> -> memref<4096xf32, #tpu.memory_space<vmem>>
    %dma_start3A_239 = tpu.memref_slice %arg2[%multiple_of3A] : memref<16777216xf32, #tpu.memory_space<hbm>> -> memref<4096xf32, #tpu.memory_space<hbm>>
    %dma_start3A_240 = arith.constant 0 : i32
    %dma_start3A_241 = tpu.memref_slice %arg5[%dma_start3A_240] : memref<16384xf32, #tpu.memory_space<vmem>> -> memref<4096xf32, #tpu.memory_space<vmem>>
    %dma_start3A_242 = tpu.memref_slice %arg2[%multiple_of3A] : memref<16777216xf32, #tpu.memory_space<hbm>> -> memref<4096xf32, #tpu.memory_space<hbm>>
    tpu.enqueue_dma source(%dma_start3A_242 : memref<4096xf32, #tpu.memory_space<hbm>>) target(%dma_start3A_241 : memref<4096xf32, #tpu.memory_space<vmem>>) target_semaphore(%arg8 : memref<!tpu.dma_semaphore, #tpu.memory_space<semaphore_mem>>)
    %mul3A_243 = arith.constant 128 : i32
    %mul3A_244 = arith.muli %add3A, %mul3A_243 : i32
    %add3A_245 = arith.constant 1 : i32
    %add3A_246 = arith.addi %mul3A_244, %add3A_245 : i32
    %mul3A_247 = arith.constant 4096 : i32
    %mul3A_248 = arith.muli %add3A_246, %mul3A_247 : i32
    %multiple_of3A_249 = tpu.assume_multiple %mul3A_248, 8 : i32
    %dma_start3A_250 = arith.constant 4096 : i32
    %dma_start3A_251 = tpu.memref_slice %arg5[%dma_start3A_250] : memref<16384xf32, #tpu.memory_space<vmem>> -> memref<4096xf32, #tpu.memory_space<vmem>>
    %dma_start3A_252 = tpu.memref_slice %arg2[%multiple_of3A_249] : memref<16777216xf32, #tpu.memory_space<hbm>> -> memref<4096xf32, #tpu.memory_space<hbm>>
    %dma_start3A_253 = arith.constant 4096 : i32
    %dma_start3A_254 = tpu.memref_slice %arg5[%dma_start3A_253] : memref<16384xf32, #tpu.memory_space<vmem>> -> memref<4096xf32, #tpu.memory_space<vmem>>
    %dma_start3A_255 = tpu.memref_slice %arg2[%multiple_of3A_249] : memref<16777216xf32, #tpu.memory_space<hbm>> -> memref<4096xf32, #tpu.memory_space<hbm>>
    tpu.enqueue_dma source(%dma_start3A_255 : memref<4096xf32, #tpu.memory_space<hbm>>) target(%dma_start3A_254 : memref<4096xf32, #tpu.memory_space<vmem>>) target_semaphore(%arg9 : memref<!tpu.dma_semaphore, #tpu.memory_space<semaphore_mem>>)
    %mul3A_256 = arith.constant 128 : i32
    %mul3A_257 = arith.muli %add3A, %mul3A_256 : i32
    %add3A_258 = arith.constant 2 : i32
    %add3A_259 = arith.addi %mul3A_257, %add3A_258 : i32
    %mul3A_260 = arith.constant 4096 : i32
    %mul3A_261 = arith.muli %add3A_259, %mul3A_260 : i32
    %multiple_of3A_262 = tpu.assume_multiple %mul3A_261, 8 : i32
    %dma_start3A_263 = arith.constant 8192 : i32
    %dma_start3A_264 = tpu.memref_slice %arg5[%dma_start3A_263] : memref<16384xf32, #tpu.memory_space<vmem>> -> memref<4096xf32, #tpu.memory_space<vmem>>
    %dma_start3A_265 = tpu.memref_slice %arg2[%multiple_of3A_262] : memref<16777216xf32, #tpu.memory_space<hbm>> -> memref<4096xf32, #tpu.memory_space<hbm>>
    %dma_start3A_266 = arith.constant 8192 : i32
    %dma_start3A_267 = tpu.memref_slice %arg5[%dma_start3A_266] : memref<16384xf32, #tpu.memory_space<vmem>> -> memref<4096xf32, #tpu.memory_space<vmem>>
    %dma_start3A_268 = tpu.memref_slice %arg2[%multiple_of3A_262] : memref<16777216xf32, #tpu.memory_space<hbm>> -> memref<4096xf32, #tpu.memory_space<hbm>>
    tpu.enqueue_dma source(%dma_start3A_268 : memref<4096xf32, #tpu.memory_space<hbm>>) target(%dma_start3A_267 : memref<4096xf32, #tpu.memory_space<vmem>>) target_semaphore(%arg10 : memref<!tpu.dma_semaphore, #tpu.memory_space<semaphore_mem>>)
    %scan3A_269 = arith.constant 0 : i32
    %scan3A_270 = arith.constant 32 : i32
    %scan3A_271 = arith.addi %scan3A_269, %scan3A_270 : i32
    %scan3A_272 = arith.constant 1 : i32
    scf.for %scan3A_325 = %scan3A_269 to %scan3A_271 step %scan3A_272  : i32 {
      %mul3A_326 = arith.constant 1 : i32
      %mul3A_327 = arith.muli %scan3A_325, %mul3A_326 : i32
      %add3A_328 = arith.constant 0 : i32
      %add3A_329 = arith.addi %add3A_328, %mul3A_327 : i32
      %mul3A_330 = arith.constant 4 : i32
      %mul3A_331 = arith.muli %add3A_329, %mul3A_330 : i32
      %add3A_332 = arith.constant 0 : i32
      %add3A_333 = arith.addi %mul3A_331, %add3A_332 : i32
      %add3A_334 = arith.constant 4 : i32
      %add3A_335 = arith.addi %add3A_333, %add3A_334 : i32
      %sub3A_336 = arith.constant 1 : i32
      %sub3A_337 = arith.subi %add3A_335, %sub3A_336 : i32
      %lt3A_338 = arith.constant 128 : i32
      %lt3A_339 = arith.cmpi slt, %sub3A_337, %lt3A_338 : i32
      %convert_element_type3A = arith.extui %lt3A_339 : i1 to i32
      %cond3A = arith.constant 0 : i32
      %cond3A_340 = arith.cmpi ne, %convert_element_type3A, %cond3A : i32
      scf.if %cond3A_340 {
        %add3A_531 = arith.constant 4 : i32
        %add3A_532 = arith.addi %add3A_333, %add3A_531 : i32
        %sub3A_533 = arith.constant 1 : i32
        %sub3A_534 = arith.subi %add3A_532, %sub3A_533 : i32
        %mul3A_535 = arith.constant 128 : i32
        %mul3A_536 = arith.muli %add3A, %mul3A_535 : i32
        %mul3A_537 = arith.constant 1 : i32
        %mul3A_538 = arith.muli %sub3A_534, %mul3A_537 : i32
        %add3A_539 = arith.addi %mul3A_536, %mul3A_538 : i32
        %mul3A_540 = arith.constant 4096 : i32
        %mul3A_541 = arith.muli %add3A_539, %mul3A_540 : i32
        %multiple_of3A_542 = tpu.assume_multiple %mul3A_541, 8 : i32
        %dma_start3A_543 = arith.constant 12288 : i32
        %dma_start3A_544 = tpu.memref_slice %arg5[%dma_start3A_543] : memref<16384xf32, #tpu.memory_space<vmem>> -> memref<4096xf32, #tpu.memory_space<vmem>>
        %dma_start3A_545 = tpu.memref_slice %arg2[%multiple_of3A_542] : memref<16777216xf32, #tpu.memory_space<hbm>> -> memref<4096xf32, #tpu.memory_space<hbm>>
        %dma_start3A_546 = arith.constant 12288 : i32
        %dma_start3A_547 = tpu.memref_slice %arg5[%dma_start3A_546] : memref<16384xf32, #tpu.memory_space<vmem>> -> memref<4096xf32, #tpu.memory_space<vmem>>
        %dma_start3A_548 = tpu.memref_slice %arg2[%multiple_of3A_542] : memref<16777216xf32, #tpu.memory_space<hbm>> -> memref<4096xf32, #tpu.memory_space<hbm>>
        tpu.enqueue_dma source(%dma_start3A_548 : memref<4096xf32, #tpu.memory_space<hbm>>) target(%dma_start3A_547 : memref<4096xf32, #tpu.memory_space<vmem>>) target_semaphore(%arg11 : memref<!tpu.dma_semaphore, #tpu.memory_space<semaphore_mem>>)
      } else {
      }
      %mul3A_341 = arith.constant 128 : i32
      %mul3A_342 = arith.muli %add3A, %mul3A_341 : i32
      %mul3A_343 = arith.constant 1 : i32
      %mul3A_344 = arith.muli %add3A_333, %mul3A_343 : i32
      %add3A_345 = arith.addi %mul3A_342, %mul3A_344 : i32
      %mul3A_346 = arith.constant 4096 : i32
      %mul3A_347 = arith.muli %add3A_345, %mul3A_346 : i32
      %multiple_of3A_348 = tpu.assume_multiple %mul3A_347, 8 : i32
      %dma_wait3A_349 = arith.constant 0 : i32
      %dma_wait3A_350 = tpu.memref_slice %arg5[%dma_wait3A_349] : memref<16384xf32, #tpu.memory_space<vmem>> -> memref<4096xf32, #tpu.memory_space<vmem>>
      %dma_wait3A_351 = tpu.memref_slice %arg2[%multiple_of3A_348] : memref<16777216xf32, #tpu.memory_space<hbm>> -> memref<4096xf32, #tpu.memory_space<hbm>>
      %dma_wait3A_352 = arith.constant 0 : i32
      %dma_wait3A_353 = tpu.memref_slice %arg5[%dma_wait3A_352] : memref<16384xf32, #tpu.memory_space<vmem>> -> memref<4096xf32, #tpu.memory_space<vmem>>
      %dma_wait3A_354 = tpu.memref_slice %arg2[%multiple_of3A_348] : memref<16777216xf32, #tpu.memory_space<hbm>> -> memref<4096xf32, #tpu.memory_space<hbm>>
      tpu.wait_dma2 semaphore(%arg8 : memref<!tpu.dma_semaphore, #tpu.memory_space<semaphore_mem>>) src(%dma_wait3A_354 : memref<4096xf32, #tpu.memory_space<hbm>>) dst(%dma_wait3A_353 : memref<4096xf32, #tpu.memory_space<vmem>>)
      %ge3A = arith.constant 4 : i32
      %ge3A_355 = arith.cmpi sge, %add3A_333, %ge3A : i32
      %convert_element_type3A_356 = arith.extui %ge3A_355 : i1 to i32
      %cond3A_357 = arith.constant 0 : i32
      %cond3A_358 = arith.cmpi ne, %convert_element_type3A_356, %cond3A_357 : i32
      scf.if %cond3A_358 {
        %sub3A_531 = arith.constant 4 : i32
        %sub3A_532 = arith.subi %add3A_333, %sub3A_531 : i32
        %mul3A_533 = arith.constant 128 : i32
        %mul3A_534 = arith.muli %add3A, %mul3A_533 : i32
        %mul3A_535 = arith.constant 1 : i32
        %mul3A_536 = arith.muli %sub3A_532, %mul3A_535 : i32
        %add3A_537 = arith.addi %mul3A_534, %mul3A_536 : i32
        %mul3A_538 = arith.constant 16384 : i32
        %mul3A_539 = arith.muli %add3A_537, %mul3A_538 : i32
        %multiple_of3A_540 = tpu.assume_multiple %mul3A_539, 8 : i32
        %dma_wait3A_541 = arith.constant 0 : i32
        %dma_wait3A_542 = tpu.memref_slice %arg6[%dma_wait3A_541] : memref<65536xf32, #tpu.memory_space<vmem>> -> memref<16384xf32, #tpu.memory_space<vmem>>
        %dma_wait3A_543 = tpu.memref_slice %arg4[%multiple_of3A_540] : memref<67108864xf32, #tpu.memory_space<hbm>> -> memref<16384xf32, #tpu.memory_space<hbm>>
        %dma_wait3A_544 = tpu.memref_slice %arg4[%multiple_of3A_540] : memref<67108864xf32, #tpu.memory_space<hbm>> -> memref<16384xf32, #tpu.memory_space<hbm>>
        %dma_wait3A_545 = arith.constant 0 : i32
        %dma_wait3A_546 = tpu.memref_slice %arg6[%dma_wait3A_545] : memref<65536xf32, #tpu.memory_space<vmem>> -> memref<16384xf32, #tpu.memory_space<vmem>>
        tpu.wait_dma2 semaphore(%arg12 : memref<!tpu.dma_semaphore, #tpu.memory_space<semaphore_mem>>) src(%dma_wait3A_546 : memref<16384xf32, #tpu.memory_space<vmem>>) dst(%dma_wait3A_544 : memref<16384xf32, #tpu.memory_space<hbm>>)
      } else {
      }
      %scan3A_359 = arith.constant 0 : i32
      %scan3A_360 = arith.constant 8 : i32
      %scan3A_361 = arith.addi %scan3A_359, %scan3A_360 : i32
      %scan3A_362 = arith.constant 1 : i32
      scf.for %scan3A_531 = %scan3A_359 to %scan3A_361 step %scan3A_362  : i32 {
        %mul3A_532 = arith.constant 1 : i32
        %mul3A_533 = arith.muli %scan3A_531, %mul3A_532 : i32
        %add3A_534 = arith.constant 0 : i32
        %add3A_535 = arith.addi %add3A_534, %mul3A_533 : i32
        %mul3A_536 = arith.constant 512 : i32
        %mul3A_537 = arith.muli %add3A_535, %mul3A_536 : i32
        %add3A_538 = arith.constant 0 : i32
        %add3A_539 = arith.addi %add3A_538, %mul3A_537 : i32
        %mul3A_540 = arith.constant 1024 : i32
        %mul3A_541 = arith.muli %add3A_535, %mul3A_540 : i32
        %add3A_542 = arith.constant 0 : i32
        %add3A_543 = arith.addi %add3A_542, %mul3A_541 : i32
        %add3A_544 = arith.addi %add3A_543, %add3A_48 : i32
        %add3A_545 = arith.constant 0 : i32
        %add3A_546 = arith.addi %add3A_539, %add3A_545 : i32
        %add3A_547 = arith.constant 0 : i32
        %add3A_548 = arith.addi %add3A_546, %add3A_547 : i32
        %multiple_of3A_549 = tpu.assume_multiple %add3A_548, 16 : i32
        %get3A_550 = arith.index_cast %multiple_of3A_549 : i32 to index
        %get3A_551 = tpu.vector_load %arg5[%get3A_550] {strides = array<i32>} : memref<16384xf32, #tpu.memory_space<vmem>>, vector<16xf32>,
        %add3A_552 = arith.constant 0 : i32
        %add3A_553 = arith.addi %add3A_544, %add3A_552 : i32
        %swap3A = arith.index_cast %add3A_553 : i32 to index
        %swap3A_554 = tpu.vector_load %arg6[%swap3A] {strides = array<i32>} : memref<65536xf32, #tpu.memory_space<vmem>>, vector<16xf32>,
        tpu.vector_store %arg6[%swap3A], %get3A_551 {strides = array<i32>} : memref<65536xf32, #tpu.memory_space<vmem>>, vector<16xf32>,
        %add3A_555 = arith.constant 0 : i32
        %add3A_556 = arith.addi %add3A_539, %add3A_555 : i32
        %add3A_557 = arith.constant 16 : i32
        %add3A_558 = arith.addi %add3A_556, %add3A_557 : i32
        %multiple_of3A_559 = tpu.assume_multiple %add3A_558, 16 : i32
        %get3A_560 = arith.index_cast %multiple_of3A_559 : i32 to index
        %get3A_561 = tpu.vector_load %arg5[%get3A_560] {strides = array<i32>} : memref<16384xf32, #tpu.memory_space<vmem>>, vector<16xf32>,
        %add3A_562 = arith.constant 16 : i32
        %add3A_563 = arith.addi %add3A_544, %add3A_562 : i32
        %swap3A_564 = arith.index_cast %add3A_563 : i32 to index
        %swap3A_565 = tpu.vector_load %arg6[%swap3A_564] {strides = array<i32>} : memref<65536xf32, #tpu.memory_space<vmem>>, vector<16xf32>,
        tpu.vector_store %arg6[%swap3A_564], %get3A_561 {strides = array<i32>} : memref<65536xf32, #tpu.memory_space<vmem>>, vector<16xf32>,
        %add3A_566 = arith.constant 0 : i32
        %add3A_567 = arith.addi %add3A_539, %add3A_566 : i32
        %add3A_568 = arith.constant 32 : i32
        %add3A_569 = arith.addi %add3A_567, %add3A_568 : i32
        %multiple_of3A_570 = tpu.assume_multiple %add3A_569, 16 : i32
        %get3A_571 = arith.index_cast %multiple_of3A_570 : i32 to index
        %get3A_572 = tpu.vector_load %arg5[%get3A_571] {strides = array<i32>} : memref<16384xf32, #tpu.memory_space<vmem>>, vector<16xf32>,
        %add3A_573 = arith.constant 32 : i32
        %add3A_574 = arith.addi %add3A_544, %add3A_573 : i32
        %swap3A_575 = arith.index_cast %add3A_574 : i32 to index
        %swap3A_576 = tpu.vector_load %arg6[%swap3A_575] {strides = array<i32>} : memref<65536xf32, #tpu.memory_space<vmem>>, vector<16xf32>,
        tpu.vector_store %arg6[%swap3A_575], %get3A_572 {strides = array<i32>} : memref<65536xf32, #tpu.memory_space<vmem>>, vector<16xf32>,
        %add3A_577 = arith.constant 0 : i32
        %add3A_578 = arith.addi %add3A_539, %add3A_577 : i32
        %add3A_579 = arith.constant 48 : i32
        %add3A_580 = arith.addi %add3A_578, %add3A_579 : i32
        %multiple_of3A_581 = tpu.assume_multiple %add3A_580, 16 : i32
        %get3A_582 = arith.index_cast %multiple_of3A_581 : i32 to index
        %get3A_583 = tpu.vector_load %arg5[%get3A_582] {strides = array<i32>} : memref<16384xf32, #tpu.memory_space<vmem>>, vector<16xf32>,
        %add3A_584 = arith.constant 48 : i32
        %add3A_585 = arith.addi %add3A_544, %add3A_584 : i32
        %swap3A_586 = arith.index_cast %add3A_585 : i32 to index
        %swap3A_587 = tpu.vector_load %arg6[%swap3A_586] {strides = array<i32>} : memref<65536xf32, #tpu.memory_space<vmem>>, vector<16xf32>,
        tpu.vector_store %arg6[%swap3A_586], %get3A_583 {strides = array<i32>} : memref<65536xf32, #tpu.memory_space<vmem>>, vector<16xf32>,
        %add3A_588 = arith.constant 0 : i32
        %add3A_589 = arith.addi %add3A_539, %add3A_588 : i32
        %add3A_590 = arith.constant 64 : i32
        %add3A_591 = arith.addi %add3A_589, %add3A_590 : i32
        %multiple_of3A_592 = tpu.assume_multiple %add3A_591, 16 : i32
        %get3A_593 = arith.index_cast %multiple_of3A_592 : i32 to index
        %get3A_594 = tpu.vector_load %arg5[%get3A_593] {strides = array<i32>} : memref<16384xf32, #tpu.memory_space<vmem>>, vector<16xf32>,
        %add3A_595 = arith.constant 64 : i32
        %add3A_596 = arith.addi %add3A_544, %add3A_595 : i32
        %swap3A_597 = arith.index_cast %add3A_596 : i32 to index
        %swap3A_598 = tpu.vector_load %arg6[%swap3A_597] {strides = array<i32>} : memref<65536xf32, #tpu.memory_space<vmem>>, vector<16xf32>,
        tpu.vector_store %arg6[%swap3A_597], %get3A_594 {strides = array<i32>} : memref<65536xf32, #tpu.memory_space<vmem>>, vector<16xf32>,
        %add3A_599 = arith.constant 0 : i32
        %add3A_600 = arith.addi %add3A_539, %add3A_599 : i32
        %add3A_601 = arith.constant 80 : i32
        %add3A_602 = arith.addi %add3A_600, %add3A_601 : i32
        %multiple_of3A_603 = tpu.assume_multiple %add3A_602, 16 : i32
        %get3A_604 = arith.index_cast %multiple_of3A_603 : i32 to index
        %get3A_605 = tpu.vector_load %arg5[%get3A_604] {strides = array<i32>} : memref<16384xf32, #tpu.memory_space<vmem>>, vector<16xf32>,
        %add3A_606 = arith.constant 80 : i32
        %add3A_607 = arith.addi %add3A_544, %add3A_606 : i32
        %swap3A_608 = arith.index_cast %add3A_607 : i32 to index
        %swap3A_609 = tpu.vector_load %arg6[%swap3A_608] {strides = array<i32>} : memref<65536xf32, #tpu.memory_space<vmem>>, vector<16xf32>,
        tpu.vector_store %arg6[%swap3A_608], %get3A_605 {strides = array<i32>} : memref<65536xf32, #tpu.memory_space<vmem>>, vector<16xf32>,
        %add3A_610 = arith.constant 0 : i32
        %add3A_611 = arith.addi %add3A_539, %add3A_610 : i32
        %add3A_612 = arith.constant 96 : i32
        %add3A_613 = arith.addi %add3A_611, %add3A_612 : i32
        %multiple_of3A_614 = tpu.assume_multiple %add3A_613, 16 : i32
        %get3A_615 = arith.index_cast %multiple_of3A_614 : i32 to index
        %get3A_616 = tpu.vector_load %arg5[%get3A_615] {strides = array<i32>} : memref<16384xf32, #tpu.memory_space<vmem>>, vector<16xf32>,
        %add3A_617 = arith.constant 96 : i32
        %add3A_618 = arith.addi %add3A_544, %add3A_617 : i32
        %swap3A_619 = arith.index_cast %add3A_618 : i32 to index
        %swap3A_620 = tpu.vector_load %arg6[%swap3A_619] {strides = array<i32>} : memref<65536xf32, #tpu.memory_space<vmem>>, vector<16xf32>,
        tpu.vector_store %arg6[%swap3A_619], %get3A_616 {strides = array<i32>} : memref<65536xf32, #tpu.memory_space<vmem>>, vector<16xf32>,
        %add3A_621 = arith.constant 0 : i32
        %add3A_622 = arith.addi %add3A_539, %add3A_621 : i32
        %add3A_623 = arith.constant 112 : i32
        %add3A_624 = arith.addi %add3A_622, %add3A_623 : i32
        %multiple_of3A_625 = tpu.assume_multiple %add3A_624, 16 : i32
        %get3A_626 = arith.index_cast %multiple_of3A_625 : i32 to index
        %get3A_627 = tpu.vector_load %arg5[%get3A_626] {strides = array<i32>} : memref<16384xf32, #tpu.memory_space<vmem>>, vector<16xf32>,
        %add3A_628 = arith.constant 112 : i32
        %add3A_629 = arith.addi %add3A_544, %add3A_628 : i32
        %swap3A_630 = arith.index_cast %add3A_629 : i32 to index
        %swap3A_631 = tpu.vector_load %arg6[%swap3A_630] {strides = array<i32>} : memref<65536xf32, #tpu.memory_space<vmem>>, vector<16xf32>,
        tpu.vector_store %arg6[%swap3A_630], %get3A_627 {strides = array<i32>} : memref<65536xf32, #tpu.memory_space<vmem>>, vector<16xf32>,
        %add3A_632 = arith.addi %add3A_543, %add3A_107 : i32
        %add3A_633 = arith.constant 128 : i32
        %add3A_634 = arith.addi %add3A_539, %add3A_633 : i32
        %add3A_635 = arith.constant 0 : i32
        %add3A_636 = arith.addi %add3A_634, %add3A_635 : i32
        %multiple_of3A_637 = tpu.assume_multiple %add3A_636, 16 : i32
        %get3A_638 = arith.index_cast %multiple_of3A_637 : i32 to index
        %get3A_639 = tpu.vector_load %arg5[%get3A_638] {strides = array<i32>} : memref<16384xf32, #tpu.memory_space<vmem>>, vector<16xf32>,
        %add3A_640 = arith.constant 0 : i32
        %add3A_641 = arith.addi %add3A_632, %add3A_640 : i32
        %swap3A_642 = arith.index_cast %add3A_641 : i32 to index
        %swap3A_643 = tpu.vector_load %arg6[%swap3A_642] {strides = array<i32>} : memref<65536xf32, #tpu.memory_space<vmem>>, vector<16xf32>,
        tpu.vector_store %arg6[%swap3A_642], %get3A_639 {strides = array<i32>} : memref<65536xf32, #tpu.memory_space<vmem>>, vector<16xf32>,
        %add3A_644 = arith.constant 128 : i32
        %add3A_645 = arith.addi %add3A_539, %add3A_644 : i32
        %add3A_646 = arith.constant 16 : i32
        %add3A_647 = arith.addi %add3A_645, %add3A_646 : i32
        %multiple_of3A_648 = tpu.assume_multiple %add3A_647, 16 : i32
        %get3A_649 = arith.index_cast %multiple_of3A_648 : i32 to index
        %get3A_650 = tpu.vector_load %arg5[%get3A_649] {strides = array<i32>} : memref<16384xf32, #tpu.memory_space<vmem>>, vector<16xf32>,
        %add3A_651 = arith.constant 16 : i32
        %add3A_652 = arith.addi %add3A_632, %add3A_651 : i32
        %swap3A_653 = arith.index_cast %add3A_652 : i32 to index
        %swap3A_654 = tpu.vector_load %arg6[%swap3A_653] {strides = array<i32>} : memref<65536xf32, #tpu.memory_space<vmem>>, vector<16xf32>,
        tpu.vector_store %arg6[%swap3A_653], %get3A_650 {strides = array<i32>} : memref<65536xf32, #tpu.memory_space<vmem>>, vector<16xf32>,
        %add3A_655 = arith.constant 128 : i32
        %add3A_656 = arith.addi %add3A_539, %add3A_655 : i32
        %add3A_657 = arith.constant 32 : i32
        %add3A_658 = arith.addi %add3A_656, %add3A_657 : i32
        %multiple_of3A_659 = tpu.assume_multiple %add3A_658, 16 : i32
        %get3A_660 = arith.index_cast %multiple_of3A_659 : i32 to index
        %get3A_661 = tpu.vector_load %arg5[%get3A_660] {strides = array<i32>} : memref<16384xf32, #tpu.memory_space<vmem>>, vector<16xf32>,
        %add3A_662 = arith.constant 32 : i32
        %add3A_663 = arith.addi %add3A_632, %add3A_662 : i32
        %swap3A_664 = arith.index_cast %add3A_663 : i32 to index
        %swap3A_665 = tpu.vector_load %arg6[%swap3A_664] {strides = array<i32>} : memref<65536xf32, #tpu.memory_space<vmem>>, vector<16xf32>,
        tpu.vector_store %arg6[%swap3A_664], %get3A_661 {strides = array<i32>} : memref<65536xf32, #tpu.memory_space<vmem>>, vector<16xf32>,
        %add3A_666 = arith.constant 128 : i32
        %add3A_667 = arith.addi %add3A_539, %add3A_666 : i32
        %add3A_668 = arith.constant 48 : i32
        %add3A_669 = arith.addi %add3A_667, %add3A_668 : i32
        %multiple_of3A_670 = tpu.assume_multiple %add3A_669, 16 : i32
        %get3A_671 = arith.index_cast %multiple_of3A_670 : i32 to index
        %get3A_672 = tpu.vector_load %arg5[%get3A_671] {strides = array<i32>} : memref<16384xf32, #tpu.memory_space<vmem>>, vector<16xf32>,
        %add3A_673 = arith.constant 48 : i32
        %add3A_674 = arith.addi %add3A_632, %add3A_673 : i32
        %swap3A_675 = arith.index_cast %add3A_674 : i32 to index
        %swap3A_676 = tpu.vector_load %arg6[%swap3A_675] {strides = array<i32>} : memref<65536xf32, #tpu.memory_space<vmem>>, vector<16xf32>,
        tpu.vector_store %arg6[%swap3A_675], %get3A_672 {strides = array<i32>} : memref<65536xf32, #tpu.memory_space<vmem>>, vector<16xf32>,
        %add3A_677 = arith.constant 128 : i32
        %add3A_678 = arith.addi %add3A_539, %add3A_677 : i32
        %add3A_679 = arith.constant 64 : i32
        %add3A_680 = arith.addi %add3A_678, %add3A_679 : i32
        %multiple_of3A_681 = tpu.assume_multiple %add3A_680, 16 : i32
        %get3A_682 = arith.index_cast %multiple_of3A_681 : i32 to index
        %get3A_683 = tpu.vector_load %arg5[%get3A_682] {strides = array<i32>} : memref<16384xf32, #tpu.memory_space<vmem>>, vector<16xf32>,
        %add3A_684 = arith.constant 64 : i32
        %add3A_685 = arith.addi %add3A_632, %add3A_684 : i32
        %swap3A_686 = arith.index_cast %add3A_685 : i32 to index
        %swap3A_687 = tpu.vector_load %arg6[%swap3A_686] {strides = array<i32>} : memref<65536xf32, #tpu.memory_space<vmem>>, vector<16xf32>,
        tpu.vector_store %arg6[%swap3A_686], %get3A_683 {strides = array<i32>} : memref<65536xf32, #tpu.memory_space<vmem>>, vector<16xf32>,
        %add3A_688 = arith.constant 128 : i32
        %add3A_689 = arith.addi %add3A_539, %add3A_688 : i32
        %add3A_690 = arith.constant 80 : i32
        %add3A_691 = arith.addi %add3A_689, %add3A_690 : i32
        %multiple_of3A_692 = tpu.assume_multiple %add3A_691, 16 : i32
        %get3A_693 = arith.index_cast %multiple_of3A_692 : i32 to index
        %get3A_694 = tpu.vector_load %arg5[%get3A_693] {strides = array<i32>} : memref<16384xf32, #tpu.memory_space<vmem>>, vector<16xf32>,
        %add3A_695 = arith.constant 80 : i32
        %add3A_696 = arith.addi %add3A_632, %add3A_695 : i32
        %swap3A_697 = arith.index_cast %add3A_696 : i32 to index
        %swap3A_698 = tpu.vector_load %arg6[%swap3A_697] {strides = array<i32>} : memref<65536xf32, #tpu.memory_space<vmem>>, vector<16xf32>,
        tpu.vector_store %arg6[%swap3A_697], %get3A_694 {strides = array<i32>} : memref<65536xf32, #tpu.memory_space<vmem>>, vector<16xf32>,
        %add3A_699 = arith.constant 128 : i32
        %add3A_700 = arith.addi %add3A_539, %add3A_699 : i32
        %add3A_701 = arith.constant 96 : i32
        %add3A_702 = arith.addi %add3A_700, %add3A_701 : i32
        %multiple_of3A_703 = tpu.assume_multiple %add3A_702, 16 : i32
        %get3A_704 = arith.index_cast %multiple_of3A_703 : i32 to index
        %get3A_705 = tpu.vector_load %arg5[%get3A_704] {strides = array<i32>} : memref<16384xf32, #tpu.memory_space<vmem>>, vector<16xf32>,
        %add3A_706 = arith.constant 96 : i32
        %add3A_707 = arith.addi %add3A_632, %add3A_706 : i32
        %swap3A_708 = arith.index_cast %add3A_707 : i32 to index
        %swap3A_709 = tpu.vector_load %arg6[%swap3A_708] {strides = array<i32>} : memref<65536xf32, #tpu.memory_space<vmem>>, vector<16xf32>,
        tpu.vector_store %arg6[%swap3A_708], %get3A_705 {strides = array<i32>} : memref<65536xf32, #tpu.memory_space<vmem>>, vector<16xf32>,
        %add3A_710 = arith.constant 128 : i32
        %add3A_711 = arith.addi %add3A_539, %add3A_710 : i32
        %add3A_712 = arith.constant 112 : i32
        %add3A_713 = arith.addi %add3A_711, %add3A_712 : i32
        %multiple_of3A_714 = tpu.assume_multiple %add3A_713, 16 : i32
        %get3A_715 = arith.index_cast %multiple_of3A_714 : i32 to index
        %get3A_716 = tpu.vector_load %arg5[%get3A_715] {strides = array<i32>} : memref<16384xf32, #tpu.memory_space<vmem>>, vector<16xf32>,
        %add3A_717 = arith.constant 112 : i32
        %add3A_718 = arith.addi %add3A_632, %add3A_717 : i32
        %swap3A_719 = arith.index_cast %add3A_718 : i32 to index
        %swap3A_720 = tpu.vector_load %arg6[%swap3A_719] {strides = array<i32>} : memref<65536xf32, #tpu.memory_space<vmem>>, vector<16xf32>,
        tpu.vector_store %arg6[%swap3A_719], %get3A_716 {strides = array<i32>} : memref<65536xf32, #tpu.memory_space<vmem>>, vector<16xf32>,
        %add3A_721 = arith.addi %add3A_543, %add3A_166 : i32
        %add3A_722 = arith.constant 256 : i32
        %add3A_723 = arith.addi %add3A_539, %add3A_722 : i32
        %add3A_724 = arith.constant 0 : i32
        %add3A_725 = arith.addi %add3A_723, %add3A_724 : i32
        %multiple_of3A_726 = tpu.assume_multiple %add3A_725, 16 : i32
        %get3A_727 = arith.index_cast %multiple_of3A_726 : i32 to index
        %get3A_728 = tpu.vector_load %arg5[%get3A_727] {strides = array<i32>} : memref<16384xf32, #tpu.memory_space<vmem>>, vector<16xf32>,
        %add3A_729 = arith.constant 0 : i32
        %add3A_730 = arith.addi %add3A_721, %add3A_729 : i32
        %swap3A_731 = arith.index_cast %add3A_730 : i32 to index
        %swap3A_732 = tpu.vector_load %arg6[%swap3A_731] {strides = array<i32>} : memref<65536xf32, #tpu.memory_space<vmem>>, vector<16xf32>,
        tpu.vector_store %arg6[%swap3A_731], %get3A_728 {strides = array<i32>} : memref<65536xf32, #tpu.memory_space<vmem>>, vector<16xf32>,
        %add3A_733 = arith.constant 256 : i32
        %add3A_734 = arith.addi %add3A_539, %add3A_733 : i32
        %add3A_735 = arith.constant 16 : i32
        %add3A_736 = arith.addi %add3A_734, %add3A_735 : i32
        %multiple_of3A_737 = tpu.assume_multiple %add3A_736, 16 : i32
        %get3A_738 = arith.index_cast %multiple_of3A_737 : i32 to index
        %get3A_739 = tpu.vector_load %arg5[%get3A_738] {strides = array<i32>} : memref<16384xf32, #tpu.memory_space<vmem>>, vector<16xf32>,
        %add3A_740 = arith.constant 16 : i32
        %add3A_741 = arith.addi %add3A_721, %add3A_740 : i32
        %swap3A_742 = arith.index_cast %add3A_741 : i32 to index
        %swap3A_743 = tpu.vector_load %arg6[%swap3A_742] {strides = array<i32>} : memref<65536xf32, #tpu.memory_space<vmem>>, vector<16xf32>,
        tpu.vector_store %arg6[%swap3A_742], %get3A_739 {strides = array<i32>} : memref<65536xf32, #tpu.memory_space<vmem>>, vector<16xf32>,
        %add3A_744 = arith.constant 256 : i32
        %add3A_745 = arith.addi %add3A_539, %add3A_744 : i32
        %add3A_746 = arith.constant 32 : i32
        %add3A_747 = arith.addi %add3A_745, %add3A_746 : i32
        %multiple_of3A_748 = tpu.assume_multiple %add3A_747, 16 : i32
        %get3A_749 = arith.index_cast %multiple_of3A_748 : i32 to index
        %get3A_750 = tpu.vector_load %arg5[%get3A_749] {strides = array<i32>} : memref<16384xf32, #tpu.memory_space<vmem>>, vector<16xf32>,
        %add3A_751 = arith.constant 32 : i32
        %add3A_752 = arith.addi %add3A_721, %add3A_751 : i32
        %swap3A_753 = arith.index_cast %add3A_752 : i32 to index
        %swap3A_754 = tpu.vector_load %arg6[%swap3A_753] {strides = array<i32>} : memref<65536xf32, #tpu.memory_space<vmem>>, vector<16xf32>,
        tpu.vector_store %arg6[%swap3A_753], %get3A_750 {strides = array<i32>} : memref<65536xf32, #tpu.memory_space<vmem>>, vector<16xf32>,
        %add3A_755 = arith.constant 256 : i32
        %add3A_756 = arith.addi %add3A_539, %add3A_755 : i32
        %add3A_757 = arith.constant 48 : i32
        %add3A_758 = arith.addi %add3A_756, %add3A_757 : i32
        %multiple_of3A_759 = tpu.assume_multiple %add3A_758, 16 : i32
        %get3A_760 = arith.index_cast %multiple_of3A_759 : i32 to index
        %get3A_761 = tpu.vector_load %arg5[%get3A_760] {strides = array<i32>} : memref<16384xf32, #tpu.memory_space<vmem>>, vector<16xf32>,
        %add3A_762 = arith.constant 48 : i32
        %add3A_763 = arith.addi %add3A_721, %add3A_762 : i32
        %swap3A_764 = arith.index_cast %add3A_763 : i32 to index
        %swap3A_765 = tpu.vector_load %arg6[%swap3A_764] {strides = array<i32>} : memref<65536xf32, #tpu.memory_space<vmem>>, vector<16xf32>,
        tpu.vector_store %arg6[%swap3A_764], %get3A_761 {strides = array<i32>} : memref<65536xf32, #tpu.memory_space<vmem>>, vector<16xf32>,
        %add3A_766 = arith.constant 256 : i32
        %add3A_767 = arith.addi %add3A_539, %add3A_766 : i32
        %add3A_768 = arith.constant 64 : i32
        %add3A_769 = arith.addi %add3A_767, %add3A_768 : i32
        %multiple_of3A_770 = tpu.assume_multiple %add3A_769, 16 : i32
        %get3A_771 = arith.index_cast %multiple_of3A_770 : i32 to index
        %get3A_772 = tpu.vector_load %arg5[%get3A_771] {strides = array<i32>} : memref<16384xf32, #tpu.memory_space<vmem>>, vector<16xf32>,
        %add3A_773 = arith.constant 64 : i32
        %add3A_774 = arith.addi %add3A_721, %add3A_773 : i32
        %swap3A_775 = arith.index_cast %add3A_774 : i32 to index
        %swap3A_776 = tpu.vector_load %arg6[%swap3A_775] {strides = array<i32>} : memref<65536xf32, #tpu.memory_space<vmem>>, vector<16xf32>,
        tpu.vector_store %arg6[%swap3A_775], %get3A_772 {strides = array<i32>} : memref<65536xf32, #tpu.memory_space<vmem>>, vector<16xf32>,
        %add3A_777 = arith.constant 256 : i32
        %add3A_778 = arith.addi %add3A_539, %add3A_777 : i32
        %add3A_779 = arith.constant 80 : i32
        %add3A_780 = arith.addi %add3A_778, %add3A_779 : i32
        %multiple_of3A_781 = tpu.assume_multiple %add3A_780, 16 : i32
        %get3A_782 = arith.index_cast %multiple_of3A_781 : i32 to index
        %get3A_783 = tpu.vector_load %arg5[%get3A_782] {strides = array<i32>} : memref<16384xf32, #tpu.memory_space<vmem>>, vector<16xf32>,
        %add3A_784 = arith.constant 80 : i32
        %add3A_785 = arith.addi %add3A_721, %add3A_784 : i32
        %swap3A_786 = arith.index_cast %add3A_785 : i32 to index
        %swap3A_787 = tpu.vector_load %arg6[%swap3A_786] {strides = array<i32>} : memref<65536xf32, #tpu.memory_space<vmem>>, vector<16xf32>,
        tpu.vector_store %arg6[%swap3A_786], %get3A_783 {strides = array<i32>} : memref<65536xf32, #tpu.memory_space<vmem>>, vector<16xf32>,
        %add3A_788 = arith.constant 256 : i32
        %add3A_789 = arith.addi %add3A_539, %add3A_788 : i32
        %add3A_790 = arith.constant 96 : i32
        %add3A_791 = arith.addi %add3A_789, %add3A_790 : i32
        %multiple_of3A_792 = tpu.assume_multiple %add3A_791, 16 : i32
        %get3A_793 = arith.index_cast %multiple_of3A_792 : i32 to index
        %get3A_794 = tpu.vector_load %arg5[%get3A_793] {strides = array<i32>} : memref<16384xf32, #tpu.memory_space<vmem>>, vector<16xf32>,
        %add3A_795 = arith.constant 96 : i32
        %add3A_796 = arith.addi %add3A_721, %add3A_795 : i32
        %swap3A_797 = arith.index_cast %add3A_796 : i32 to index
        %swap3A_798 = tpu.vector_load %arg6[%swap3A_797] {strides = array<i32>} : memref<65536xf32, #tpu.memory_space<vmem>>, vector<16xf32>,
        tpu.vector_store %arg6[%swap3A_797], %get3A_794 {strides = array<i32>} : memref<65536xf32, #tpu.memory_space<vmem>>, vector<16xf32>,
        %add3A_799 = arith.constant 256 : i32
        %add3A_800 = arith.addi %add3A_539, %add3A_799 : i32
        %add3A_801 = arith.constant 112 : i32
        %add3A_802 = arith.addi %add3A_800, %add3A_801 : i32
        %multiple_of3A_803 = tpu.assume_multiple %add3A_802, 16 : i32
        %get3A_804 = arith.index_cast %multiple_of3A_803 : i32 to index
        %get3A_805 = tpu.vector_load %arg5[%get3A_804] {strides = array<i32>} : memref<16384xf32, #tpu.memory_space<vmem>>, vector<16xf32>,
        %add3A_806 = arith.constant 112 : i32
        %add3A_807 = arith.addi %add3A_721, %add3A_806 : i32
        %swap3A_808 = arith.index_cast %add3A_807 : i32 to index
        %swap3A_809 = tpu.vector_load %arg6[%swap3A_808] {strides = array<i32>} : memref<65536xf32, #tpu.memory_space<vmem>>, vector<16xf32>,
        tpu.vector_store %arg6[%swap3A_808], %get3A_805 {strides = array<i32>} : memref<65536xf32, #tpu.memory_space<vmem>>, vector<16xf32>,
        %add3A_810 = arith.addi %add3A_543, %add3A_225 : i32
        %add3A_811 = arith.constant 384 : i32
        %add3A_812 = arith.addi %add3A_539, %add3A_811 : i32
        %add3A_813 = arith.constant 0 : i32
        %add3A_814 = arith.addi %add3A_812, %add3A_813 : i32
        %multiple_of3A_815 = tpu.assume_multiple %add3A_814, 16 : i32
        %get3A_816 = arith.index_cast %multiple_of3A_815 : i32 to index
        %get3A_817 = tpu.vector_load %arg5[%get3A_816] {strides = array<i32>} : memref<16384xf32, #tpu.memory_space<vmem>>, vector<16xf32>,
        %add3A_818 = arith.constant 0 : i32
        %add3A_819 = arith.addi %add3A_810, %add3A_818 : i32
        %swap3A_820 = arith.index_cast %add3A_819 : i32 to index
        %swap3A_821 = tpu.vector_load %arg6[%swap3A_820] {strides = array<i32>} : memref<65536xf32, #tpu.memory_space<vmem>>, vector<16xf32>,
        tpu.vector_store %arg6[%swap3A_820], %get3A_817 {strides = array<i32>} : memref<65536xf32, #tpu.memory_space<vmem>>, vector<16xf32>,
        %add3A_822 = arith.constant 384 : i32
        %add3A_823 = arith.addi %add3A_539, %add3A_822 : i32
        %add3A_824 = arith.constant 16 : i32
        %add3A_825 = arith.addi %add3A_823, %add3A_824 : i32
        %multiple_of3A_826 = tpu.assume_multiple %add3A_825, 16 : i32
        %get3A_827 = arith.index_cast %multiple_of3A_826 : i32 to index
        %get3A_828 = tpu.vector_load %arg5[%get3A_827] {strides = array<i32>} : memref<16384xf32, #tpu.memory_space<vmem>>, vector<16xf32>,
        %add3A_829 = arith.constant 16 : i32
        %add3A_830 = arith.addi %add3A_810, %add3A_829 : i32
        %swap3A_831 = arith.index_cast %add3A_830 : i32 to index
        %swap3A_832 = tpu.vector_load %arg6[%swap3A_831] {strides = array<i32>} : memref<65536xf32, #tpu.memory_space<vmem>>, vector<16xf32>,
        tpu.vector_store %arg6[%swap3A_831], %get3A_828 {strides = array<i32>} : memref<65536xf32, #tpu.memory_space<vmem>>, vector<16xf32>,
        %add3A_833 = arith.constant 384 : i32
        %add3A_834 = arith.addi %add3A_539, %add3A_833 : i32
        %add3A_835 = arith.constant 32 : i32
        %add3A_836 = arith.addi %add3A_834, %add3A_835 : i32
        %multiple_of3A_837 = tpu.assume_multiple %add3A_836, 16 : i32
        %get3A_838 = arith.index_cast %multiple_of3A_837 : i32 to index
        %get3A_839 = tpu.vector_load %arg5[%get3A_838] {strides = array<i32>} : memref<16384xf32, #tpu.memory_space<vmem>>, vector<16xf32>,
        %add3A_840 = arith.constant 32 : i32
        %add3A_841 = arith.addi %add3A_810, %add3A_840 : i32
        %swap3A_842 = arith.index_cast %add3A_841 : i32 to index
        %swap3A_843 = tpu.vector_load %arg6[%swap3A_842] {strides = array<i32>} : memref<65536xf32, #tpu.memory_space<vmem>>, vector<16xf32>,
        tpu.vector_store %arg6[%swap3A_842], %get3A_839 {strides = array<i32>} : memref<65536xf32, #tpu.memory_space<vmem>>, vector<16xf32>,
        %add3A_844 = arith.constant 384 : i32
        %add3A_845 = arith.addi %add3A_539, %add3A_844 : i32
        %add3A_846 = arith.constant 48 : i32
        %add3A_847 = arith.addi %add3A_845, %add3A_846 : i32
        %multiple_of3A_848 = tpu.assume_multiple %add3A_847, 16 : i32
        %get3A_849 = arith.index_cast %multiple_of3A_848 : i32 to index
        %get3A_850 = tpu.vector_load %arg5[%get3A_849] {strides = array<i32>} : memref<16384xf32, #tpu.memory_space<vmem>>, vector<16xf32>,
        %add3A_851 = arith.constant 48 : i32
        %add3A_852 = arith.addi %add3A_810, %add3A_851 : i32
        %swap3A_853 = arith.index_cast %add3A_852 : i32 to index
        %swap3A_854 = tpu.vector_load %arg6[%swap3A_853] {strides = array<i32>} : memref<65536xf32, #tpu.memory_space<vmem>>, vector<16xf32>,
        tpu.vector_store %arg6[%swap3A_853], %get3A_850 {strides = array<i32>} : memref<65536xf32, #tpu.memory_space<vmem>>, vector<16xf32>,
        %add3A_855 = arith.constant 384 : i32
        %add3A_856 = arith.addi %add3A_539, %add3A_855 : i32
        %add3A_857 = arith.constant 64 : i32
        %add3A_858 = arith.addi %add3A_856, %add3A_857 : i32
        %multiple_of3A_859 = tpu.assume_multiple %add3A_858, 16 : i32
        %get3A_860 = arith.index_cast %multiple_of3A_859 : i32 to index
        %get3A_861 = tpu.vector_load %arg5[%get3A_860] {strides = array<i32>} : memref<16384xf32, #tpu.memory_space<vmem>>, vector<16xf32>,
        %add3A_862 = arith.constant 64 : i32
        %add3A_863 = arith.addi %add3A_810, %add3A_862 : i32
        %swap3A_864 = arith.index_cast %add3A_863 : i32 to index
        %swap3A_865 = tpu.vector_load %arg6[%swap3A_864] {strides = array<i32>} : memref<65536xf32, #tpu.memory_space<vmem>>, vector<16xf32>,
        tpu.vector_store %arg6[%swap3A_864], %get3A_861 {strides = array<i32>} : memref<65536xf32, #tpu.memory_space<vmem>>, vector<16xf32>,
        %add3A_866 = arith.constant 384 : i32
        %add3A_867 = arith.addi %add3A_539, %add3A_866 : i32
        %add3A_868 = arith.constant 80 : i32
        %add3A_869 = arith.addi %add3A_867, %add3A_868 : i32
        %multiple_of3A_870 = tpu.assume_multiple %add3A_869, 16 : i32
        %get3A_871 = arith.index_cast %multiple_of3A_870 : i32 to index
        %get3A_872 = tpu.vector_load %arg5[%get3A_871] {strides = array<i32>} : memref<16384xf32, #tpu.memory_space<vmem>>, vector<16xf32>,
        %add3A_873 = arith.constant 80 : i32
        %add3A_874 = arith.addi %add3A_810, %add3A_873 : i32
        %swap3A_875 = arith.index_cast %add3A_874 : i32 to index
        %swap3A_876 = tpu.vector_load %arg6[%swap3A_875] {strides = array<i32>} : memref<65536xf32, #tpu.memory_space<vmem>>, vector<16xf32>,
        tpu.vector_store %arg6[%swap3A_875], %get3A_872 {strides = array<i32>} : memref<65536xf32, #tpu.memory_space<vmem>>, vector<16xf32>,
        %add3A_877 = arith.constant 384 : i32
        %add3A_878 = arith.addi %add3A_539, %add3A_877 : i32
        %add3A_879 = arith.constant 96 : i32
        %add3A_880 = arith.addi %add3A_878, %add3A_879 : i32
        %multiple_of3A_881 = tpu.assume_multiple %add3A_880, 16 : i32
        %get3A_882 = arith.index_cast %multiple_of3A_881 : i32 to index
        %get3A_883 = tpu.vector_load %arg5[%get3A_882] {strides = array<i32>} : memref<16384xf32, #tpu.memory_space<vmem>>, vector<16xf32>,
        %add3A_884 = arith.constant 96 : i32
        %add3A_885 = arith.addi %add3A_810, %add3A_884 : i32
        %swap3A_886 = arith.index_cast %add3A_885 : i32 to index
        %swap3A_887 = tpu.vector_load %arg6[%swap3A_886] {strides = array<i32>} : memref<65536xf32, #tpu.memory_space<vmem>>, vector<16xf32>,
        tpu.vector_store %arg6[%swap3A_886], %get3A_883 {strides = array<i32>} : memref<65536xf32, #tpu.memory_space<vmem>>, vector<16xf32>,
        %add3A_888 = arith.constant 384 : i32
        %add3A_889 = arith.addi %add3A_539, %add3A_888 : i32
        %add3A_890 = arith.constant 112 : i32
        %add3A_891 = arith.addi %add3A_889, %add3A_890 : i32
        %multiple_of3A_892 = tpu.assume_multiple %add3A_891, 16 : i32
        %get3A_893 = arith.index_cast %multiple_of3A_892 : i32 to index
        %get3A_894 = tpu.vector_load %arg5[%get3A_893] {strides = array<i32>} : memref<16384xf32, #tpu.memory_space<vmem>>, vector<16xf32>,
        %add3A_895 = arith.constant 112 : i32
        %add3A_896 = arith.addi %add3A_810, %add3A_895 : i32
        %swap3A_897 = arith.index_cast %add3A_896 : i32 to index
        %swap3A_898 = tpu.vector_load %arg6[%swap3A_897] {strides = array<i32>} : memref<65536xf32, #tpu.memory_space<vmem>>, vector<16xf32>,
        tpu.vector_store %arg6[%swap3A_897], %get3A_894 {strides = array<i32>} : memref<65536xf32, #tpu.memory_space<vmem>>, vector<16xf32>,
      }
      %scan3A_363 = arith.constant 8 : i32
      %mul3A_364 = arith.constant 128 : i32
      %mul3A_365 = arith.muli %add3A, %mul3A_364 : i32
      %mul3A_366 = arith.constant 1 : i32
      %mul3A_367 = arith.muli %add3A_333, %mul3A_366 : i32
      %add3A_368 = arith.addi %mul3A_365, %mul3A_367 : i32
      %mul3A_369 = arith.constant 16384 : i32
      %mul3A_370 = arith.muli %add3A_368, %mul3A_369 : i32
      %multiple_of3A_371 = tpu.assume_multiple %mul3A_370, 8 : i32
      %dma_start3A_372 = arith.constant 0 : i32
      %dma_start3A_373 = tpu.memref_slice %arg6[%dma_start3A_372] : memref<65536xf32, #tpu.memory_space<vmem>> -> memref<16384xf32, #tpu.memory_space<vmem>>
      %dma_start3A_374 = tpu.memref_slice %arg4[%multiple_of3A_371] : memref<67108864xf32, #tpu.memory_space<hbm>> -> memref<16384xf32, #tpu.memory_space<hbm>>
      %dma_start3A_375 = tpu.memref_slice %arg4[%multiple_of3A_371] : memref<67108864xf32, #tpu.memory_space<hbm>> -> memref<16384xf32, #tpu.memory_space<hbm>>
      %dma_start3A_376 = arith.constant 0 : i32
      %dma_start3A_377 = tpu.memref_slice %arg6[%dma_start3A_376] : memref<65536xf32, #tpu.memory_space<vmem>> -> memref<16384xf32, #tpu.memory_space<vmem>>
      tpu.enqueue_dma source(%dma_start3A_377 : memref<16384xf32, #tpu.memory_space<vmem>>) target(%dma_start3A_375 : memref<16384xf32, #tpu.memory_space<hbm>>) target_semaphore(%arg12 : memref<!tpu.dma_semaphore, #tpu.memory_space<semaphore_mem>>)
      %mul3A_378 = arith.constant 4 : i32
      %mul3A_379 = arith.muli %add3A_329, %mul3A_378 : i32
      %add3A_380 = arith.constant 1 : i32
      %add3A_381 = arith.addi %mul3A_379, %add3A_380 : i32
      %add3A_382 = arith.constant 4 : i32
      %add3A_383 = arith.addi %add3A_381, %add3A_382 : i32
      %sub3A_384 = arith.constant 1 : i32
      %sub3A_385 = arith.subi %add3A_383, %sub3A_384 : i32
      %lt3A_386 = arith.constant 128 : i32
      %lt3A_387 = arith.cmpi slt, %sub3A_385, %lt3A_386 : i32
      %convert_element_type3A_388 = arith.extui %lt3A_387 : i1 to i32
      %cond3A_389 = arith.constant 0 : i32
      %cond3A_390 = arith.cmpi ne, %convert_element_type3A_388, %cond3A_389 : i32
      scf.if %cond3A_390 {
        %add3A_531 = arith.constant 4 : i32
        %add3A_532 = arith.addi %add3A_381, %add3A_531 : i32
        %sub3A_533 = arith.constant 1 : i32
        %sub3A_534 = arith.subi %add3A_532, %sub3A_533 : i32
        %mul3A_535 = arith.constant 128 : i32
        %mul3A_536 = arith.muli %add3A, %mul3A_535 : i32
        %mul3A_537 = arith.constant 1 : i32
        %mul3A_538 = arith.muli %sub3A_534, %mul3A_537 : i32
        %add3A_539 = arith.addi %mul3A_536, %mul3A_538 : i32
        %mul3A_540 = arith.constant 4096 : i32
        %mul3A_541 = arith.muli %add3A_539, %mul3A_540 : i32
        %multiple_of3A_542 = tpu.assume_multiple %mul3A_541, 8 : i32
        %dma_start3A_543 = arith.constant 0 : i32
        %dma_start3A_544 = tpu.memref_slice %arg5[%dma_start3A_543] : memref<16384xf32, #tpu.memory_space<vmem>> -> memref<4096xf32, #tpu.memory_space<vmem>>
        %dma_start3A_545 = tpu.memref_slice %arg2[%multiple_of3A_542] : memref<16777216xf32, #tpu.memory_space<hbm>> -> memref<4096xf32, #tpu.memory_space<hbm>>
        %dma_start3A_546 = arith.constant 0 : i32
        %dma_start3A_547 = tpu.memref_slice %arg5[%dma_start3A_546] : memref<16384xf32, #tpu.memory_space<vmem>> -> memref<4096xf32, #tpu.memory_space<vmem>>
        %dma_start3A_548 = tpu.memref_slice %arg2[%multiple_of3A_542] : memref<16777216xf32, #tpu.memory_space<hbm>> -> memref<4096xf32, #tpu.memory_space<hbm>>
        tpu.enqueue_dma source(%dma_start3A_548 : memref<4096xf32, #tpu.memory_space<hbm>>) target(%dma_start3A_547 : memref<4096xf32, #tpu.memory_space<vmem>>) target_semaphore(%arg8 : memref<!tpu.dma_semaphore, #tpu.memory_space<semaphore_mem>>)
      } else {
      }
      %mul3A_391 = arith.constant 128 : i32
      %mul3A_392 = arith.muli %add3A, %mul3A_391 : i32
      %mul3A_393 = arith.constant 1 : i32
      %mul3A_394 = arith.muli %add3A_381, %mul3A_393 : i32
      %add3A_395 = arith.addi %mul3A_392, %mul3A_394 : i32
      %mul3A_396 = arith.constant 4096 : i32
      %mul3A_397 = arith.muli %add3A_395, %mul3A_396 : i32
      %multiple_of3A_398 = tpu.assume_multiple %mul3A_397, 8 : i32
      %dma_wait3A_399 = arith.constant 4096 : i32
      %dma_wait3A_400 = tpu.memref_slice %arg5[%dma_wait3A_399] : memref<16384xf32, #tpu.memory_space<vmem>> -> memref<4096xf32, #tpu.memory_space<vmem>>
      %dma_wait3A_401 = tpu.memref_slice %arg2[%multiple_of3A_398] : memref<16777216xf32, #tpu.memory_space<hbm>> -> memref<4096xf32, #tpu.memory_space<hbm>>
      %dma_wait3A_402 = arith.constant 4096 : i32
      %dma_wait3A_403 = tpu.memref_slice %arg5[%dma_wait3A_402] : memref<16384xf32, #tpu.memory_space<vmem>> -> memref<4096xf32, #tpu.memory_space<vmem>>
      %dma_wait3A_404 = tpu.memref_slice %arg2[%multiple_of3A_398] : memref<16777216xf32, #tpu.memory_space<hbm>> -> memref<4096xf32, #tpu.memory_space<hbm>>
      tpu.wait_dma2 semaphore(%arg9 : memref<!tpu.dma_semaphore, #tpu.memory_space<semaphore_mem>>) src(%dma_wait3A_404 : memref<4096xf32, #tpu.memory_space<hbm>>) dst(%dma_wait3A_403 : memref<4096xf32, #tpu.memory_space<vmem>>)
      %ge3A_405 = arith.constant 4 : i32
      %ge3A_406 = arith.cmpi sge, %add3A_381, %ge3A_405 : i32
      %convert_element_type3A_407 = arith.extui %ge3A_406 : i1 to i32
      %cond3A_408 = arith.constant 0 : i32
      %cond3A_409 = arith.cmpi ne, %convert_element_type3A_407, %cond3A_408 : i32
      scf.if %cond3A_409 {
        %sub3A_531 = arith.constant 4 : i32
        %sub3A_532 = arith.subi %add3A_381, %sub3A_531 : i32
        %mul3A_533 = arith.constant 128 : i32
        %mul3A_534 = arith.muli %add3A, %mul3A_533 : i32
        %mul3A_535 = arith.constant 1 : i32
        %mul3A_536 = arith.muli %sub3A_532, %mul3A_535 : i32
        %add3A_537 = arith.addi %mul3A_534, %mul3A_536 : i32
        %mul3A_538 = arith.constant 16384 : i32
        %mul3A_539 = arith.muli %add3A_537, %mul3A_538 : i32
        %multiple_of3A_540 = tpu.assume_multiple %mul3A_539, 8 : i32
        %dma_wait3A_541 = arith.constant 16384 : i32
        %dma_wait3A_542 = tpu.memref_slice %arg6[%dma_wait3A_541] : memref<65536xf32, #tpu.memory_space<vmem>> -> memref<16384xf32, #tpu.memory_space<vmem>>
        %dma_wait3A_543 = tpu.memref_slice %arg4[%multiple_of3A_540] : memref<67108864xf32, #tpu.memory_space<hbm>> -> memref<16384xf32, #tpu.memory_space<hbm>>
        %dma_wait3A_544 = tpu.memref_slice %arg4[%multiple_of3A_540] : memref<67108864xf32, #tpu.memory_space<hbm>> -> memref<16384xf32, #tpu.memory_space<hbm>>
        %dma_wait3A_545 = arith.constant 16384 : i32
        %dma_wait3A_546 = tpu.memref_slice %arg6[%dma_wait3A_545] : memref<65536xf32, #tpu.memory_space<vmem>> -> memref<16384xf32, #tpu.memory_space<vmem>>
        tpu.wait_dma2 semaphore(%arg13 : memref<!tpu.dma_semaphore, #tpu.memory_space<semaphore_mem>>) src(%dma_wait3A_546 : memref<16384xf32, #tpu.memory_space<vmem>>) dst(%dma_wait3A_544 : memref<16384xf32, #tpu.memory_space<hbm>>)
      } else {
      }
      %scan3A_410 = arith.constant 0 : i32
      %scan3A_411 = arith.constant 8 : i32
      %scan3A_412 = arith.addi %scan3A_410, %scan3A_411 : i32
      %scan3A_413 = arith.constant 1 : i32
      scf.for %scan3A_531 = %scan3A_410 to %scan3A_412 step %scan3A_413  : i32 {
        %mul3A_532 = arith.constant 1 : i32
        %mul3A_533 = arith.muli %scan3A_531, %mul3A_532 : i32
        %add3A_534 = arith.constant 0 : i32
        %add3A_535 = arith.addi %add3A_534, %mul3A_533 : i32
        %mul3A_536 = arith.constant 512 : i32
        %mul3A_537 = arith.muli %add3A_535, %mul3A_536 : i32
        %add3A_538 = arith.constant 4096 : i32
        %add3A_539 = arith.addi %add3A_538, %mul3A_537 : i32
        %mul3A_540 = arith.constant 1024 : i32
        %mul3A_541 = arith.muli %add3A_535, %mul3A_540 : i32
        %add3A_542 = arith.constant 16384 : i32
        %add3A_543 = arith.addi %add3A_542, %mul3A_541 : i32
        %add3A_544 = arith.addi %add3A_543, %add3A_48 : i32
        %add3A_545 = arith.constant 0 : i32
        %add3A_546 = arith.addi %add3A_539, %add3A_545 : i32
        %add3A_547 = arith.constant 0 : i32
        %add3A_548 = arith.addi %add3A_546, %add3A_547 : i32
        %multiple_of3A_549 = tpu.assume_multiple %add3A_548, 16 : i32
        %get3A_550 = arith.index_cast %multiple_of3A_549 : i32 to index
        %get3A_551 = tpu.vector_load %arg5[%get3A_550] {strides = array<i32>} : memref<16384xf32, #tpu.memory_space<vmem>>, vector<16xf32>,
        %add3A_552 = arith.constant 0 : i32
        %add3A_553 = arith.addi %add3A_544, %add3A_552 : i32
        %swap3A = arith.index_cast %add3A_553 : i32 to index
        %swap3A_554 = tpu.vector_load %arg6[%swap3A] {strides = array<i32>} : memref<65536xf32, #tpu.memory_space<vmem>>, vector<16xf32>,
        tpu.vector_store %arg6[%swap3A], %get3A_551 {strides = array<i32>} : memref<65536xf32, #tpu.memory_space<vmem>>, vector<16xf32>,
        %add3A_555 = arith.constant 0 : i32
        %add3A_556 = arith.addi %add3A_539, %add3A_555 : i32
        %add3A_557 = arith.constant 16 : i32
        %add3A_558 = arith.addi %add3A_556, %add3A_557 : i32
        %multiple_of3A_559 = tpu.assume_multiple %add3A_558, 16 : i32
        %get3A_560 = arith.index_cast %multiple_of3A_559 : i32 to index
        %get3A_561 = tpu.vector_load %arg5[%get3A_560] {strides = array<i32>} : memref<16384xf32, #tpu.memory_space<vmem>>, vector<16xf32>,
        %add3A_562 = arith.constant 16 : i32
        %add3A_563 = arith.addi %add3A_544, %add3A_562 : i32
        %swap3A_564 = arith.index_cast %add3A_563 : i32 to index
        %swap3A_565 = tpu.vector_load %arg6[%swap3A_564] {strides = array<i32>} : memref<65536xf32, #tpu.memory_space<vmem>>, vector<16xf32>,
        tpu.vector_store %arg6[%swap3A_564], %get3A_561 {strides = array<i32>} : memref<65536xf32, #tpu.memory_space<vmem>>, vector<16xf32>,
        %add3A_566 = arith.constant 0 : i32
        %add3A_567 = arith.addi %add3A_539, %add3A_566 : i32
        %add3A_568 = arith.constant 32 : i32
        %add3A_569 = arith.addi %add3A_567, %add3A_568 : i32
        %multiple_of3A_570 = tpu.assume_multiple %add3A_569, 16 : i32
        %get3A_571 = arith.index_cast %multiple_of3A_570 : i32 to index
        %get3A_572 = tpu.vector_load %arg5[%get3A_571] {strides = array<i32>} : memref<16384xf32, #tpu.memory_space<vmem>>, vector<16xf32>,
        %add3A_573 = arith.constant 32 : i32
        %add3A_574 = arith.addi %add3A_544, %add3A_573 : i32
        %swap3A_575 = arith.index_cast %add3A_574 : i32 to index
        %swap3A_576 = tpu.vector_load %arg6[%swap3A_575] {strides = array<i32>} : memref<65536xf32, #tpu.memory_space<vmem>>, vector<16xf32>,
        tpu.vector_store %arg6[%swap3A_575], %get3A_572 {strides = array<i32>} : memref<65536xf32, #tpu.memory_space<vmem>>, vector<16xf32>,
        %add3A_577 = arith.constant 0 : i32
        %add3A_578 = arith.addi %add3A_539, %add3A_577 : i32
        %add3A_579 = arith.constant 48 : i32
        %add3A_580 = arith.addi %add3A_578, %add3A_579 : i32
        %multiple_of3A_581 = tpu.assume_multiple %add3A_580, 16 : i32
        %get3A_582 = arith.index_cast %multiple_of3A_581 : i32 to index
        %get3A_583 = tpu.vector_load %arg5[%get3A_582] {strides = array<i32>} : memref<16384xf32, #tpu.memory_space<vmem>>, vector<16xf32>,
        %add3A_584 = arith.constant 48 : i32
        %add3A_585 = arith.addi %add3A_544, %add3A_584 : i32
        %swap3A_586 = arith.index_cast %add3A_585 : i32 to index
        %swap3A_587 = tpu.vector_load %arg6[%swap3A_586] {strides = array<i32>} : memref<65536xf32, #tpu.memory_space<vmem>>, vector<16xf32>,
        tpu.vector_store %arg6[%swap3A_586], %get3A_583 {strides = array<i32>} : memref<65536xf32, #tpu.memory_space<vmem>>, vector<16xf32>,
        %add3A_588 = arith.constant 0 : i32
        %add3A_589 = arith.addi %add3A_539, %add3A_588 : i32
        %add3A_590 = arith.constant 64 : i32
        %add3A_591 = arith.addi %add3A_589, %add3A_590 : i32
        %multiple_of3A_592 = tpu.assume_multiple %add3A_591, 16 : i32
        %get3A_593 = arith.index_cast %multiple_of3A_592 : i32 to index
        %get3A_594 = tpu.vector_load %arg5[%get3A_593] {strides = array<i32>} : memref<16384xf32, #tpu.memory_space<vmem>>, vector<16xf32>,
        %add3A_595 = arith.constant 64 : i32
        %add3A_596 = arith.addi %add3A_544, %add3A_595 : i32
        %swap3A_597 = arith.index_cast %add3A_596 : i32 to index
        %swap3A_598 = tpu.vector_load %arg6[%swap3A_597] {strides = array<i32>} : memref<65536xf32, #tpu.memory_space<vmem>>, vector<16xf32>,
        tpu.vector_store %arg6[%swap3A_597], %get3A_594 {strides = array<i32>} : memref<65536xf32, #tpu.memory_space<vmem>>, vector<16xf32>,
        %add3A_599 = arith.constant 0 : i32
        %add3A_600 = arith.addi %add3A_539, %add3A_599 : i32
        %add3A_601 = arith.constant 80 : i32
        %add3A_602 = arith.addi %add3A_600, %add3A_601 : i32
        %multiple_of3A_603 = tpu.assume_multiple %add3A_602, 16 : i32
        %get3A_604 = arith.index_cast %multiple_of3A_603 : i32 to index
        %get3A_605 = tpu.vector_load %arg5[%get3A_604] {strides = array<i32>} : memref<16384xf32, #tpu.memory_space<vmem>>, vector<16xf32>,
        %add3A_606 = arith.constant 80 : i32
        %add3A_607 = arith.addi %add3A_544, %add3A_606 : i32
        %swap3A_608 = arith.index_cast %add3A_607 : i32 to index
        %swap3A_609 = tpu.vector_load %arg6[%swap3A_608] {strides = array<i32>} : memref<65536xf32, #tpu.memory_space<vmem>>, vector<16xf32>,
        tpu.vector_store %arg6[%swap3A_608], %get3A_605 {strides = array<i32>} : memref<65536xf32, #tpu.memory_space<vmem>>, vector<16xf32>,
        %add3A_610 = arith.constant 0 : i32
        %add3A_611 = arith.addi %add3A_539, %add3A_610 : i32
        %add3A_612 = arith.constant 96 : i32
        %add3A_613 = arith.addi %add3A_611, %add3A_612 : i32
        %multiple_of3A_614 = tpu.assume_multiple %add3A_613, 16 : i32
        %get3A_615 = arith.index_cast %multiple_of3A_614 : i32 to index
        %get3A_616 = tpu.vector_load %arg5[%get3A_615] {strides = array<i32>} : memref<16384xf32, #tpu.memory_space<vmem>>, vector<16xf32>,
        %add3A_617 = arith.constant 96 : i32
        %add3A_618 = arith.addi %add3A_544, %add3A_617 : i32
        %swap3A_619 = arith.index_cast %add3A_618 : i32 to index
        %swap3A_620 = tpu.vector_load %arg6[%swap3A_619] {strides = array<i32>} : memref<65536xf32, #tpu.memory_space<vmem>>, vector<16xf32>,
        tpu.vector_store %arg6[%swap3A_619], %get3A_616 {strides = array<i32>} : memref<65536xf32, #tpu.memory_space<vmem>>, vector<16xf32>,
        %add3A_621 = arith.constant 0 : i32
        %add3A_622 = arith.addi %add3A_539, %add3A_621 : i32
        %add3A_623 = arith.constant 112 : i32
        %add3A_624 = arith.addi %add3A_622, %add3A_623 : i32
        %multiple_of3A_625 = tpu.assume_multiple %add3A_624, 16 : i32
        %get3A_626 = arith.index_cast %multiple_of3A_625 : i32 to index
        %get3A_627 = tpu.vector_load %arg5[%get3A_626] {strides = array<i32>} : memref<16384xf32, #tpu.memory_space<vmem>>, vector<16xf32>,
        %add3A_628 = arith.constant 112 : i32
        %add3A_629 = arith.addi %add3A_544, %add3A_628 : i32
        %swap3A_630 = arith.index_cast %add3A_629 : i32 to index
        %swap3A_631 = tpu.vector_load %arg6[%swap3A_630] {strides = array<i32>} : memref<65536xf32, #tpu.memory_space<vmem>>, vector<16xf32>,
        tpu.vector_store %arg6[%swap3A_630], %get3A_627 {strides = array<i32>} : memref<65536xf32, #tpu.memory_space<vmem>>, vector<16xf32>,
        %add3A_632 = arith.addi %add3A_543, %add3A_107 : i32
        %add3A_633 = arith.constant 128 : i32
        %add3A_634 = arith.addi %add3A_539, %add3A_633 : i32
        %add3A_635 = arith.constant 0 : i32
        %add3A_636 = arith.addi %add3A_634, %add3A_635 : i32
        %multiple_of3A_637 = tpu.assume_multiple %add3A_636, 16 : i32
        %get3A_638 = arith.index_cast %multiple_of3A_637 : i32 to index
        %get3A_639 = tpu.vector_load %arg5[%get3A_638] {strides = array<i32>} : memref<16384xf32, #tpu.memory_space<vmem>>, vector<16xf32>,
        %add3A_640 = arith.constant 0 : i32
        %add3A_641 = arith.addi %add3A_632, %add3A_640 : i32
        %swap3A_642 = arith.index_cast %add3A_641 : i32 to index
        %swap3A_643 = tpu.vector_load %arg6[%swap3A_642] {strides = array<i32>} : memref<65536xf32, #tpu.memory_space<vmem>>, vector<16xf32>,
        tpu.vector_store %arg6[%swap3A_642], %get3A_639 {strides = array<i32>} : memref<65536xf32, #tpu.memory_space<vmem>>, vector<16xf32>,
        %add3A_644 = arith.constant 128 : i32
        %add3A_645 = arith.addi %add3A_539, %add3A_644 : i32
        %add3A_646 = arith.constant 16 : i32
        %add3A_647 = arith.addi %add3A_645, %add3A_646 : i32
        %multiple_of3A_648 = tpu.assume_multiple %add3A_647, 16 : i32
        %get3A_649 = arith.index_cast %multiple_of3A_648 : i32 to index
        %get3A_650 = tpu.vector_load %arg5[%get3A_649] {strides = array<i32>} : memref<16384xf32, #tpu.memory_space<vmem>>, vector<16xf32>,
        %add3A_651 = arith.constant 16 : i32
        %add3A_652 = arith.addi %add3A_632, %add3A_651 : i32
        %swap3A_653 = arith.index_cast %add3A_652 : i32 to index
        %swap3A_654 = tpu.vector_load %arg6[%swap3A_653] {strides = array<i32>} : memref<65536xf32, #tpu.memory_space<vmem>>, vector<16xf32>,
        tpu.vector_store %arg6[%swap3A_653], %get3A_650 {strides = array<i32>} : memref<65536xf32, #tpu.memory_space<vmem>>, vector<16xf32>,
        %add3A_655 = arith.constant 128 : i32
        %add3A_656 = arith.addi %add3A_539, %add3A_655 : i32
        %add3A_657 = arith.constant 32 : i32
        %add3A_658 = arith.addi %add3A_656, %add3A_657 : i32
        %multiple_of3A_659 = tpu.assume_multiple %add3A_658, 16 : i32
        %get3A_660 = arith.index_cast %multiple_of3A_659 : i32 to index
        %get3A_661 = tpu.vector_load %arg5[%get3A_660] {strides = array<i32>} : memref<16384xf32, #tpu.memory_space<vmem>>, vector<16xf32>,
        %add3A_662 = arith.constant 32 : i32
        %add3A_663 = arith.addi %add3A_632, %add3A_662 : i32
        %swap3A_664 = arith.index_cast %add3A_663 : i32 to index
        %swap3A_665 = tpu.vector_load %arg6[%swap3A_664] {strides = array<i32>} : memref<65536xf32, #tpu.memory_space<vmem>>, vector<16xf32>,
        tpu.vector_store %arg6[%swap3A_664], %get3A_661 {strides = array<i32>} : memref<65536xf32, #tpu.memory_space<vmem>>, vector<16xf32>,
        %add3A_666 = arith.constant 128 : i32
        %add3A_667 = arith.addi %add3A_539, %add3A_666 : i32
        %add3A_668 = arith.constant 48 : i32
        %add3A_669 = arith.addi %add3A_667, %add3A_668 : i32
        %multiple_of3A_670 = tpu.assume_multiple %add3A_669, 16 : i32
        %get3A_671 = arith.index_cast %multiple_of3A_670 : i32 to index
        %get3A_672 = tpu.vector_load %arg5[%get3A_671] {strides = array<i32>} : memref<16384xf32, #tpu.memory_space<vmem>>, vector<16xf32>,
        %add3A_673 = arith.constant 48 : i32
        %add3A_674 = arith.addi %add3A_632, %add3A_673 : i32
        %swap3A_675 = arith.index_cast %add3A_674 : i32 to index
        %swap3A_676 = tpu.vector_load %arg6[%swap3A_675] {strides = array<i32>} : memref<65536xf32, #tpu.memory_space<vmem>>, vector<16xf32>,
        tpu.vector_store %arg6[%swap3A_675], %get3A_672 {strides = array<i32>} : memref<65536xf32, #tpu.memory_space<vmem>>, vector<16xf32>,
        %add3A_677 = arith.constant 128 : i32
        %add3A_678 = arith.addi %add3A_539, %add3A_677 : i32
        %add3A_679 = arith.constant 64 : i32
        %add3A_680 = arith.addi %add3A_678, %add3A_679 : i32
        %multiple_of3A_681 = tpu.assume_multiple %add3A_680, 16 : i32
        %get3A_682 = arith.index_cast %multiple_of3A_681 : i32 to index
        %get3A_683 = tpu.vector_load %arg5[%get3A_682] {strides = array<i32>} : memref<16384xf32, #tpu.memory_space<vmem>>, vector<16xf32>,
        %add3A_684 = arith.constant 64 : i32
        %add3A_685 = arith.addi %add3A_632, %add3A_684 : i32
        %swap3A_686 = arith.index_cast %add3A_685 : i32 to index
        %swap3A_687 = tpu.vector_load %arg6[%swap3A_686] {strides = array<i32>} : memref<65536xf32, #tpu.memory_space<vmem>>, vector<16xf32>,
        tpu.vector_store %arg6[%swap3A_686], %get3A_683 {strides = array<i32>} : memref<65536xf32, #tpu.memory_space<vmem>>, vector<16xf32>,
        %add3A_688 = arith.constant 128 : i32
        %add3A_689 = arith.addi %add3A_539, %add3A_688 : i32
        %add3A_690 = arith.constant 80 : i32
        %add3A_691 = arith.addi %add3A_689, %add3A_690 : i32
        %multiple_of3A_692 = tpu.assume_multiple %add3A_691, 16 : i32
        %get3A_693 = arith.index_cast %multiple_of3A_692 : i32 to index
        %get3A_694 = tpu.vector_load %arg5[%get3A_693] {strides = array<i32>} : memref<16384xf32, #tpu.memory_space<vmem>>, vector<16xf32>,
        %add3A_695 = arith.constant 80 : i32
        %add3A_696 = arith.addi %add3A_632, %add3A_695 : i32
        %swap3A_697 = arith.index_cast %add3A_696 : i32 to index
        %swap3A_698 = tpu.vector_load %arg6[%swap3A_697] {strides = array<i32>} : memref<65536xf32, #tpu.memory_space<vmem>>, vector<16xf32>,
        tpu.vector_store %arg6[%swap3A_697], %get3A_694 {strides = array<i32>} : memref<65536xf32, #tpu.memory_space<vmem>>, vector<16xf32>,
        %add3A_699 = arith.constant 128 : i32
        %add3A_700 = arith.addi %add3A_539, %add3A_699 : i32
        %add3A_701 = arith.constant 96 : i32
        %add3A_702 = arith.addi %add3A_700, %add3A_701 : i32
        %multiple_of3A_703 = tpu.assume_multiple %add3A_702, 16 : i32
        %get3A_704 = arith.index_cast %multiple_of3A_703 : i32 to index
        %get3A_705 = tpu.vector_load %arg5[%get3A_704] {strides = array<i32>} : memref<16384xf32, #tpu.memory_space<vmem>>, vector<16xf32>,
        %add3A_706 = arith.constant 96 : i32
        %add3A_707 = arith.addi %add3A_632, %add3A_706 : i32
        %swap3A_708 = arith.index_cast %add3A_707 : i32 to index
        %swap3A_709 = tpu.vector_load %arg6[%swap3A_708] {strides = array<i32>} : memref<65536xf32, #tpu.memory_space<vmem>>, vector<16xf32>,
        tpu.vector_store %arg6[%swap3A_708], %get3A_705 {strides = array<i32>} : memref<65536xf32, #tpu.memory_space<vmem>>, vector<16xf32>,
        %add3A_710 = arith.constant 128 : i32
        %add3A_711 = arith.addi %add3A_539, %add3A_710 : i32
        %add3A_712 = arith.constant 112 : i32
        %add3A_713 = arith.addi %add3A_711, %add3A_712 : i32
        %multiple_of3A_714 = tpu.assume_multiple %add3A_713, 16 : i32
        %get3A_715 = arith.index_cast %multiple_of3A_714 : i32 to index
        %get3A_716 = tpu.vector_load %arg5[%get3A_715] {strides = array<i32>} : memref<16384xf32, #tpu.memory_space<vmem>>, vector<16xf32>,
        %add3A_717 = arith.constant 112 : i32
        %add3A_718 = arith.addi %add3A_632, %add3A_717 : i32
        %swap3A_719 = arith.index_cast %add3A_718 : i32 to index
        %swap3A_720 = tpu.vector_load %arg6[%swap3A_719] {strides = array<i32>} : memref<65536xf32, #tpu.memory_space<vmem>>, vector<16xf32>,
        tpu.vector_store %arg6[%swap3A_719], %get3A_716 {strides = array<i32>} : memref<65536xf32, #tpu.memory_space<vmem>>, vector<16xf32>,
        %add3A_721 = arith.addi %add3A_543, %add3A_166 : i32
        %add3A_722 = arith.constant 256 : i32
        %add3A_723 = arith.addi %add3A_539, %add3A_722 : i32
        %add3A_724 = arith.constant 0 : i32
        %add3A_725 = arith.addi %add3A_723, %add3A_724 : i32
        %multiple_of3A_726 = tpu.assume_multiple %add3A_725, 16 : i32
        %get3A_727 = arith.index_cast %multiple_of3A_726 : i32 to index
        %get3A_728 = tpu.vector_load %arg5[%get3A_727] {strides = array<i32>} : memref<16384xf32, #tpu.memory_space<vmem>>, vector<16xf32>,
        %add3A_729 = arith.constant 0 : i32
        %add3A_730 = arith.addi %add3A_721, %add3A_729 : i32
        %swap3A_731 = arith.index_cast %add3A_730 : i32 to index
        %swap3A_732 = tpu.vector_load %arg6[%swap3A_731] {strides = array<i32>} : memref<65536xf32, #tpu.memory_space<vmem>>, vector<16xf32>,
        tpu.vector_store %arg6[%swap3A_731], %get3A_728 {strides = array<i32>} : memref<65536xf32, #tpu.memory_space<vmem>>, vector<16xf32>,
        %add3A_733 = arith.constant 256 : i32
        %add3A_734 = arith.addi %add3A_539, %add3A_733 : i32
        %add3A_735 = arith.constant 16 : i32
        %add3A_736 = arith.addi %add3A_734, %add3A_735 : i32
        %multiple_of3A_737 = tpu.assume_multiple %add3A_736, 16 : i32
        %get3A_738 = arith.index_cast %multiple_of3A_737 : i32 to index
        %get3A_739 = tpu.vector_load %arg5[%get3A_738] {strides = array<i32>} : memref<16384xf32, #tpu.memory_space<vmem>>, vector<16xf32>,
        %add3A_740 = arith.constant 16 : i32
        %add3A_741 = arith.addi %add3A_721, %add3A_740 : i32
        %swap3A_742 = arith.index_cast %add3A_741 : i32 to index
        %swap3A_743 = tpu.vector_load %arg6[%swap3A_742] {strides = array<i32>} : memref<65536xf32, #tpu.memory_space<vmem>>, vector<16xf32>,
        tpu.vector_store %arg6[%swap3A_742], %get3A_739 {strides = array<i32>} : memref<65536xf32, #tpu.memory_space<vmem>>, vector<16xf32>,
        %add3A_744 = arith.constant 256 : i32
        %add3A_745 = arith.addi %add3A_539, %add3A_744 : i32
        %add3A_746 = arith.constant 32 : i32
        %add3A_747 = arith.addi %add3A_745, %add3A_746 : i32
        %multiple_of3A_748 = tpu.assume_multiple %add3A_747, 16 : i32
        %get3A_749 = arith.index_cast %multiple_of3A_748 : i32 to index
        %get3A_750 = tpu.vector_load %arg5[%get3A_749] {strides = array<i32>} : memref<16384xf32, #tpu.memory_space<vmem>>, vector<16xf32>,
        %add3A_751 = arith.constant 32 : i32
        %add3A_752 = arith.addi %add3A_721, %add3A_751 : i32
        %swap3A_753 = arith.index_cast %add3A_752 : i32 to index
        %swap3A_754 = tpu.vector_load %arg6[%swap3A_753] {strides = array<i32>} : memref<65536xf32, #tpu.memory_space<vmem>>, vector<16xf32>,
        tpu.vector_store %arg6[%swap3A_753], %get3A_750 {strides = array<i32>} : memref<65536xf32, #tpu.memory_space<vmem>>, vector<16xf32>,
        %add3A_755 = arith.constant 256 : i32
        %add3A_756 = arith.addi %add3A_539, %add3A_755 : i32
        %add3A_757 = arith.constant 48 : i32
        %add3A_758 = arith.addi %add3A_756, %add3A_757 : i32
        %multiple_of3A_759 = tpu.assume_multiple %add3A_758, 16 : i32
        %get3A_760 = arith.index_cast %multiple_of3A_759 : i32 to index
        %get3A_761 = tpu.vector_load %arg5[%get3A_760] {strides = array<i32>} : memref<16384xf32, #tpu.memory_space<vmem>>, vector<16xf32>,
        %add3A_762 = arith.constant 48 : i32
        %add3A_763 = arith.addi %add3A_721, %add3A_762 : i32
        %swap3A_764 = arith.index_cast %add3A_763 : i32 to index
        %swap3A_765 = tpu.vector_load %arg6[%swap3A_764] {strides = array<i32>} : memref<65536xf32, #tpu.memory_space<vmem>>, vector<16xf32>,
        tpu.vector_store %arg6[%swap3A_764], %get3A_761 {strides = array<i32>} : memref<65536xf32, #tpu.memory_space<vmem>>, vector<16xf32>,
        %add3A_766 = arith.constant 256 : i32
        %add3A_767 = arith.addi %add3A_539, %add3A_766 : i32
        %add3A_768 = arith.constant 64 : i32
        %add3A_769 = arith.addi %add3A_767, %add3A_768 : i32
        %multiple_of3A_770 = tpu.assume_multiple %add3A_769, 16 : i32
        %get3A_771 = arith.index_cast %multiple_of3A_770 : i32 to index
        %get3A_772 = tpu.vector_load %arg5[%get3A_771] {strides = array<i32>} : memref<16384xf32, #tpu.memory_space<vmem>>, vector<16xf32>,
        %add3A_773 = arith.constant 64 : i32
        %add3A_774 = arith.addi %add3A_721, %add3A_773 : i32
        %swap3A_775 = arith.index_cast %add3A_774 : i32 to index
        %swap3A_776 = tpu.vector_load %arg6[%swap3A_775] {strides = array<i32>} : memref<65536xf32, #tpu.memory_space<vmem>>, vector<16xf32>,
        tpu.vector_store %arg6[%swap3A_775], %get3A_772 {strides = array<i32>} : memref<65536xf32, #tpu.memory_space<vmem>>, vector<16xf32>,
        %add3A_777 = arith.constant 256 : i32
        %add3A_778 = arith.addi %add3A_539, %add3A_777 : i32
        %add3A_779 = arith.constant 80 : i32
        %add3A_780 = arith.addi %add3A_778, %add3A_779 : i32
        %multiple_of3A_781 = tpu.assume_multiple %add3A_780, 16 : i32
        %get3A_782 = arith.index_cast %multiple_of3A_781 : i32 to index
        %get3A_783 = tpu.vector_load %arg5[%get3A_782] {strides = array<i32>} : memref<16384xf32, #tpu.memory_space<vmem>>, vector<16xf32>,
        %add3A_784 = arith.constant 80 : i32
        %add3A_785 = arith.addi %add3A_721, %add3A_784 : i32
        %swap3A_786 = arith.index_cast %add3A_785 : i32 to index
        %swap3A_787 = tpu.vector_load %arg6[%swap3A_786] {strides = array<i32>} : memref<65536xf32, #tpu.memory_space<vmem>>, vector<16xf32>,
        tpu.vector_store %arg6[%swap3A_786], %get3A_783 {strides = array<i32>} : memref<65536xf32, #tpu.memory_space<vmem>>, vector<16xf32>,
        %add3A_788 = arith.constant 256 : i32
        %add3A_789 = arith.addi %add3A_539, %add3A_788 : i32
        %add3A_790 = arith.constant 96 : i32
        %add3A_791 = arith.addi %add3A_789, %add3A_790 : i32
        %multiple_of3A_792 = tpu.assume_multiple %add3A_791, 16 : i32
        %get3A_793 = arith.index_cast %multiple_of3A_792 : i32 to index
        %get3A_794 = tpu.vector_load %arg5[%get3A_793] {strides = array<i32>} : memref<16384xf32, #tpu.memory_space<vmem>>, vector<16xf32>,
        %add3A_795 = arith.constant 96 : i32
        %add3A_796 = arith.addi %add3A_721, %add3A_795 : i32
        %swap3A_797 = arith.index_cast %add3A_796 : i32 to index
        %swap3A_798 = tpu.vector_load %arg6[%swap3A_797] {strides = array<i32>} : memref<65536xf32, #tpu.memory_space<vmem>>, vector<16xf32>,
        tpu.vector_store %arg6[%swap3A_797], %get3A_794 {strides = array<i32>} : memref<65536xf32, #tpu.memory_space<vmem>>, vector<16xf32>,
        %add3A_799 = arith.constant 256 : i32
        %add3A_800 = arith.addi %add3A_539, %add3A_799 : i32
        %add3A_801 = arith.constant 112 : i32
        %add3A_802 = arith.addi %add3A_800, %add3A_801 : i32
        %multiple_of3A_803 = tpu.assume_multiple %add3A_802, 16 : i32
        %get3A_804 = arith.index_cast %multiple_of3A_803 : i32 to index
        %get3A_805 = tpu.vector_load %arg5[%get3A_804] {strides = array<i32>} : memref<16384xf32, #tpu.memory_space<vmem>>, vector<16xf32>,
        %add3A_806 = arith.constant 112 : i32
        %add3A_807 = arith.addi %add3A_721, %add3A_806 : i32
        %swap3A_808 = arith.index_cast %add3A_807 : i32 to index
        %swap3A_809 = tpu.vector_load %arg6[%swap3A_808] {strides = array<i32>} : memref<65536xf32, #tpu.memory_space<vmem>>, vector<16xf32>,
        tpu.vector_store %arg6[%swap3A_808], %get3A_805 {strides = array<i32>} : memref<65536xf32, #tpu.memory_space<vmem>>, vector<16xf32>,
        %add3A_810 = arith.addi %add3A_543, %add3A_225 : i32
        %add3A_811 = arith.constant 384 : i32
        %add3A_812 = arith.addi %add3A_539, %add3A_811 : i32
        %add3A_813 = arith.constant 0 : i32
        %add3A_814 = arith.addi %add3A_812, %add3A_813 : i32
        %multiple_of3A_815 = tpu.assume_multiple %add3A_814, 16 : i32
        %get3A_816 = arith.index_cast %multiple_of3A_815 : i32 to index
        %get3A_817 = tpu.vector_load %arg5[%get3A_816] {strides = array<i32>} : memref<16384xf32, #tpu.memory_space<vmem>>, vector<16xf32>,
        %add3A_818 = arith.constant 0 : i32
        %add3A_819 = arith.addi %add3A_810, %add3A_818 : i32
        %swap3A_820 = arith.index_cast %add3A_819 : i32 to index
        %swap3A_821 = tpu.vector_load %arg6[%swap3A_820] {strides = array<i32>} : memref<65536xf32, #tpu.memory_space<vmem>>, vector<16xf32>,
        tpu.vector_store %arg6[%swap3A_820], %get3A_817 {strides = array<i32>} : memref<65536xf32, #tpu.memory_space<vmem>>, vector<16xf32>,
        %add3A_822 = arith.constant 384 : i32
        %add3A_823 = arith.addi %add3A_539, %add3A_822 : i32
        %add3A_824 = arith.constant 16 : i32
        %add3A_825 = arith.addi %add3A_823, %add3A_824 : i32
        %multiple_of3A_826 = tpu.assume_multiple %add3A_825, 16 : i32
        %get3A_827 = arith.index_cast %multiple_of3A_826 : i32 to index
        %get3A_828 = tpu.vector_load %arg5[%get3A_827] {strides = array<i32>} : memref<16384xf32, #tpu.memory_space<vmem>>, vector<16xf32>,
        %add3A_829 = arith.constant 16 : i32
        %add3A_830 = arith.addi %add3A_810, %add3A_829 : i32
        %swap3A_831 = arith.index_cast %add3A_830 : i32 to index
        %swap3A_832 = tpu.vector_load %arg6[%swap3A_831] {strides = array<i32>} : memref<65536xf32, #tpu.memory_space<vmem>>, vector<16xf32>,
        tpu.vector_store %arg6[%swap3A_831], %get3A_828 {strides = array<i32>} : memref<65536xf32, #tpu.memory_space<vmem>>, vector<16xf32>,
        %add3A_833 = arith.constant 384 : i32
        %add3A_834 = arith.addi %add3A_539, %add3A_833 : i32
        %add3A_835 = arith.constant 32 : i32
        %add3A_836 = arith.addi %add3A_834, %add3A_835 : i32
        %multiple_of3A_837 = tpu.assume_multiple %add3A_836, 16 : i32
        %get3A_838 = arith.index_cast %multiple_of3A_837 : i32 to index
        %get3A_839 = tpu.vector_load %arg5[%get3A_838] {strides = array<i32>} : memref<16384xf32, #tpu.memory_space<vmem>>, vector<16xf32>,
        %add3A_840 = arith.constant 32 : i32
        %add3A_841 = arith.addi %add3A_810, %add3A_840 : i32
        %swap3A_842 = arith.index_cast %add3A_841 : i32 to index
        %swap3A_843 = tpu.vector_load %arg6[%swap3A_842] {strides = array<i32>} : memref<65536xf32, #tpu.memory_space<vmem>>, vector<16xf32>,
        tpu.vector_store %arg6[%swap3A_842], %get3A_839 {strides = array<i32>} : memref<65536xf32, #tpu.memory_space<vmem>>, vector<16xf32>,
        %add3A_844 = arith.constant 384 : i32
        %add3A_845 = arith.addi %add3A_539, %add3A_844 : i32
        %add3A_846 = arith.constant 48 : i32
        %add3A_847 = arith.addi %add3A_845, %add3A_846 : i32
        %multiple_of3A_848 = tpu.assume_multiple %add3A_847, 16 : i32
        %get3A_849 = arith.index_cast %multiple_of3A_848 : i32 to index
        %get3A_850 = tpu.vector_load %arg5[%get3A_849] {strides = array<i32>} : memref<16384xf32, #tpu.memory_space<vmem>>, vector<16xf32>,
        %add3A_851 = arith.constant 48 : i32
        %add3A_852 = arith.addi %add3A_810, %add3A_851 : i32
        %swap3A_853 = arith.index_cast %add3A_852 : i32 to index
        %swap3A_854 = tpu.vector_load %arg6[%swap3A_853] {strides = array<i32>} : memref<65536xf32, #tpu.memory_space<vmem>>, vector<16xf32>,
        tpu.vector_store %arg6[%swap3A_853], %get3A_850 {strides = array<i32>} : memref<65536xf32, #tpu.memory_space<vmem>>, vector<16xf32>,
        %add3A_855 = arith.constant 384 : i32
        %add3A_856 = arith.addi %add3A_539, %add3A_855 : i32
        %add3A_857 = arith.constant 64 : i32
        %add3A_858 = arith.addi %add3A_856, %add3A_857 : i32
        %multiple_of3A_859 = tpu.assume_multiple %add3A_858, 16 : i32
        %get3A_860 = arith.index_cast %multiple_of3A_859 : i32 to index
        %get3A_861 = tpu.vector_load %arg5[%get3A_860] {strides = array<i32>} : memref<16384xf32, #tpu.memory_space<vmem>>, vector<16xf32>,
        %add3A_862 = arith.constant 64 : i32
        %add3A_863 = arith.addi %add3A_810, %add3A_862 : i32
        %swap3A_864 = arith.index_cast %add3A_863 : i32 to index
        %swap3A_865 = tpu.vector_load %arg6[%swap3A_864] {strides = array<i32>} : memref<65536xf32, #tpu.memory_space<vmem>>, vector<16xf32>,
        tpu.vector_store %arg6[%swap3A_864], %get3A_861 {strides = array<i32>} : memref<65536xf32, #tpu.memory_space<vmem>>, vector<16xf32>,
        %add3A_866 = arith.constant 384 : i32
        %add3A_867 = arith.addi %add3A_539, %add3A_866 : i32
        %add3A_868 = arith.constant 80 : i32
        %add3A_869 = arith.addi %add3A_867, %add3A_868 : i32
        %multiple_of3A_870 = tpu.assume_multiple %add3A_869, 16 : i32
        %get3A_871 = arith.index_cast %multiple_of3A_870 : i32 to index
        %get3A_872 = tpu.vector_load %arg5[%get3A_871] {strides = array<i32>} : memref<16384xf32, #tpu.memory_space<vmem>>, vector<16xf32>,
        %add3A_873 = arith.constant 80 : i32
        %add3A_874 = arith.addi %add3A_810, %add3A_873 : i32
        %swap3A_875 = arith.index_cast %add3A_874 : i32 to index
        %swap3A_876 = tpu.vector_load %arg6[%swap3A_875] {strides = array<i32>} : memref<65536xf32, #tpu.memory_space<vmem>>, vector<16xf32>,
        tpu.vector_store %arg6[%swap3A_875], %get3A_872 {strides = array<i32>} : memref<65536xf32, #tpu.memory_space<vmem>>, vector<16xf32>,
        %add3A_877 = arith.constant 384 : i32
        %add3A_878 = arith.addi %add3A_539, %add3A_877 : i32
        %add3A_879 = arith.constant 96 : i32
        %add3A_880 = arith.addi %add3A_878, %add3A_879 : i32
        %multiple_of3A_881 = tpu.assume_multiple %add3A_880, 16 : i32
        %get3A_882 = arith.index_cast %multiple_of3A_881 : i32 to index
        %get3A_883 = tpu.vector_load %arg5[%get3A_882] {strides = array<i32>} : memref<16384xf32, #tpu.memory_space<vmem>>, vector<16xf32>,
        %add3A_884 = arith.constant 96 : i32
        %add3A_885 = arith.addi %add3A_810, %add3A_884 : i32
        %swap3A_886 = arith.index_cast %add3A_885 : i32 to index
        %swap3A_887 = tpu.vector_load %arg6[%swap3A_886] {strides = array<i32>} : memref<65536xf32, #tpu.memory_space<vmem>>, vector<16xf32>,
        tpu.vector_store %arg6[%swap3A_886], %get3A_883 {strides = array<i32>} : memref<65536xf32, #tpu.memory_space<vmem>>, vector<16xf32>,
        %add3A_888 = arith.constant 384 : i32
        %add3A_889 = arith.addi %add3A_539, %add3A_888 : i32
        %add3A_890 = arith.constant 112 : i32
        %add3A_891 = arith.addi %add3A_889, %add3A_890 : i32
        %multiple_of3A_892 = tpu.assume_multiple %add3A_891, 16 : i32
        %get3A_893 = arith.index_cast %multiple_of3A_892 : i32 to index
        %get3A_894 = tpu.vector_load %arg5[%get3A_893] {strides = array<i32>} : memref<16384xf32, #tpu.memory_space<vmem>>, vector<16xf32>,
        %add3A_895 = arith.constant 112 : i32
        %add3A_896 = arith.addi %add3A_810, %add3A_895 : i32
        %swap3A_897 = arith.index_cast %add3A_896 : i32 to index
        %swap3A_898 = tpu.vector_load %arg6[%swap3A_897] {strides = array<i32>} : memref<65536xf32, #tpu.memory_space<vmem>>, vector<16xf32>,
        tpu.vector_store %arg6[%swap3A_897], %get3A_894 {strides = array<i32>} : memref<65536xf32, #tpu.memory_space<vmem>>, vector<16xf32>,
      }
      %scan3A_414 = arith.constant 8 : i32
      %mul3A_415 = arith.constant 128 : i32
      %mul3A_416 = arith.muli %add3A, %mul3A_415 : i32
      %mul3A_417 = arith.constant 1 : i32
      %mul3A_418 = arith.muli %add3A_381, %mul3A_417 : i32
      %add3A_419 = arith.addi %mul3A_416, %mul3A_418 : i32
      %mul3A_420 = arith.constant 16384 : i32
      %mul3A_421 = arith.muli %add3A_419, %mul3A_420 : i32
      %multiple_of3A_422 = tpu.assume_multiple %mul3A_421, 8 : i32
      %dma_start3A_423 = arith.constant 16384 : i32
      %dma_start3A_424 = tpu.memref_slice %arg6[%dma_start3A_423] : memref<65536xf32, #tpu.memory_space<vmem>> -> memref<16384xf32, #tpu.memory_space<vmem>>
      %dma_start3A_425 = tpu.memref_slice %arg4[%multiple_of3A_422] : memref<67108864xf32, #tpu.memory_space<hbm>> -> memref<16384xf32, #tpu.memory_space<hbm>>
      %dma_start3A_426 = tpu.memref_slice %arg4[%multiple_of3A_422] : memref<67108864xf32, #tpu.memory_space<hbm>> -> memref<16384xf32, #tpu.memory_space<hbm>>
      %dma_start3A_427 = arith.constant 16384 : i32
      %dma_start3A_428 = tpu.memref_slice %arg6[%dma_start3A_427] : memref<65536xf32, #tpu.memory_space<vmem>> -> memref<16384xf32, #tpu.memory_space<vmem>>
      tpu.enqueue_dma source(%dma_start3A_428 : memref<16384xf32, #tpu.memory_space<vmem>>) target(%dma_start3A_426 : memref<16384xf32, #tpu.memory_space<hbm>>) target_semaphore(%arg13 : memref<!tpu.dma_semaphore, #tpu.memory_space<semaphore_mem>>)
      %mul3A_429 = arith.constant 4 : i32
      %mul3A_430 = arith.muli %add3A_329, %mul3A_429 : i32
      %add3A_431 = arith.constant 2 : i32
      %add3A_432 = arith.addi %mul3A_430, %add3A_431 : i32
      %add3A_433 = arith.constant 4 : i32
      %add3A_434 = arith.addi %add3A_432, %add3A_433 : i32
      %sub3A_435 = arith.constant 1 : i32
      %sub3A_436 = arith.subi %add3A_434, %sub3A_435 : i32
      %lt3A_437 = arith.constant 128 : i32
      %lt3A_438 = arith.cmpi slt, %sub3A_436, %lt3A_437 : i32
      %convert_element_type3A_439 = arith.extui %lt3A_438 : i1 to i32
      %cond3A_440 = arith.constant 0 : i32
      %cond3A_441 = arith.cmpi ne, %convert_element_type3A_439, %cond3A_440 : i32
      scf.if %cond3A_441 {
        %add3A_531 = arith.constant 4 : i32
        %add3A_532 = arith.addi %add3A_432, %add3A_531 : i32
        %sub3A_533 = arith.constant 1 : i32
        %sub3A_534 = arith.subi %add3A_532, %sub3A_533 : i32
        %mul3A_535 = arith.constant 128 : i32
        %mul3A_536 = arith.muli %add3A, %mul3A_535 : i32
        %mul3A_537 = arith.constant 1 : i32
        %mul3A_538 = arith.muli %sub3A_534, %mul3A_537 : i32
        %add3A_539 = arith.addi %mul3A_536, %mul3A_538 : i32
        %mul3A_540 = arith.constant 4096 : i32
        %mul3A_541 = arith.muli %add3A_539, %mul3A_540 : i32
        %multiple_of3A_542 = tpu.assume_multiple %mul3A_541, 8 : i32
        %dma_start3A_543 = arith.constant 4096 : i32
        %dma_start3A_544 = tpu.memref_slice %arg5[%dma_start3A_543] : memref<16384xf32, #tpu.memory_space<vmem>> -> memref<4096xf32, #tpu.memory_space<vmem>>
        %dma_start3A_545 = tpu.memref_slice %arg2[%multiple_of3A_542] : memref<16777216xf32, #tpu.memory_space<hbm>> -> memref<4096xf32, #tpu.memory_space<hbm>>
        %dma_start3A_546 = arith.constant 4096 : i32
        %dma_start3A_547 = tpu.memref_slice %arg5[%dma_start3A_546] : memref<16384xf32, #tpu.memory_space<vmem>> -> memref<4096xf32, #tpu.memory_space<vmem>>
        %dma_start3A_548 = tpu.memref_slice %arg2[%multiple_of3A_542] : memref<16777216xf32, #tpu.memory_space<hbm>> -> memref<4096xf32, #tpu.memory_space<hbm>>
        tpu.enqueue_dma source(%dma_start3A_548 : memref<4096xf32, #tpu.memory_space<hbm>>) target(%dma_start3A_547 : memref<4096xf32, #tpu.memory_space<vmem>>) target_semaphore(%arg9 : memref<!tpu.dma_semaphore, #tpu.memory_space<semaphore_mem>>)
      } else {
      }
      %mul3A_442 = arith.constant 128 : i32
      %mul3A_443 = arith.muli %add3A, %mul3A_442 : i32
      %mul3A_444 = arith.constant 1 : i32
      %mul3A_445 = arith.muli %add3A_432, %mul3A_444 : i32
      %add3A_446 = arith.addi %mul3A_443, %mul3A_445 : i32
      %mul3A_447 = arith.constant 4096 : i32
      %mul3A_448 = arith.muli %add3A_446, %mul3A_447 : i32
      %multiple_of3A_449 = tpu.assume_multiple %mul3A_448, 8 : i32
      %dma_wait3A_450 = arith.constant 8192 : i32
      %dma_wait3A_451 = tpu.memref_slice %arg5[%dma_wait3A_450] : memref<16384xf32, #tpu.memory_space<vmem>> -> memref<4096xf32, #tpu.memory_space<vmem>>
      %dma_wait3A_452 = tpu.memref_slice %arg2[%multiple_of3A_449] : memref<16777216xf32, #tpu.memory_space<hbm>> -> memref<4096xf32, #tpu.memory_space<hbm>>
      %dma_wait3A_453 = arith.constant 8192 : i32
      %dma_wait3A_454 = tpu.memref_slice %arg5[%dma_wait3A_453] : memref<16384xf32, #tpu.memory_space<vmem>> -> memref<4096xf32, #tpu.memory_space<vmem>>
      %dma_wait3A_455 = tpu.memref_slice %arg2[%multiple_of3A_449] : memref<16777216xf32, #tpu.memory_space<hbm>> -> memref<4096xf32, #tpu.memory_space<hbm>>
      tpu.wait_dma2 semaphore(%arg10 : memref<!tpu.dma_semaphore, #tpu.memory_space<semaphore_mem>>) src(%dma_wait3A_455 : memref<4096xf32, #tpu.memory_space<hbm>>) dst(%dma_wait3A_454 : memref<4096xf32, #tpu.memory_space<vmem>>)
      %ge3A_456 = arith.constant 4 : i32
      %ge3A_457 = arith.cmpi sge, %add3A_432, %ge3A_456 : i32
      %convert_element_type3A_458 = arith.extui %ge3A_457 : i1 to i32
      %cond3A_459 = arith.constant 0 : i32
      %cond3A_460 = arith.cmpi ne, %convert_element_type3A_458, %cond3A_459 : i32
      scf.if %cond3A_460 {
        %sub3A_531 = arith.constant 4 : i32
        %sub3A_532 = arith.subi %add3A_432, %sub3A_531 : i32
        %mul3A_533 = arith.constant 128 : i32
        %mul3A_534 = arith.muli %add3A, %mul3A_533 : i32
        %mul3A_535 = arith.constant 1 : i32
        %mul3A_536 = arith.muli %sub3A_532, %mul3A_535 : i32
        %add3A_537 = arith.addi %mul3A_534, %mul3A_536 : i32
        %mul3A_538 = arith.constant 16384 : i32
        %mul3A_539 = arith.muli %add3A_537, %mul3A_538 : i32
        %multiple_of3A_540 = tpu.assume_multiple %mul3A_539, 8 : i32
        %dma_wait3A_541 = arith.constant 32768 : i32
        %dma_wait3A_542 = tpu.memref_slice %arg6[%dma_wait3A_541] : memref<65536xf32, #tpu.memory_space<vmem>> -> memref<16384xf32, #tpu.memory_space<vmem>>
        %dma_wait3A_543 = tpu.memref_slice %arg4[%multiple_of3A_540] : memref<67108864xf32, #tpu.memory_space<hbm>> -> memref<16384xf32, #tpu.memory_space<hbm>>
        %dma_wait3A_544 = tpu.memref_slice %arg4[%multiple_of3A_540] : memref<67108864xf32, #tpu.memory_space<hbm>> -> memref<16384xf32, #tpu.memory_space<hbm>>
        %dma_wait3A_545 = arith.constant 32768 : i32
        %dma_wait3A_546 = tpu.memref_slice %arg6[%dma_wait3A_545] : memref<65536xf32, #tpu.memory_space<vmem>> -> memref<16384xf32, #tpu.memory_space<vmem>>
        tpu.wait_dma2 semaphore(%arg14 : memref<!tpu.dma_semaphore, #tpu.memory_space<semaphore_mem>>) src(%dma_wait3A_546 : memref<16384xf32, #tpu.memory_space<vmem>>) dst(%dma_wait3A_544 : memref<16384xf32, #tpu.memory_space<hbm>>)
      } else {
      }
      %scan3A_461 = arith.constant 0 : i32
      %scan3A_462 = arith.constant 8 : i32
      %scan3A_463 = arith.addi %scan3A_461, %scan3A_462 : i32
      %scan3A_464 = arith.constant 1 : i32
      scf.for %scan3A_531 = %scan3A_461 to %scan3A_463 step %scan3A_464  : i32 {
        %mul3A_532 = arith.constant 1 : i32
        %mul3A_533 = arith.muli %scan3A_531, %mul3A_532 : i32
        %add3A_534 = arith.constant 0 : i32
        %add3A_535 = arith.addi %add3A_534, %mul3A_533 : i32
        %mul3A_536 = arith.constant 512 : i32
        %mul3A_537 = arith.muli %add3A_535, %mul3A_536 : i32
        %add3A_538 = arith.constant 8192 : i32
        %add3A_539 = arith.addi %add3A_538, %mul3A_537 : i32
        %mul3A_540 = arith.constant 1024 : i32
        %mul3A_541 = arith.muli %add3A_535, %mul3A_540 : i32
        %add3A_542 = arith.constant 32768 : i32
        %add3A_543 = arith.addi %add3A_542, %mul3A_541 : i32
        %add3A_544 = arith.addi %add3A_543, %add3A_48 : i32
        %add3A_545 = arith.constant 0 : i32
        %add3A_546 = arith.addi %add3A_539, %add3A_545 : i32
        %add3A_547 = arith.constant 0 : i32
        %add3A_548 = arith.addi %add3A_546, %add3A_547 : i32
        %multiple_of3A_549 = tpu.assume_multiple %add3A_548, 16 : i32
        %get3A_550 = arith.index_cast %multiple_of3A_549 : i32 to index
        %get3A_551 = tpu.vector_load %arg5[%get3A_550] {strides = array<i32>} : memref<16384xf32, #tpu.memory_space<vmem>>, vector<16xf32>,
        %add3A_552 = arith.constant 0 : i32
        %add3A_553 = arith.addi %add3A_544, %add3A_552 : i32
        %swap3A = arith.index_cast %add3A_553 : i32 to index
        %swap3A_554 = tpu.vector_load %arg6[%swap3A] {strides = array<i32>} : memref<65536xf32, #tpu.memory_space<vmem>>, vector<16xf32>,
        tpu.vector_store %arg6[%swap3A], %get3A_551 {strides = array<i32>} : memref<65536xf32, #tpu.memory_space<vmem>>, vector<16xf32>,
        %add3A_555 = arith.constant 0 : i32
        %add3A_556 = arith.addi %add3A_539, %add3A_555 : i32
        %add3A_557 = arith.constant 16 : i32
        %add3A_558 = arith.addi %add3A_556, %add3A_557 : i32
        %multiple_of3A_559 = tpu.assume_multiple %add3A_558, 16 : i32
        %get3A_560 = arith.index_cast %multiple_of3A_559 : i32 to index
        %get3A_561 = tpu.vector_load %arg5[%get3A_560] {strides = array<i32>} : memref<16384xf32, #tpu.memory_space<vmem>>, vector<16xf32>,
        %add3A_562 = arith.constant 16 : i32
        %add3A_563 = arith.addi %add3A_544, %add3A_562 : i32
        %swap3A_564 = arith.index_cast %add3A_563 : i32 to index
        %swap3A_565 = tpu.vector_load %arg6[%swap3A_564] {strides = array<i32>} : memref<65536xf32, #tpu.memory_space<vmem>>, vector<16xf32>,
        tpu.vector_store %arg6[%swap3A_564], %get3A_561 {strides = array<i32>} : memref<65536xf32, #tpu.memory_space<vmem>>, vector<16xf32>,
        %add3A_566 = arith.constant 0 : i32
        %add3A_567 = arith.addi %add3A_539, %add3A_566 : i32
        %add3A_568 = arith.constant 32 : i32
        %add3A_569 = arith.addi %add3A_567, %add3A_568 : i32
        %multiple_of3A_570 = tpu.assume_multiple %add3A_569, 16 : i32
        %get3A_571 = arith.index_cast %multiple_of3A_570 : i32 to index
        %get3A_572 = tpu.vector_load %arg5[%get3A_571] {strides = array<i32>} : memref<16384xf32, #tpu.memory_space<vmem>>, vector<16xf32>,
        %add3A_573 = arith.constant 32 : i32
        %add3A_574 = arith.addi %add3A_544, %add3A_573 : i32
        %swap3A_575 = arith.index_cast %add3A_574 : i32 to index
        %swap3A_576 = tpu.vector_load %arg6[%swap3A_575] {strides = array<i32>} : memref<65536xf32, #tpu.memory_space<vmem>>, vector<16xf32>,
        tpu.vector_store %arg6[%swap3A_575], %get3A_572 {strides = array<i32>} : memref<65536xf32, #tpu.memory_space<vmem>>, vector<16xf32>,
        %add3A_577 = arith.constant 0 : i32
        %add3A_578 = arith.addi %add3A_539, %add3A_577 : i32
        %add3A_579 = arith.constant 48 : i32
        %add3A_580 = arith.addi %add3A_578, %add3A_579 : i32
        %multiple_of3A_581 = tpu.assume_multiple %add3A_580, 16 : i32
        %get3A_582 = arith.index_cast %multiple_of3A_581 : i32 to index
        %get3A_583 = tpu.vector_load %arg5[%get3A_582] {strides = array<i32>} : memref<16384xf32, #tpu.memory_space<vmem>>, vector<16xf32>,
        %add3A_584 = arith.constant 48 : i32
        %add3A_585 = arith.addi %add3A_544, %add3A_584 : i32
        %swap3A_586 = arith.index_cast %add3A_585 : i32 to index
        %swap3A_587 = tpu.vector_load %arg6[%swap3A_586] {strides = array<i32>} : memref<65536xf32, #tpu.memory_space<vmem>>, vector<16xf32>,
        tpu.vector_store %arg6[%swap3A_586], %get3A_583 {strides = array<i32>} : memref<65536xf32, #tpu.memory_space<vmem>>, vector<16xf32>,
        %add3A_588 = arith.constant 0 : i32
        %add3A_589 = arith.addi %add3A_539, %add3A_588 : i32
        %add3A_590 = arith.constant 64 : i32
        %add3A_591 = arith.addi %add3A_589, %add3A_590 : i32
        %multiple_of3A_592 = tpu.assume_multiple %add3A_591, 16 : i32
        %get3A_593 = arith.index_cast %multiple_of3A_592 : i32 to index
        %get3A_594 = tpu.vector_load %arg5[%get3A_593] {strides = array<i32>} : memref<16384xf32, #tpu.memory_space<vmem>>, vector<16xf32>,
        %add3A_595 = arith.constant 64 : i32
        %add3A_596 = arith.addi %add3A_544, %add3A_595 : i32
        %swap3A_597 = arith.index_cast %add3A_596 : i32 to index
        %swap3A_598 = tpu.vector_load %arg6[%swap3A_597] {strides = array<i32>} : memref<65536xf32, #tpu.memory_space<vmem>>, vector<16xf32>,
        tpu.vector_store %arg6[%swap3A_597], %get3A_594 {strides = array<i32>} : memref<65536xf32, #tpu.memory_space<vmem>>, vector<16xf32>,
        %add3A_599 = arith.constant 0 : i32
        %add3A_600 = arith.addi %add3A_539, %add3A_599 : i32
        %add3A_601 = arith.constant 80 : i32
        %add3A_602 = arith.addi %add3A_600, %add3A_601 : i32
        %multiple_of3A_603 = tpu.assume_multiple %add3A_602, 16 : i32
        %get3A_604 = arith.index_cast %multiple_of3A_603 : i32 to index
        %get3A_605 = tpu.vector_load %arg5[%get3A_604] {strides = array<i32>} : memref<16384xf32, #tpu.memory_space<vmem>>, vector<16xf32>,
        %add3A_606 = arith.constant 80 : i32
        %add3A_607 = arith.addi %add3A_544, %add3A_606 : i32
        %swap3A_608 = arith.index_cast %add3A_607 : i32 to index
        %swap3A_609 = tpu.vector_load %arg6[%swap3A_608] {strides = array<i32>} : memref<65536xf32, #tpu.memory_space<vmem>>, vector<16xf32>,
        tpu.vector_store %arg6[%swap3A_608], %get3A_605 {strides = array<i32>} : memref<65536xf32, #tpu.memory_space<vmem>>, vector<16xf32>,
        %add3A_610 = arith.constant 0 : i32
        %add3A_611 = arith.addi %add3A_539, %add3A_610 : i32
        %add3A_612 = arith.constant 96 : i32
        %add3A_613 = arith.addi %add3A_611, %add3A_612 : i32
        %multiple_of3A_614 = tpu.assume_multiple %add3A_613, 16 : i32
        %get3A_615 = arith.index_cast %multiple_of3A_614 : i32 to index
        %get3A_616 = tpu.vector_load %arg5[%get3A_615] {strides = array<i32>} : memref<16384xf32, #tpu.memory_space<vmem>>, vector<16xf32>,
        %add3A_617 = arith.constant 96 : i32
        %add3A_618 = arith.addi %add3A_544, %add3A_617 : i32
        %swap3A_619 = arith.index_cast %add3A_618 : i32 to index
        %swap3A_620 = tpu.vector_load %arg6[%swap3A_619] {strides = array<i32>} : memref<65536xf32, #tpu.memory_space<vmem>>, vector<16xf32>,
        tpu.vector_store %arg6[%swap3A_619], %get3A_616 {strides = array<i32>} : memref<65536xf32, #tpu.memory_space<vmem>>, vector<16xf32>,
        %add3A_621 = arith.constant 0 : i32
        %add3A_622 = arith.addi %add3A_539, %add3A_621 : i32
        %add3A_623 = arith.constant 112 : i32
        %add3A_624 = arith.addi %add3A_622, %add3A_623 : i32
        %multiple_of3A_625 = tpu.assume_multiple %add3A_624, 16 : i32
        %get3A_626 = arith.index_cast %multiple_of3A_625 : i32 to index
        %get3A_627 = tpu.vector_load %arg5[%get3A_626] {strides = array<i32>} : memref<16384xf32, #tpu.memory_space<vmem>>, vector<16xf32>,
        %add3A_628 = arith.constant 112 : i32
        %add3A_629 = arith.addi %add3A_544, %add3A_628 : i32
        %swap3A_630 = arith.index_cast %add3A_629 : i32 to index
        %swap3A_631 = tpu.vector_load %arg6[%swap3A_630] {strides = array<i32>} : memref<65536xf32, #tpu.memory_space<vmem>>, vector<16xf32>,
        tpu.vector_store %arg6[%swap3A_630], %get3A_627 {strides = array<i32>} : memref<65536xf32, #tpu.memory_space<vmem>>, vector<16xf32>,
        %add3A_632 = arith.addi %add3A_543, %add3A_107 : i32
        %add3A_633 = arith.constant 128 : i32
        %add3A_634 = arith.addi %add3A_539, %add3A_633 : i32
        %add3A_635 = arith.constant 0 : i32
        %add3A_636 = arith.addi %add3A_634, %add3A_635 : i32
        %multiple_of3A_637 = tpu.assume_multiple %add3A_636, 16 : i32
        %get3A_638 = arith.index_cast %multiple_of3A_637 : i32 to index
        %get3A_639 = tpu.vector_load %arg5[%get3A_638] {strides = array<i32>} : memref<16384xf32, #tpu.memory_space<vmem>>, vector<16xf32>,
        %add3A_640 = arith.constant 0 : i32
        %add3A_641 = arith.addi %add3A_632, %add3A_640 : i32
        %swap3A_642 = arith.index_cast %add3A_641 : i32 to index
        %swap3A_643 = tpu.vector_load %arg6[%swap3A_642] {strides = array<i32>} : memref<65536xf32, #tpu.memory_space<vmem>>, vector<16xf32>,
        tpu.vector_store %arg6[%swap3A_642], %get3A_639 {strides = array<i32>} : memref<65536xf32, #tpu.memory_space<vmem>>, vector<16xf32>,
        %add3A_644 = arith.constant 128 : i32
        %add3A_645 = arith.addi %add3A_539, %add3A_644 : i32
        %add3A_646 = arith.constant 16 : i32
        %add3A_647 = arith.addi %add3A_645, %add3A_646 : i32
        %multiple_of3A_648 = tpu.assume_multiple %add3A_647, 16 : i32
        %get3A_649 = arith.index_cast %multiple_of3A_648 : i32 to index
        %get3A_650 = tpu.vector_load %arg5[%get3A_649] {strides = array<i32>} : memref<16384xf32, #tpu.memory_space<vmem>>, vector<16xf32>,
        %add3A_651 = arith.constant 16 : i32
        %add3A_652 = arith.addi %add3A_632, %add3A_651 : i32
        %swap3A_653 = arith.index_cast %add3A_652 : i32 to index
        %swap3A_654 = tpu.vector_load %arg6[%swap3A_653] {strides = array<i32>} : memref<65536xf32, #tpu.memory_space<vmem>>, vector<16xf32>,
        tpu.vector_store %arg6[%swap3A_653], %get3A_650 {strides = array<i32>} : memref<65536xf32, #tpu.memory_space<vmem>>, vector<16xf32>,
        %add3A_655 = arith.constant 128 : i32
        %add3A_656 = arith.addi %add3A_539, %add3A_655 : i32
        %add3A_657 = arith.constant 32 : i32
        %add3A_658 = arith.addi %add3A_656, %add3A_657 : i32
        %multiple_of3A_659 = tpu.assume_multiple %add3A_658, 16 : i32
        %get3A_660 = arith.index_cast %multiple_of3A_659 : i32 to index
        %get3A_661 = tpu.vector_load %arg5[%get3A_660] {strides = array<i32>} : memref<16384xf32, #tpu.memory_space<vmem>>, vector<16xf32>,
        %add3A_662 = arith.constant 32 : i32
        %add3A_663 = arith.addi %add3A_632, %add3A_662 : i32
        %swap3A_664 = arith.index_cast %add3A_663 : i32 to index
        %swap3A_665 = tpu.vector_load %arg6[%swap3A_664] {strides = array<i32>} : memref<65536xf32, #tpu.memory_space<vmem>>, vector<16xf32>,
        tpu.vector_store %arg6[%swap3A_664], %get3A_661 {strides = array<i32>} : memref<65536xf32, #tpu.memory_space<vmem>>, vector<16xf32>,
        %add3A_666 = arith.constant 128 : i32
        %add3A_667 = arith.addi %add3A_539, %add3A_666 : i32
        %add3A_668 = arith.constant 48 : i32
        %add3A_669 = arith.addi %add3A_667, %add3A_668 : i32
        %multiple_of3A_670 = tpu.assume_multiple %add3A_669, 16 : i32
        %get3A_671 = arith.index_cast %multiple_of3A_670 : i32 to index
        %get3A_672 = tpu.vector_load %arg5[%get3A_671] {strides = array<i32>} : memref<16384xf32, #tpu.memory_space<vmem>>, vector<16xf32>,
        %add3A_673 = arith.constant 48 : i32
        %add3A_674 = arith.addi %add3A_632, %add3A_673 : i32
        %swap3A_675 = arith.index_cast %add3A_674 : i32 to index
        %swap3A_676 = tpu.vector_load %arg6[%swap3A_675] {strides = array<i32>} : memref<65536xf32, #tpu.memory_space<vmem>>, vector<16xf32>,
        tpu.vector_store %arg6[%swap3A_675], %get3A_672 {strides = array<i32>} : memref<65536xf32, #tpu.memory_space<vmem>>, vector<16xf32>,
        %add3A_677 = arith.constant 128 : i32
        %add3A_678 = arith.addi %add3A_539, %add3A_677 : i32
        %add3A_679 = arith.constant 64 : i32
        %add3A_680 = arith.addi %add3A_678, %add3A_679 : i32
        %multiple_of3A_681 = tpu.assume_multiple %add3A_680, 16 : i32
        %get3A_682 = arith.index_cast %multiple_of3A_681 : i32 to index
        %get3A_683 = tpu.vector_load %arg5[%get3A_682] {strides = array<i32>} : memref<16384xf32, #tpu.memory_space<vmem>>, vector<16xf32>,
        %add3A_684 = arith.constant 64 : i32
        %add3A_685 = arith.addi %add3A_632, %add3A_684 : i32
        %swap3A_686 = arith.index_cast %add3A_685 : i32 to index
        %swap3A_687 = tpu.vector_load %arg6[%swap3A_686] {strides = array<i32>} : memref<65536xf32, #tpu.memory_space<vmem>>, vector<16xf32>,
        tpu.vector_store %arg6[%swap3A_686], %get3A_683 {strides = array<i32>} : memref<65536xf32, #tpu.memory_space<vmem>>, vector<16xf32>,
        %add3A_688 = arith.constant 128 : i32
        %add3A_689 = arith.addi %add3A_539, %add3A_688 : i32
        %add3A_690 = arith.constant 80 : i32
        %add3A_691 = arith.addi %add3A_689, %add3A_690 : i32
        %multiple_of3A_692 = tpu.assume_multiple %add3A_691, 16 : i32
        %get3A_693 = arith.index_cast %multiple_of3A_692 : i32 to index
        %get3A_694 = tpu.vector_load %arg5[%get3A_693] {strides = array<i32>} : memref<16384xf32, #tpu.memory_space<vmem>>, vector<16xf32>,
        %add3A_695 = arith.constant 80 : i32
        %add3A_696 = arith.addi %add3A_632, %add3A_695 : i32
        %swap3A_697 = arith.index_cast %add3A_696 : i32 to index
        %swap3A_698 = tpu.vector_load %arg6[%swap3A_697] {strides = array<i32>} : memref<65536xf32, #tpu.memory_space<vmem>>, vector<16xf32>,
        tpu.vector_store %arg6[%swap3A_697], %get3A_694 {strides = array<i32>} : memref<65536xf32, #tpu.memory_space<vmem>>, vector<16xf32>,
        %add3A_699 = arith.constant 128 : i32
        %add3A_700 = arith.addi %add3A_539, %add3A_699 : i32
        %add3A_701 = arith.constant 96 : i32
        %add3A_702 = arith.addi %add3A_700, %add3A_701 : i32
        %multiple_of3A_703 = tpu.assume_multiple %add3A_702, 16 : i32
        %get3A_704 = arith.index_cast %multiple_of3A_703 : i32 to index
        %get3A_705 = tpu.vector_load %arg5[%get3A_704] {strides = array<i32>} : memref<16384xf32, #tpu.memory_space<vmem>>, vector<16xf32>,
        %add3A_706 = arith.constant 96 : i32
        %add3A_707 = arith.addi %add3A_632, %add3A_706 : i32
        %swap3A_708 = arith.index_cast %add3A_707 : i32 to index
        %swap3A_709 = tpu.vector_load %arg6[%swap3A_708] {strides = array<i32>} : memref<65536xf32, #tpu.memory_space<vmem>>, vector<16xf32>,
        tpu.vector_store %arg6[%swap3A_708], %get3A_705 {strides = array<i32>} : memref<65536xf32, #tpu.memory_space<vmem>>, vector<16xf32>,
        %add3A_710 = arith.constant 128 : i32
        %add3A_711 = arith.addi %add3A_539, %add3A_710 : i32
        %add3A_712 = arith.constant 112 : i32
        %add3A_713 = arith.addi %add3A_711, %add3A_712 : i32
        %multiple_of3A_714 = tpu.assume_multiple %add3A_713, 16 : i32
        %get3A_715 = arith.index_cast %multiple_of3A_714 : i32 to index
        %get3A_716 = tpu.vector_load %arg5[%get3A_715] {strides = array<i32>} : memref<16384xf32, #tpu.memory_space<vmem>>, vector<16xf32>,
        %add3A_717 = arith.constant 112 : i32
        %add3A_718 = arith.addi %add3A_632, %add3A_717 : i32
        %swap3A_719 = arith.index_cast %add3A_718 : i32 to index
        %swap3A_720 = tpu.vector_load %arg6[%swap3A_719] {strides = array<i32>} : memref<65536xf32, #tpu.memory_space<vmem>>, vector<16xf32>,
        tpu.vector_store %arg6[%swap3A_719], %get3A_716 {strides = array<i32>} : memref<65536xf32, #tpu.memory_space<vmem>>, vector<16xf32>,
        %add3A_721 = arith.addi %add3A_543, %add3A_166 : i32
        %add3A_722 = arith.constant 256 : i32
        %add3A_723 = arith.addi %add3A_539, %add3A_722 : i32
        %add3A_724 = arith.constant 0 : i32
        %add3A_725 = arith.addi %add3A_723, %add3A_724 : i32
        %multiple_of3A_726 = tpu.assume_multiple %add3A_725, 16 : i32
        %get3A_727 = arith.index_cast %multiple_of3A_726 : i32 to index
        %get3A_728 = tpu.vector_load %arg5[%get3A_727] {strides = array<i32>} : memref<16384xf32, #tpu.memory_space<vmem>>, vector<16xf32>,
        %add3A_729 = arith.constant 0 : i32
        %add3A_730 = arith.addi %add3A_721, %add3A_729 : i32
        %swap3A_731 = arith.index_cast %add3A_730 : i32 to index
        %swap3A_732 = tpu.vector_load %arg6[%swap3A_731] {strides = array<i32>} : memref<65536xf32, #tpu.memory_space<vmem>>, vector<16xf32>,
        tpu.vector_store %arg6[%swap3A_731], %get3A_728 {strides = array<i32>} : memref<65536xf32, #tpu.memory_space<vmem>>, vector<16xf32>,
        %add3A_733 = arith.constant 256 : i32
        %add3A_734 = arith.addi %add3A_539, %add3A_733 : i32
        %add3A_735 = arith.constant 16 : i32
        %add3A_736 = arith.addi %add3A_734, %add3A_735 : i32
        %multiple_of3A_737 = tpu.assume_multiple %add3A_736, 16 : i32
        %get3A_738 = arith.index_cast %multiple_of3A_737 : i32 to index
        %get3A_739 = tpu.vector_load %arg5[%get3A_738] {strides = array<i32>} : memref<16384xf32, #tpu.memory_space<vmem>>, vector<16xf32>,
        %add3A_740 = arith.constant 16 : i32
        %add3A_741 = arith.addi %add3A_721, %add3A_740 : i32
        %swap3A_742 = arith.index_cast %add3A_741 : i32 to index
        %swap3A_743 = tpu.vector_load %arg6[%swap3A_742] {strides = array<i32>} : memref<65536xf32, #tpu.memory_space<vmem>>, vector<16xf32>,
        tpu.vector_store %arg6[%swap3A_742], %get3A_739 {strides = array<i32>} : memref<65536xf32, #tpu.memory_space<vmem>>, vector<16xf32>,
        %add3A_744 = arith.constant 256 : i32
        %add3A_745 = arith.addi %add3A_539, %add3A_744 : i32
        %add3A_746 = arith.constant 32 : i32
        %add3A_747 = arith.addi %add3A_745, %add3A_746 : i32
        %multiple_of3A_748 = tpu.assume_multiple %add3A_747, 16 : i32
        %get3A_749 = arith.index_cast %multiple_of3A_748 : i32 to index
        %get3A_750 = tpu.vector_load %arg5[%get3A_749] {strides = array<i32>} : memref<16384xf32, #tpu.memory_space<vmem>>, vector<16xf32>,
        %add3A_751 = arith.constant 32 : i32
        %add3A_752 = arith.addi %add3A_721, %add3A_751 : i32
        %swap3A_753 = arith.index_cast %add3A_752 : i32 to index
        %swap3A_754 = tpu.vector_load %arg6[%swap3A_753] {strides = array<i32>} : memref<65536xf32, #tpu.memory_space<vmem>>, vector<16xf32>,
        tpu.vector_store %arg6[%swap3A_753], %get3A_750 {strides = array<i32>} : memref<65536xf32, #tpu.memory_space<vmem>>, vector<16xf32>,
        %add3A_755 = arith.constant 256 : i32
        %add3A_756 = arith.addi %add3A_539, %add3A_755 : i32
        %add3A_757 = arith.constant 48 : i32
        %add3A_758 = arith.addi %add3A_756, %add3A_757 : i32
        %multiple_of3A_759 = tpu.assume_multiple %add3A_758, 16 : i32
        %get3A_760 = arith.index_cast %multiple_of3A_759 : i32 to index
        %get3A_761 = tpu.vector_load %arg5[%get3A_760] {strides = array<i32>} : memref<16384xf32, #tpu.memory_space<vmem>>, vector<16xf32>,
        %add3A_762 = arith.constant 48 : i32
        %add3A_763 = arith.addi %add3A_721, %add3A_762 : i32
        %swap3A_764 = arith.index_cast %add3A_763 : i32 to index
        %swap3A_765 = tpu.vector_load %arg6[%swap3A_764] {strides = array<i32>} : memref<65536xf32, #tpu.memory_space<vmem>>, vector<16xf32>,
        tpu.vector_store %arg6[%swap3A_764], %get3A_761 {strides = array<i32>} : memref<65536xf32, #tpu.memory_space<vmem>>, vector<16xf32>,
        %add3A_766 = arith.constant 256 : i32
        %add3A_767 = arith.addi %add3A_539, %add3A_766 : i32
        %add3A_768 = arith.constant 64 : i32
        %add3A_769 = arith.addi %add3A_767, %add3A_768 : i32
        %multiple_of3A_770 = tpu.assume_multiple %add3A_769, 16 : i32
        %get3A_771 = arith.index_cast %multiple_of3A_770 : i32 to index
        %get3A_772 = tpu.vector_load %arg5[%get3A_771] {strides = array<i32>} : memref<16384xf32, #tpu.memory_space<vmem>>, vector<16xf32>,
        %add3A_773 = arith.constant 64 : i32
        %add3A_774 = arith.addi %add3A_721, %add3A_773 : i32
        %swap3A_775 = arith.index_cast %add3A_774 : i32 to index
        %swap3A_776 = tpu.vector_load %arg6[%swap3A_775] {strides = array<i32>} : memref<65536xf32, #tpu.memory_space<vmem>>, vector<16xf32>,
        tpu.vector_store %arg6[%swap3A_775], %get3A_772 {strides = array<i32>} : memref<65536xf32, #tpu.memory_space<vmem>>, vector<16xf32>,
        %add3A_777 = arith.constant 256 : i32
        %add3A_778 = arith.addi %add3A_539, %add3A_777 : i32
        %add3A_779 = arith.constant 80 : i32
        %add3A_780 = arith.addi %add3A_778, %add3A_779 : i32
        %multiple_of3A_781 = tpu.assume_multiple %add3A_780, 16 : i32
        %get3A_782 = arith.index_cast %multiple_of3A_781 : i32 to index
        %get3A_783 = tpu.vector_load %arg5[%get3A_782] {strides = array<i32>} : memref<16384xf32, #tpu.memory_space<vmem>>, vector<16xf32>,
        %add3A_784 = arith.constant 80 : i32
        %add3A_785 = arith.addi %add3A_721, %add3A_784 : i32
        %swap3A_786 = arith.index_cast %add3A_785 : i32 to index
        %swap3A_787 = tpu.vector_load %arg6[%swap3A_786] {strides = array<i32>} : memref<65536xf32, #tpu.memory_space<vmem>>, vector<16xf32>,
        tpu.vector_store %arg6[%swap3A_786], %get3A_783 {strides = array<i32>} : memref<65536xf32, #tpu.memory_space<vmem>>, vector<16xf32>,
        %add3A_788 = arith.constant 256 : i32
        %add3A_789 = arith.addi %add3A_539, %add3A_788 : i32
        %add3A_790 = arith.constant 96 : i32
        %add3A_791 = arith.addi %add3A_789, %add3A_790 : i32
        %multiple_of3A_792 = tpu.assume_multiple %add3A_791, 16 : i32
        %get3A_793 = arith.index_cast %multiple_of3A_792 : i32 to index
        %get3A_794 = tpu.vector_load %arg5[%get3A_793] {strides = array<i32>} : memref<16384xf32, #tpu.memory_space<vmem>>, vector<16xf32>,
        %add3A_795 = arith.constant 96 : i32
        %add3A_796 = arith.addi %add3A_721, %add3A_795 : i32
        %swap3A_797 = arith.index_cast %add3A_796 : i32 to index
        %swap3A_798 = tpu.vector_load %arg6[%swap3A_797] {strides = array<i32>} : memref<65536xf32, #tpu.memory_space<vmem>>, vector<16xf32>,
        tpu.vector_store %arg6[%swap3A_797], %get3A_794 {strides = array<i32>} : memref<65536xf32, #tpu.memory_space<vmem>>, vector<16xf32>,
        %add3A_799 = arith.constant 256 : i32
        %add3A_800 = arith.addi %add3A_539, %add3A_799 : i32
        %add3A_801 = arith.constant 112 : i32
        %add3A_802 = arith.addi %add3A_800, %add3A_801 : i32
        %multiple_of3A_803 = tpu.assume_multiple %add3A_802, 16 : i32
        %get3A_804 = arith.index_cast %multiple_of3A_803 : i32 to index
        %get3A_805 = tpu.vector_load %arg5[%get3A_804] {strides = array<i32>} : memref<16384xf32, #tpu.memory_space<vmem>>, vector<16xf32>,
        %add3A_806 = arith.constant 112 : i32
        %add3A_807 = arith.addi %add3A_721, %add3A_806 : i32
        %swap3A_808 = arith.index_cast %add3A_807 : i32 to index
        %swap3A_809 = tpu.vector_load %arg6[%swap3A_808] {strides = array<i32>} : memref<65536xf32, #tpu.memory_space<vmem>>, vector<16xf32>,
        tpu.vector_store %arg6[%swap3A_808], %get3A_805 {strides = array<i32>} : memref<65536xf32, #tpu.memory_space<vmem>>, vector<16xf32>,
        %add3A_810 = arith.addi %add3A_543, %add3A_225 : i32
        %add3A_811 = arith.constant 384 : i32
        %add3A_812 = arith.addi %add3A_539, %add3A_811 : i32
        %add3A_813 = arith.constant 0 : i32
        %add3A_814 = arith.addi %add3A_812, %add3A_813 : i32
        %multiple_of3A_815 = tpu.assume_multiple %add3A_814, 16 : i32
        %get3A_816 = arith.index_cast %multiple_of3A_815 : i32 to index
        %get3A_817 = tpu.vector_load %arg5[%get3A_816] {strides = array<i32>} : memref<16384xf32, #tpu.memory_space<vmem>>, vector<16xf32>,
        %add3A_818 = arith.constant 0 : i32
        %add3A_819 = arith.addi %add3A_810, %add3A_818 : i32
        %swap3A_820 = arith.index_cast %add3A_819 : i32 to index
        %swap3A_821 = tpu.vector_load %arg6[%swap3A_820] {strides = array<i32>} : memref<65536xf32, #tpu.memory_space<vmem>>, vector<16xf32>,
        tpu.vector_store %arg6[%swap3A_820], %get3A_817 {strides = array<i32>} : memref<65536xf32, #tpu.memory_space<vmem>>, vector<16xf32>,
        %add3A_822 = arith.constant 384 : i32
        %add3A_823 = arith.addi %add3A_539, %add3A_822 : i32
        %add3A_824 = arith.constant 16 : i32
        %add3A_825 = arith.addi %add3A_823, %add3A_824 : i32
        %multiple_of3A_826 = tpu.assume_multiple %add3A_825, 16 : i32
        %get3A_827 = arith.index_cast %multiple_of3A_826 : i32 to index
        %get3A_828 = tpu.vector_load %arg5[%get3A_827] {strides = array<i32>} : memref<16384xf32, #tpu.memory_space<vmem>>, vector<16xf32>,
        %add3A_829 = arith.constant 16 : i32
        %add3A_830 = arith.addi %add3A_810, %add3A_829 : i32
        %swap3A_831 = arith.index_cast %add3A_830 : i32 to index
        %swap3A_832 = tpu.vector_load %arg6[%swap3A_831] {strides = array<i32>} : memref<65536xf32, #tpu.memory_space<vmem>>, vector<16xf32>,
        tpu.vector_store %arg6[%swap3A_831], %get3A_828 {strides = array<i32>} : memref<65536xf32, #tpu.memory_space<vmem>>, vector<16xf32>,
        %add3A_833 = arith.constant 384 : i32
        %add3A_834 = arith.addi %add3A_539, %add3A_833 : i32
        %add3A_835 = arith.constant 32 : i32
        %add3A_836 = arith.addi %add3A_834, %add3A_835 : i32
        %multiple_of3A_837 = tpu.assume_multiple %add3A_836, 16 : i32
        %get3A_838 = arith.index_cast %multiple_of3A_837 : i32 to index
        %get3A_839 = tpu.vector_load %arg5[%get3A_838] {strides = array<i32>} : memref<16384xf32, #tpu.memory_space<vmem>>, vector<16xf32>,
        %add3A_840 = arith.constant 32 : i32
        %add3A_841 = arith.addi %add3A_810, %add3A_840 : i32
        %swap3A_842 = arith.index_cast %add3A_841 : i32 to index
        %swap3A_843 = tpu.vector_load %arg6[%swap3A_842] {strides = array<i32>} : memref<65536xf32, #tpu.memory_space<vmem>>, vector<16xf32>,
        tpu.vector_store %arg6[%swap3A_842], %get3A_839 {strides = array<i32>} : memref<65536xf32, #tpu.memory_space<vmem>>, vector<16xf32>,
        %add3A_844 = arith.constant 384 : i32
        %add3A_845 = arith.addi %add3A_539, %add3A_844 : i32
        %add3A_846 = arith.constant 48 : i32
        %add3A_847 = arith.addi %add3A_845, %add3A_846 : i32
        %multiple_of3A_848 = tpu.assume_multiple %add3A_847, 16 : i32
        %get3A_849 = arith.index_cast %multiple_of3A_848 : i32 to index
        %get3A_850 = tpu.vector_load %arg5[%get3A_849] {strides = array<i32>} : memref<16384xf32, #tpu.memory_space<vmem>>, vector<16xf32>,
        %add3A_851 = arith.constant 48 : i32
        %add3A_852 = arith.addi %add3A_810, %add3A_851 : i32
        %swap3A_853 = arith.index_cast %add3A_852 : i32 to index
        %swap3A_854 = tpu.vector_load %arg6[%swap3A_853] {strides = array<i32>} : memref<65536xf32, #tpu.memory_space<vmem>>, vector<16xf32>,
        tpu.vector_store %arg6[%swap3A_853], %get3A_850 {strides = array<i32>} : memref<65536xf32, #tpu.memory_space<vmem>>, vector<16xf32>,
        %add3A_855 = arith.constant 384 : i32
        %add3A_856 = arith.addi %add3A_539, %add3A_855 : i32
        %add3A_857 = arith.constant 64 : i32
        %add3A_858 = arith.addi %add3A_856, %add3A_857 : i32
        %multiple_of3A_859 = tpu.assume_multiple %add3A_858, 16 : i32
        %get3A_860 = arith.index_cast %multiple_of3A_859 : i32 to index
        %get3A_861 = tpu.vector_load %arg5[%get3A_860] {strides = array<i32>} : memref<16384xf32, #tpu.memory_space<vmem>>, vector<16xf32>,
        %add3A_862 = arith.constant 64 : i32
        %add3A_863 = arith.addi %add3A_810, %add3A_862 : i32
        %swap3A_864 = arith.index_cast %add3A_863 : i32 to index
        %swap3A_865 = tpu.vector_load %arg6[%swap3A_864] {strides = array<i32>} : memref<65536xf32, #tpu.memory_space<vmem>>, vector<16xf32>,
        tpu.vector_store %arg6[%swap3A_864], %get3A_861 {strides = array<i32>} : memref<65536xf32, #tpu.memory_space<vmem>>, vector<16xf32>,
        %add3A_866 = arith.constant 384 : i32
        %add3A_867 = arith.addi %add3A_539, %add3A_866 : i32
        %add3A_868 = arith.constant 80 : i32
        %add3A_869 = arith.addi %add3A_867, %add3A_868 : i32
        %multiple_of3A_870 = tpu.assume_multiple %add3A_869, 16 : i32
        %get3A_871 = arith.index_cast %multiple_of3A_870 : i32 to index
        %get3A_872 = tpu.vector_load %arg5[%get3A_871] {strides = array<i32>} : memref<16384xf32, #tpu.memory_space<vmem>>, vector<16xf32>,
        %add3A_873 = arith.constant 80 : i32
        %add3A_874 = arith.addi %add3A_810, %add3A_873 : i32
        %swap3A_875 = arith.index_cast %add3A_874 : i32 to index
        %swap3A_876 = tpu.vector_load %arg6[%swap3A_875] {strides = array<i32>} : memref<65536xf32, #tpu.memory_space<vmem>>, vector<16xf32>,
        tpu.vector_store %arg6[%swap3A_875], %get3A_872 {strides = array<i32>} : memref<65536xf32, #tpu.memory_space<vmem>>, vector<16xf32>,
        %add3A_877 = arith.constant 384 : i32
        %add3A_878 = arith.addi %add3A_539, %add3A_877 : i32
        %add3A_879 = arith.constant 96 : i32
        %add3A_880 = arith.addi %add3A_878, %add3A_879 : i32
        %multiple_of3A_881 = tpu.assume_multiple %add3A_880, 16 : i32
        %get3A_882 = arith.index_cast %multiple_of3A_881 : i32 to index
        %get3A_883 = tpu.vector_load %arg5[%get3A_882] {strides = array<i32>} : memref<16384xf32, #tpu.memory_space<vmem>>, vector<16xf32>,
        %add3A_884 = arith.constant 96 : i32
        %add3A_885 = arith.addi %add3A_810, %add3A_884 : i32
        %swap3A_886 = arith.index_cast %add3A_885 : i32 to index
        %swap3A_887 = tpu.vector_load %arg6[%swap3A_886] {strides = array<i32>} : memref<65536xf32, #tpu.memory_space<vmem>>, vector<16xf32>,
        tpu.vector_store %arg6[%swap3A_886], %get3A_883 {strides = array<i32>} : memref<65536xf32, #tpu.memory_space<vmem>>, vector<16xf32>,
        %add3A_888 = arith.constant 384 : i32
        %add3A_889 = arith.addi %add3A_539, %add3A_888 : i32
        %add3A_890 = arith.constant 112 : i32
        %add3A_891 = arith.addi %add3A_889, %add3A_890 : i32
        %multiple_of3A_892 = tpu.assume_multiple %add3A_891, 16 : i32
        %get3A_893 = arith.index_cast %multiple_of3A_892 : i32 to index
        %get3A_894 = tpu.vector_load %arg5[%get3A_893] {strides = array<i32>} : memref<16384xf32, #tpu.memory_space<vmem>>, vector<16xf32>,
        %add3A_895 = arith.constant 112 : i32
        %add3A_896 = arith.addi %add3A_810, %add3A_895 : i32
        %swap3A_897 = arith.index_cast %add3A_896 : i32 to index
        %swap3A_898 = tpu.vector_load %arg6[%swap3A_897] {strides = array<i32>} : memref<65536xf32, #tpu.memory_space<vmem>>, vector<16xf32>,
        tpu.vector_store %arg6[%swap3A_897], %get3A_894 {strides = array<i32>} : memref<65536xf32, #tpu.memory_space<vmem>>, vector<16xf32>,
      }
      %scan3A_465 = arith.constant 8 : i32
      %mul3A_466 = arith.constant 128 : i32
      %mul3A_467 = arith.muli %add3A, %mul3A_466 : i32
      %mul3A_468 = arith.constant 1 : i32
      %mul3A_469 = arith.muli %add3A_432, %mul3A_468 : i32
      %add3A_470 = arith.addi %mul3A_467, %mul3A_469 : i32
      %mul3A_471 = arith.constant 16384 : i32
      %mul3A_472 = arith.muli %add3A_470, %mul3A_471 : i32
      %multiple_of3A_473 = tpu.assume_multiple %mul3A_472, 8 : i32
      %dma_start3A_474 = arith.constant 32768 : i32
      %dma_start3A_475 = tpu.memref_slice %arg6[%dma_start3A_474] : memref<65536xf32, #tpu.memory_space<vmem>> -> memref<16384xf32, #tpu.memory_space<vmem>>
      %dma_start3A_476 = tpu.memref_slice %arg4[%multiple_of3A_473] : memref<67108864xf32, #tpu.memory_space<hbm>> -> memref<16384xf32, #tpu.memory_space<hbm>>
      %dma_start3A_477 = tpu.memref_slice %arg4[%multiple_of3A_473] : memref<67108864xf32, #tpu.memory_space<hbm>> -> memref<16384xf32, #tpu.memory_space<hbm>>
      %dma_start3A_478 = arith.constant 32768 : i32
      %dma_start3A_479 = tpu.memref_slice %arg6[%dma_start3A_478] : memref<65536xf32, #tpu.memory_space<vmem>> -> memref<16384xf32, #tpu.memory_space<vmem>>
      tpu.enqueue_dma source(%dma_start3A_479 : memref<16384xf32, #tpu.memory_space<vmem>>) target(%dma_start3A_477 : memref<16384xf32, #tpu.memory_space<hbm>>) target_semaphore(%arg14 : memref<!tpu.dma_semaphore, #tpu.memory_space<semaphore_mem>>)
      %mul3A_480 = arith.constant 4 : i32
      %mul3A_481 = arith.muli %add3A_329, %mul3A_480 : i32
      %add3A_482 = arith.constant 3 : i32
      %add3A_483 = arith.addi %mul3A_481, %add3A_482 : i32
      %add3A_484 = arith.constant 4 : i32
      %add3A_485 = arith.addi %add3A_483, %add3A_484 : i32
      %sub3A_486 = arith.constant 1 : i32
      %sub3A_487 = arith.subi %add3A_485, %sub3A_486 : i32
      %lt3A_488 = arith.constant 128 : i32
      %lt3A_489 = arith.cmpi slt, %sub3A_487, %lt3A_488 : i32
      %convert_element_type3A_490 = arith.extui %lt3A_489 : i1 to i32
      %cond3A_491 = arith.constant 0 : i32
      %cond3A_492 = arith.cmpi ne, %convert_element_type3A_490, %cond3A_491 : i32
      scf.if %cond3A_492 {
        %add3A_531 = arith.constant 4 : i32
        %add3A_532 = arith.addi %add3A_483, %add3A_531 : i32
        %sub3A_533 = arith.constant 1 : i32
        %sub3A_534 = arith.subi %add3A_532, %sub3A_533 : i32
        %mul3A_535 = arith.constant 128 : i32
        %mul3A_536 = arith.muli %add3A, %mul3A_535 : i32
        %mul3A_537 = arith.constant 1 : i32
        %mul3A_538 = arith.muli %sub3A_534, %mul3A_537 : i32
        %add3A_539 = arith.addi %mul3A_536, %mul3A_538 : i32
        %mul3A_540 = arith.constant 4096 : i32
        %mul3A_541 = arith.muli %add3A_539, %mul3A_540 : i32
        %multiple_of3A_542 = tpu.assume_multiple %mul3A_541, 8 : i32
        %dma_start3A_543 = arith.constant 8192 : i32
        %dma_start3A_544 = tpu.memref_slice %arg5[%dma_start3A_543] : memref<16384xf32, #tpu.memory_space<vmem>> -> memref<4096xf32, #tpu.memory_space<vmem>>
        %dma_start3A_545 = tpu.memref_slice %arg2[%multiple_of3A_542] : memref<16777216xf32, #tpu.memory_space<hbm>> -> memref<4096xf32, #tpu.memory_space<hbm>>
        %dma_start3A_546 = arith.constant 8192 : i32
        %dma_start3A_547 = tpu.memref_slice %arg5[%dma_start3A_546] : memref<16384xf32, #tpu.memory_space<vmem>> -> memref<4096xf32, #tpu.memory_space<vmem>>
        %dma_start3A_548 = tpu.memref_slice %arg2[%multiple_of3A_542] : memref<16777216xf32, #tpu.memory_space<hbm>> -> memref<4096xf32, #tpu.memory_space<hbm>>
        tpu.enqueue_dma source(%dma_start3A_548 : memref<4096xf32, #tpu.memory_space<hbm>>) target(%dma_start3A_547 : memref<4096xf32, #tpu.memory_space<vmem>>) target_semaphore(%arg10 : memref<!tpu.dma_semaphore, #tpu.memory_space<semaphore_mem>>)
      } else {
      }
      %mul3A_493 = arith.constant 128 : i32
      %mul3A_494 = arith.muli %add3A, %mul3A_493 : i32
      %mul3A_495 = arith.constant 1 : i32
      %mul3A_496 = arith.muli %add3A_483, %mul3A_495 : i32
      %add3A_497 = arith.addi %mul3A_494, %mul3A_496 : i32
      %mul3A_498 = arith.constant 4096 : i32
      %mul3A_499 = arith.muli %add3A_497, %mul3A_498 : i32
      %multiple_of3A_500 = tpu.assume_multiple %mul3A_499, 8 : i32
      %dma_wait3A_501 = arith.constant 12288 : i32
      %dma_wait3A_502 = tpu.memref_slice %arg5[%dma_wait3A_501] : memref<16384xf32, #tpu.memory_space<vmem>> -> memref<4096xf32, #tpu.memory_space<vmem>>
      %dma_wait3A_503 = tpu.memref_slice %arg2[%multiple_of3A_500] : memref<16777216xf32, #tpu.memory_space<hbm>> -> memref<4096xf32, #tpu.memory_space<hbm>>
      %dma_wait3A_504 = arith.constant 12288 : i32
      %dma_wait3A_505 = tpu.memref_slice %arg5[%dma_wait3A_504] : memref<16384xf32, #tpu.memory_space<vmem>> -> memref<4096xf32, #tpu.memory_space<vmem>>
      %dma_wait3A_506 = tpu.memref_slice %arg2[%multiple_of3A_500] : memref<16777216xf32, #tpu.memory_space<hbm>> -> memref<4096xf32, #tpu.memory_space<hbm>>
      tpu.wait_dma2 semaphore(%arg11 : memref<!tpu.dma_semaphore, #tpu.memory_space<semaphore_mem>>) src(%dma_wait3A_506 : memref<4096xf32, #tpu.memory_space<hbm>>) dst(%dma_wait3A_505 : memref<4096xf32, #tpu.memory_space<vmem>>)
      %ge3A_507 = arith.constant 4 : i32
      %ge3A_508 = arith.cmpi sge, %add3A_483, %ge3A_507 : i32
      %convert_element_type3A_509 = arith.extui %ge3A_508 : i1 to i32
      %cond3A_510 = arith.constant 0 : i32
      %cond3A_511 = arith.cmpi ne, %convert_element_type3A_509, %cond3A_510 : i32
      scf.if %cond3A_511 {
        %sub3A_531 = arith.constant 4 : i32
        %sub3A_532 = arith.subi %add3A_483, %sub3A_531 : i32
        %mul3A_533 = arith.constant 128 : i32
        %mul3A_534 = arith.muli %add3A, %mul3A_533 : i32
        %mul3A_535 = arith.constant 1 : i32
        %mul3A_536 = arith.muli %sub3A_532, %mul3A_535 : i32
        %add3A_537 = arith.addi %mul3A_534, %mul3A_536 : i32
        %mul3A_538 = arith.constant 16384 : i32
        %mul3A_539 = arith.muli %add3A_537, %mul3A_538 : i32
        %multiple_of3A_540 = tpu.assume_multiple %mul3A_539, 8 : i32
        %dma_wait3A_541 = arith.constant 49152 : i32
        %dma_wait3A_542 = tpu.memref_slice %arg6[%dma_wait3A_541] : memref<65536xf32, #tpu.memory_space<vmem>> -> memref<16384xf32, #tpu.memory_space<vmem>>
        %dma_wait3A_543 = tpu.memref_slice %arg4[%multiple_of3A_540] : memref<67108864xf32, #tpu.memory_space<hbm>> -> memref<16384xf32, #tpu.memory_space<hbm>>
        %dma_wait3A_544 = tpu.memref_slice %arg4[%multiple_of3A_540] : memref<67108864xf32, #tpu.memory_space<hbm>> -> memref<16384xf32, #tpu.memory_space<hbm>>
        %dma_wait3A_545 = arith.constant 49152 : i32
        %dma_wait3A_546 = tpu.memref_slice %arg6[%dma_wait3A_545] : memref<65536xf32, #tpu.memory_space<vmem>> -> memref<16384xf32, #tpu.memory_space<vmem>>
        tpu.wait_dma2 semaphore(%arg15 : memref<!tpu.dma_semaphore, #tpu.memory_space<semaphore_mem>>) src(%dma_wait3A_546 : memref<16384xf32, #tpu.memory_space<vmem>>) dst(%dma_wait3A_544 : memref<16384xf32, #tpu.memory_space<hbm>>)
      } else {
      }
      %scan3A_512 = arith.constant 0 : i32
      %scan3A_513 = arith.constant 8 : i32
      %scan3A_514 = arith.addi %scan3A_512, %scan3A_513 : i32
      %scan3A_515 = arith.constant 1 : i32
      scf.for %scan3A_531 = %scan3A_512 to %scan3A_514 step %scan3A_515  : i32 {
        %mul3A_532 = arith.constant 1 : i32
        %mul3A_533 = arith.muli %scan3A_531, %mul3A_532 : i32
        %add3A_534 = arith.constant 0 : i32
        %add3A_535 = arith.addi %add3A_534, %mul3A_533 : i32
        %mul3A_536 = arith.constant 512 : i32
        %mul3A_537 = arith.muli %add3A_535, %mul3A_536 : i32
        %add3A_538 = arith.constant 12288 : i32
        %add3A_539 = arith.addi %add3A_538, %mul3A_537 : i32
        %mul3A_540 = arith.constant 1024 : i32
        %mul3A_541 = arith.muli %add3A_535, %mul3A_540 : i32
        %add3A_542 = arith.constant 49152 : i32
        %add3A_543 = arith.addi %add3A_542, %mul3A_541 : i32
        %add3A_544 = arith.addi %add3A_543, %add3A_48 : i32
        %add3A_545 = arith.constant 0 : i32
        %add3A_546 = arith.addi %add3A_539, %add3A_545 : i32
        %add3A_547 = arith.constant 0 : i32
        %add3A_548 = arith.addi %add3A_546, %add3A_547 : i32
        %multiple_of3A_549 = tpu.assume_multiple %add3A_548, 16 : i32
        %get3A_550 = arith.index_cast %multiple_of3A_549 : i32 to index
        %get3A_551 = tpu.vector_load %arg5[%get3A_550] {strides = array<i32>} : memref<16384xf32, #tpu.memory_space<vmem>>, vector<16xf32>,
        %add3A_552 = arith.constant 0 : i32
        %add3A_553 = arith.addi %add3A_544, %add3A_552 : i32
        %swap3A = arith.index_cast %add3A_553 : i32 to index
        %swap3A_554 = tpu.vector_load %arg6[%swap3A] {strides = array<i32>} : memref<65536xf32, #tpu.memory_space<vmem>>, vector<16xf32>,
        tpu.vector_store %arg6[%swap3A], %get3A_551 {strides = array<i32>} : memref<65536xf32, #tpu.memory_space<vmem>>, vector<16xf32>,
        %add3A_555 = arith.constant 0 : i32
        %add3A_556 = arith.addi %add3A_539, %add3A_555 : i32
        %add3A_557 = arith.constant 16 : i32
        %add3A_558 = arith.addi %add3A_556, %add3A_557 : i32
        %multiple_of3A_559 = tpu.assume_multiple %add3A_558, 16 : i32
        %get3A_560 = arith.index_cast %multiple_of3A_559 : i32 to index
        %get3A_561 = tpu.vector_load %arg5[%get3A_560] {strides = array<i32>} : memref<16384xf32, #tpu.memory_space<vmem>>, vector<16xf32>,
        %add3A_562 = arith.constant 16 : i32
        %add3A_563 = arith.addi %add3A_544, %add3A_562 : i32
        %swap3A_564 = arith.index_cast %add3A_563 : i32 to index
        %swap3A_565 = tpu.vector_load %arg6[%swap3A_564] {strides = array<i32>} : memref<65536xf32, #tpu.memory_space<vmem>>, vector<16xf32>,
        tpu.vector_store %arg6[%swap3A_564], %get3A_561 {strides = array<i32>} : memref<65536xf32, #tpu.memory_space<vmem>>, vector<16xf32>,
        %add3A_566 = arith.constant 0 : i32
        %add3A_567 = arith.addi %add3A_539, %add3A_566 : i32
        %add3A_568 = arith.constant 32 : i32
        %add3A_569 = arith.addi %add3A_567, %add3A_568 : i32
        %multiple_of3A_570 = tpu.assume_multiple %add3A_569, 16 : i32
        %get3A_571 = arith.index_cast %multiple_of3A_570 : i32 to index
        %get3A_572 = tpu.vector_load %arg5[%get3A_571] {strides = array<i32>} : memref<16384xf32, #tpu.memory_space<vmem>>, vector<16xf32>,
        %add3A_573 = arith.constant 32 : i32
        %add3A_574 = arith.addi %add3A_544, %add3A_573 : i32
        %swap3A_575 = arith.index_cast %add3A_574 : i32 to index
        %swap3A_576 = tpu.vector_load %arg6[%swap3A_575] {strides = array<i32>} : memref<65536xf32, #tpu.memory_space<vmem>>, vector<16xf32>,
        tpu.vector_store %arg6[%swap3A_575], %get3A_572 {strides = array<i32>} : memref<65536xf32, #tpu.memory_space<vmem>>, vector<16xf32>,
        %add3A_577 = arith.constant 0 : i32
        %add3A_578 = arith.addi %add3A_539, %add3A_577 : i32
        %add3A_579 = arith.constant 48 : i32
        %add3A_580 = arith.addi %add3A_578, %add3A_579 : i32
        %multiple_of3A_581 = tpu.assume_multiple %add3A_580, 16 : i32
        %get3A_582 = arith.index_cast %multiple_of3A_581 : i32 to index
        %get3A_583 = tpu.vector_load %arg5[%get3A_582] {strides = array<i32>} : memref<16384xf32, #tpu.memory_space<vmem>>, vector<16xf32>,
        %add3A_584 = arith.constant 48 : i32
        %add3A_585 = arith.addi %add3A_544, %add3A_584 : i32
        %swap3A_586 = arith.index_cast %add3A_585 : i32 to index
        %swap3A_587 = tpu.vector_load %arg6[%swap3A_586] {strides = array<i32>} : memref<65536xf32, #tpu.memory_space<vmem>>, vector<16xf32>,
        tpu.vector_store %arg6[%swap3A_586], %get3A_583 {strides = array<i32>} : memref<65536xf32, #tpu.memory_space<vmem>>, vector<16xf32>,
        %add3A_588 = arith.constant 0 : i32
        %add3A_589 = arith.addi %add3A_539, %add3A_588 : i32
        %add3A_590 = arith.constant 64 : i32
        %add3A_591 = arith.addi %add3A_589, %add3A_590 : i32
        %multiple_of3A_592 = tpu.assume_multiple %add3A_591, 16 : i32
        %get3A_593 = arith.index_cast %multiple_of3A_592 : i32 to index
        %get3A_594 = tpu.vector_load %arg5[%get3A_593] {strides = array<i32>} : memref<16384xf32, #tpu.memory_space<vmem>>, vector<16xf32>,
        %add3A_595 = arith.constant 64 : i32
        %add3A_596 = arith.addi %add3A_544, %add3A_595 : i32
        %swap3A_597 = arith.index_cast %add3A_596 : i32 to index
        %swap3A_598 = tpu.vector_load %arg6[%swap3A_597] {strides = array<i32>} : memref<65536xf32, #tpu.memory_space<vmem>>, vector<16xf32>,
        tpu.vector_store %arg6[%swap3A_597], %get3A_594 {strides = array<i32>} : memref<65536xf32, #tpu.memory_space<vmem>>, vector<16xf32>,
        %add3A_599 = arith.constant 0 : i32
        %add3A_600 = arith.addi %add3A_539, %add3A_599 : i32
        %add3A_601 = arith.constant 80 : i32
        %add3A_602 = arith.addi %add3A_600, %add3A_601 : i32
        %multiple_of3A_603 = tpu.assume_multiple %add3A_602, 16 : i32
        %get3A_604 = arith.index_cast %multiple_of3A_603 : i32 to index
        %get3A_605 = tpu.vector_load %arg5[%get3A_604] {strides = array<i32>} : memref<16384xf32, #tpu.memory_space<vmem>>, vector<16xf32>,
        %add3A_606 = arith.constant 80 : i32
        %add3A_607 = arith.addi %add3A_544, %add3A_606 : i32
        %swap3A_608 = arith.index_cast %add3A_607 : i32 to index
        %swap3A_609 = tpu.vector_load %arg6[%swap3A_608] {strides = array<i32>} : memref<65536xf32, #tpu.memory_space<vmem>>, vector<16xf32>,
        tpu.vector_store %arg6[%swap3A_608], %get3A_605 {strides = array<i32>} : memref<65536xf32, #tpu.memory_space<vmem>>, vector<16xf32>,
        %add3A_610 = arith.constant 0 : i32
        %add3A_611 = arith.addi %add3A_539, %add3A_610 : i32
        %add3A_612 = arith.constant 96 : i32
        %add3A_613 = arith.addi %add3A_611, %add3A_612 : i32
        %multiple_of3A_614 = tpu.assume_multiple %add3A_613, 16 : i32
        %get3A_615 = arith.index_cast %multiple_of3A_614 : i32 to index
        %get3A_616 = tpu.vector_load %arg5[%get3A_615] {strides = array<i32>} : memref<16384xf32, #tpu.memory_space<vmem>>, vector<16xf32>,
        %add3A_617 = arith.constant 96 : i32
        %add3A_618 = arith.addi %add3A_544, %add3A_617 : i32
        %swap3A_619 = arith.index_cast %add3A_618 : i32 to index
        %swap3A_620 = tpu.vector_load %arg6[%swap3A_619] {strides = array<i32>} : memref<65536xf32, #tpu.memory_space<vmem>>, vector<16xf32>,
        tpu.vector_store %arg6[%swap3A_619], %get3A_616 {strides = array<i32>} : memref<65536xf32, #tpu.memory_space<vmem>>, vector<16xf32>,
        %add3A_621 = arith.constant 0 : i32
        %add3A_622 = arith.addi %add3A_539, %add3A_621 : i32
        %add3A_623 = arith.constant 112 : i32
        %add3A_624 = arith.addi %add3A_622, %add3A_623 : i32
        %multiple_of3A_625 = tpu.assume_multiple %add3A_624, 16 : i32
        %get3A_626 = arith.index_cast %multiple_of3A_625 : i32 to index
        %get3A_627 = tpu.vector_load %arg5[%get3A_626] {strides = array<i32>} : memref<16384xf32, #tpu.memory_space<vmem>>, vector<16xf32>,
        %add3A_628 = arith.constant 112 : i32
        %add3A_629 = arith.addi %add3A_544, %add3A_628 : i32
        %swap3A_630 = arith.index_cast %add3A_629 : i32 to index
        %swap3A_631 = tpu.vector_load %arg6[%swap3A_630] {strides = array<i32>} : memref<65536xf32, #tpu.memory_space<vmem>>, vector<16xf32>,
        tpu.vector_store %arg6[%swap3A_630], %get3A_627 {strides = array<i32>} : memref<65536xf32, #tpu.memory_space<vmem>>, vector<16xf32>,
        %add3A_632 = arith.addi %add3A_543, %add3A_107 : i32
        %add3A_633 = arith.constant 128 : i32
        %add3A_634 = arith.addi %add3A_539, %add3A_633 : i32
        %add3A_635 = arith.constant 0 : i32
        %add3A_636 = arith.addi %add3A_634, %add3A_635 : i32
        %multiple_of3A_637 = tpu.assume_multiple %add3A_636, 16 : i32
        %get3A_638 = arith.index_cast %multiple_of3A_637 : i32 to index
        %get3A_639 = tpu.vector_load %arg5[%get3A_638] {strides = array<i32>} : memref<16384xf32, #tpu.memory_space<vmem>>, vector<16xf32>,
        %add3A_640 = arith.constant 0 : i32
        %add3A_641 = arith.addi %add3A_632, %add3A_640 : i32
        %swap3A_642 = arith.index_cast %add3A_641 : i32 to index
        %swap3A_643 = tpu.vector_load %arg6[%swap3A_642] {strides = array<i32>} : memref<65536xf32, #tpu.memory_space<vmem>>, vector<16xf32>,
        tpu.vector_store %arg6[%swap3A_642], %get3A_639 {strides = array<i32>} : memref<65536xf32, #tpu.memory_space<vmem>>, vector<16xf32>,
        %add3A_644 = arith.constant 128 : i32
        %add3A_645 = arith.addi %add3A_539, %add3A_644 : i32
        %add3A_646 = arith.constant 16 : i32
        %add3A_647 = arith.addi %add3A_645, %add3A_646 : i32
        %multiple_of3A_648 = tpu.assume_multiple %add3A_647, 16 : i32
        %get3A_649 = arith.index_cast %multiple_of3A_648 : i32 to index
        %get3A_650 = tpu.vector_load %arg5[%get3A_649] {strides = array<i32>} : memref<16384xf32, #tpu.memory_space<vmem>>, vector<16xf32>,
        %add3A_651 = arith.constant 16 : i32
        %add3A_652 = arith.addi %add3A_632, %add3A_651 : i32
        %swap3A_653 = arith.index_cast %add3A_652 : i32 to index
        %swap3A_654 = tpu.vector_load %arg6[%swap3A_653] {strides = array<i32>} : memref<65536xf32, #tpu.memory_space<vmem>>, vector<16xf32>,
        tpu.vector_store %arg6[%swap3A_653], %get3A_650 {strides = array<i32>} : memref<65536xf32, #tpu.memory_space<vmem>>, vector<16xf32>,
        %add3A_655 = arith.constant 128 : i32
        %add3A_656 = arith.addi %add3A_539, %add3A_655 : i32
        %add3A_657 = arith.constant 32 : i32
        %add3A_658 = arith.addi %add3A_656, %add3A_657 : i32
        %multiple_of3A_659 = tpu.assume_multiple %add3A_658, 16 : i32
        %get3A_660 = arith.index_cast %multiple_of3A_659 : i32 to index
        %get3A_661 = tpu.vector_load %arg5[%get3A_660] {strides = array<i32>} : memref<16384xf32, #tpu.memory_space<vmem>>, vector<16xf32>,
        %add3A_662 = arith.constant 32 : i32
        %add3A_663 = arith.addi %add3A_632, %add3A_662 : i32
        %swap3A_664 = arith.index_cast %add3A_663 : i32 to index
        %swap3A_665 = tpu.vector_load %arg6[%swap3A_664] {strides = array<i32>} : memref<65536xf32, #tpu.memory_space<vmem>>, vector<16xf32>,
        tpu.vector_store %arg6[%swap3A_664], %get3A_661 {strides = array<i32>} : memref<65536xf32, #tpu.memory_space<vmem>>, vector<16xf32>,
        %add3A_666 = arith.constant 128 : i32
        %add3A_667 = arith.addi %add3A_539, %add3A_666 : i32
        %add3A_668 = arith.constant 48 : i32
        %add3A_669 = arith.addi %add3A_667, %add3A_668 : i32
        %multiple_of3A_670 = tpu.assume_multiple %add3A_669, 16 : i32
        %get3A_671 = arith.index_cast %multiple_of3A_670 : i32 to index
        %get3A_672 = tpu.vector_load %arg5[%get3A_671] {strides = array<i32>} : memref<16384xf32, #tpu.memory_space<vmem>>, vector<16xf32>,
        %add3A_673 = arith.constant 48 : i32
        %add3A_674 = arith.addi %add3A_632, %add3A_673 : i32
        %swap3A_675 = arith.index_cast %add3A_674 : i32 to index
        %swap3A_676 = tpu.vector_load %arg6[%swap3A_675] {strides = array<i32>} : memref<65536xf32, #tpu.memory_space<vmem>>, vector<16xf32>,
        tpu.vector_store %arg6[%swap3A_675], %get3A_672 {strides = array<i32>} : memref<65536xf32, #tpu.memory_space<vmem>>, vector<16xf32>,
        %add3A_677 = arith.constant 128 : i32
        %add3A_678 = arith.addi %add3A_539, %add3A_677 : i32
        %add3A_679 = arith.constant 64 : i32
        %add3A_680 = arith.addi %add3A_678, %add3A_679 : i32
        %multiple_of3A_681 = tpu.assume_multiple %add3A_680, 16 : i32
        %get3A_682 = arith.index_cast %multiple_of3A_681 : i32 to index
        %get3A_683 = tpu.vector_load %arg5[%get3A_682] {strides = array<i32>} : memref<16384xf32, #tpu.memory_space<vmem>>, vector<16xf32>,
        %add3A_684 = arith.constant 64 : i32
        %add3A_685 = arith.addi %add3A_632, %add3A_684 : i32
        %swap3A_686 = arith.index_cast %add3A_685 : i32 to index
        %swap3A_687 = tpu.vector_load %arg6[%swap3A_686] {strides = array<i32>} : memref<65536xf32, #tpu.memory_space<vmem>>, vector<16xf32>,
        tpu.vector_store %arg6[%swap3A_686], %get3A_683 {strides = array<i32>} : memref<65536xf32, #tpu.memory_space<vmem>>, vector<16xf32>,
        %add3A_688 = arith.constant 128 : i32
        %add3A_689 = arith.addi %add3A_539, %add3A_688 : i32
        %add3A_690 = arith.constant 80 : i32
        %add3A_691 = arith.addi %add3A_689, %add3A_690 : i32
        %multiple_of3A_692 = tpu.assume_multiple %add3A_691, 16 : i32
        %get3A_693 = arith.index_cast %multiple_of3A_692 : i32 to index
        %get3A_694 = tpu.vector_load %arg5[%get3A_693] {strides = array<i32>} : memref<16384xf32, #tpu.memory_space<vmem>>, vector<16xf32>,
        %add3A_695 = arith.constant 80 : i32
        %add3A_696 = arith.addi %add3A_632, %add3A_695 : i32
        %swap3A_697 = arith.index_cast %add3A_696 : i32 to index
        %swap3A_698 = tpu.vector_load %arg6[%swap3A_697] {strides = array<i32>} : memref<65536xf32, #tpu.memory_space<vmem>>, vector<16xf32>,
        tpu.vector_store %arg6[%swap3A_697], %get3A_694 {strides = array<i32>} : memref<65536xf32, #tpu.memory_space<vmem>>, vector<16xf32>,
        %add3A_699 = arith.constant 128 : i32
        %add3A_700 = arith.addi %add3A_539, %add3A_699 : i32
        %add3A_701 = arith.constant 96 : i32
        %add3A_702 = arith.addi %add3A_700, %add3A_701 : i32
        %multiple_of3A_703 = tpu.assume_multiple %add3A_702, 16 : i32
        %get3A_704 = arith.index_cast %multiple_of3A_703 : i32 to index
        %get3A_705 = tpu.vector_load %arg5[%get3A_704] {strides = array<i32>} : memref<16384xf32, #tpu.memory_space<vmem>>, vector<16xf32>,
        %add3A_706 = arith.constant 96 : i32
        %add3A_707 = arith.addi %add3A_632, %add3A_706 : i32
        %swap3A_708 = arith.index_cast %add3A_707 : i32 to index
        %swap3A_709 = tpu.vector_load %arg6[%swap3A_708] {strides = array<i32>} : memref<65536xf32, #tpu.memory_space<vmem>>, vector<16xf32>,
        tpu.vector_store %arg6[%swap3A_708], %get3A_705 {strides = array<i32>} : memref<65536xf32, #tpu.memory_space<vmem>>, vector<16xf32>,
        %add3A_710 = arith.constant 128 : i32
        %add3A_711 = arith.addi %add3A_539, %add3A_710 : i32
        %add3A_712 = arith.constant 112 : i32
        %add3A_713 = arith.addi %add3A_711, %add3A_712 : i32
        %multiple_of3A_714 = tpu.assume_multiple %add3A_713, 16 : i32
        %get3A_715 = arith.index_cast %multiple_of3A_714 : i32 to index
        %get3A_716 = tpu.vector_load %arg5[%get3A_715] {strides = array<i32>} : memref<16384xf32, #tpu.memory_space<vmem>>, vector<16xf32>,
        %add3A_717 = arith.constant 112 : i32
        %add3A_718 = arith.addi %add3A_632, %add3A_717 : i32
        %swap3A_719 = arith.index_cast %add3A_718 : i32 to index
        %swap3A_720 = tpu.vector_load %arg6[%swap3A_719] {strides = array<i32>} : memref<65536xf32, #tpu.memory_space<vmem>>, vector<16xf32>,
        tpu.vector_store %arg6[%swap3A_719], %get3A_716 {strides = array<i32>} : memref<65536xf32, #tpu.memory_space<vmem>>, vector<16xf32>,
        %add3A_721 = arith.addi %add3A_543, %add3A_166 : i32
        %add3A_722 = arith.constant 256 : i32
        %add3A_723 = arith.addi %add3A_539, %add3A_722 : i32
        %add3A_724 = arith.constant 0 : i32
        %add3A_725 = arith.addi %add3A_723, %add3A_724 : i32
        %multiple_of3A_726 = tpu.assume_multiple %add3A_725, 16 : i32
        %get3A_727 = arith.index_cast %multiple_of3A_726 : i32 to index
        %get3A_728 = tpu.vector_load %arg5[%get3A_727] {strides = array<i32>} : memref<16384xf32, #tpu.memory_space<vmem>>, vector<16xf32>,
        %add3A_729 = arith.constant 0 : i32
        %add3A_730 = arith.addi %add3A_721, %add3A_729 : i32
        %swap3A_731 = arith.index_cast %add3A_730 : i32 to index
        %swap3A_732 = tpu.vector_load %arg6[%swap3A_731] {strides = array<i32>} : memref<65536xf32, #tpu.memory_space<vmem>>, vector<16xf32>,
        tpu.vector_store %arg6[%swap3A_731], %get3A_728 {strides = array<i32>} : memref<65536xf32, #tpu.memory_space<vmem>>, vector<16xf32>,
        %add3A_733 = arith.constant 256 : i32
        %add3A_734 = arith.addi %add3A_539, %add3A_733 : i32
        %add3A_735 = arith.constant 16 : i32
        %add3A_736 = arith.addi %add3A_734, %add3A_735 : i32
        %multiple_of3A_737 = tpu.assume_multiple %add3A_736, 16 : i32
        %get3A_738 = arith.index_cast %multiple_of3A_737 : i32 to index
        %get3A_739 = tpu.vector_load %arg5[%get3A_738] {strides = array<i32>} : memref<16384xf32, #tpu.memory_space<vmem>>, vector<16xf32>,
        %add3A_740 = arith.constant 16 : i32
        %add3A_741 = arith.addi %add3A_721, %add3A_740 : i32
        %swap3A_742 = arith.index_cast %add3A_741 : i32 to index
        %swap3A_743 = tpu.vector_load %arg6[%swap3A_742] {strides = array<i32>} : memref<65536xf32, #tpu.memory_space<vmem>>, vector<16xf32>,
        tpu.vector_store %arg6[%swap3A_742], %get3A_739 {strides = array<i32>} : memref<65536xf32, #tpu.memory_space<vmem>>, vector<16xf32>,
        %add3A_744 = arith.constant 256 : i32
        %add3A_745 = arith.addi %add3A_539, %add3A_744 : i32
        %add3A_746 = arith.constant 32 : i32
        %add3A_747 = arith.addi %add3A_745, %add3A_746 : i32
        %multiple_of3A_748 = tpu.assume_multiple %add3A_747, 16 : i32
        %get3A_749 = arith.index_cast %multiple_of3A_748 : i32 to index
        %get3A_750 = tpu.vector_load %arg5[%get3A_749] {strides = array<i32>} : memref<16384xf32, #tpu.memory_space<vmem>>, vector<16xf32>,
        %add3A_751 = arith.constant 32 : i32
        %add3A_752 = arith.addi %add3A_721, %add3A_751 : i32
        %swap3A_753 = arith.index_cast %add3A_752 : i32 to index
        %swap3A_754 = tpu.vector_load %arg6[%swap3A_753] {strides = array<i32>} : memref<65536xf32, #tpu.memory_space<vmem>>, vector<16xf32>,
        tpu.vector_store %arg6[%swap3A_753], %get3A_750 {strides = array<i32>} : memref<65536xf32, #tpu.memory_space<vmem>>, vector<16xf32>,
        %add3A_755 = arith.constant 256 : i32
        %add3A_756 = arith.addi %add3A_539, %add3A_755 : i32
        %add3A_757 = arith.constant 48 : i32
        %add3A_758 = arith.addi %add3A_756, %add3A_757 : i32
        %multiple_of3A_759 = tpu.assume_multiple %add3A_758, 16 : i32
        %get3A_760 = arith.index_cast %multiple_of3A_759 : i32 to index
        %get3A_761 = tpu.vector_load %arg5[%get3A_760] {strides = array<i32>} : memref<16384xf32, #tpu.memory_space<vmem>>, vector<16xf32>,
        %add3A_762 = arith.constant 48 : i32
        %add3A_763 = arith.addi %add3A_721, %add3A_762 : i32
        %swap3A_764 = arith.index_cast %add3A_763 : i32 to index
        %swap3A_765 = tpu.vector_load %arg6[%swap3A_764] {strides = array<i32>} : memref<65536xf32, #tpu.memory_space<vmem>>, vector<16xf32>,
        tpu.vector_store %arg6[%swap3A_764], %get3A_761 {strides = array<i32>} : memref<65536xf32, #tpu.memory_space<vmem>>, vector<16xf32>,
        %add3A_766 = arith.constant 256 : i32
        %add3A_767 = arith.addi %add3A_539, %add3A_766 : i32
        %add3A_768 = arith.constant 64 : i32
        %add3A_769 = arith.addi %add3A_767, %add3A_768 : i32
        %multiple_of3A_770 = tpu.assume_multiple %add3A_769, 16 : i32
        %get3A_771 = arith.index_cast %multiple_of3A_770 : i32 to index
        %get3A_772 = tpu.vector_load %arg5[%get3A_771] {strides = array<i32>} : memref<16384xf32, #tpu.memory_space<vmem>>, vector<16xf32>,
        %add3A_773 = arith.constant 64 : i32
        %add3A_774 = arith.addi %add3A_721, %add3A_773 : i32
        %swap3A_775 = arith.index_cast %add3A_774 : i32 to index
        %swap3A_776 = tpu.vector_load %arg6[%swap3A_775] {strides = array<i32>} : memref<65536xf32, #tpu.memory_space<vmem>>, vector<16xf32>,
        tpu.vector_store %arg6[%swap3A_775], %get3A_772 {strides = array<i32>} : memref<65536xf32, #tpu.memory_space<vmem>>, vector<16xf32>,
        %add3A_777 = arith.constant 256 : i32
        %add3A_778 = arith.addi %add3A_539, %add3A_777 : i32
        %add3A_779 = arith.constant 80 : i32
        %add3A_780 = arith.addi %add3A_778, %add3A_779 : i32
        %multiple_of3A_781 = tpu.assume_multiple %add3A_780, 16 : i32
        %get3A_782 = arith.index_cast %multiple_of3A_781 : i32 to index
        %get3A_783 = tpu.vector_load %arg5[%get3A_782] {strides = array<i32>} : memref<16384xf32, #tpu.memory_space<vmem>>, vector<16xf32>,
        %add3A_784 = arith.constant 80 : i32
        %add3A_785 = arith.addi %add3A_721, %add3A_784 : i32
        %swap3A_786 = arith.index_cast %add3A_785 : i32 to index
        %swap3A_787 = tpu.vector_load %arg6[%swap3A_786] {strides = array<i32>} : memref<65536xf32, #tpu.memory_space<vmem>>, vector<16xf32>,
        tpu.vector_store %arg6[%swap3A_786], %get3A_783 {strides = array<i32>} : memref<65536xf32, #tpu.memory_space<vmem>>, vector<16xf32>,
        %add3A_788 = arith.constant 256 : i32
        %add3A_789 = arith.addi %add3A_539, %add3A_788 : i32
        %add3A_790 = arith.constant 96 : i32
        %add3A_791 = arith.addi %add3A_789, %add3A_790 : i32
        %multiple_of3A_792 = tpu.assume_multiple %add3A_791, 16 : i32
        %get3A_793 = arith.index_cast %multiple_of3A_792 : i32 to index
        %get3A_794 = tpu.vector_load %arg5[%get3A_793] {strides = array<i32>} : memref<16384xf32, #tpu.memory_space<vmem>>, vector<16xf32>,
        %add3A_795 = arith.constant 96 : i32
        %add3A_796 = arith.addi %add3A_721, %add3A_795 : i32
        %swap3A_797 = arith.index_cast %add3A_796 : i32 to index
        %swap3A_798 = tpu.vector_load %arg6[%swap3A_797] {strides = array<i32>} : memref<65536xf32, #tpu.memory_space<vmem>>, vector<16xf32>,
        tpu.vector_store %arg6[%swap3A_797], %get3A_794 {strides = array<i32>} : memref<65536xf32, #tpu.memory_space<vmem>>, vector<16xf32>,
        %add3A_799 = arith.constant 256 : i32
        %add3A_800 = arith.addi %add3A_539, %add3A_799 : i32
        %add3A_801 = arith.constant 112 : i32
        %add3A_802 = arith.addi %add3A_800, %add3A_801 : i32
        %multiple_of3A_803 = tpu.assume_multiple %add3A_802, 16 : i32
        %get3A_804 = arith.index_cast %multiple_of3A_803 : i32 to index
        %get3A_805 = tpu.vector_load %arg5[%get3A_804] {strides = array<i32>} : memref<16384xf32, #tpu.memory_space<vmem>>, vector<16xf32>,
        %add3A_806 = arith.constant 112 : i32
        %add3A_807 = arith.addi %add3A_721, %add3A_806 : i32
        %swap3A_808 = arith.index_cast %add3A_807 : i32 to index
        %swap3A_809 = tpu.vector_load %arg6[%swap3A_808] {strides = array<i32>} : memref<65536xf32, #tpu.memory_space<vmem>>, vector<16xf32>,
        tpu.vector_store %arg6[%swap3A_808], %get3A_805 {strides = array<i32>} : memref<65536xf32, #tpu.memory_space<vmem>>, vector<16xf32>,
        %add3A_810 = arith.addi %add3A_543, %add3A_225 : i32
        %add3A_811 = arith.constant 384 : i32
        %add3A_812 = arith.addi %add3A_539, %add3A_811 : i32
        %add3A_813 = arith.constant 0 : i32
        %add3A_814 = arith.addi %add3A_812, %add3A_813 : i32
        %multiple_of3A_815 = tpu.assume_multiple %add3A_814, 16 : i32
        %get3A_816 = arith.index_cast %multiple_of3A_815 : i32 to index
        %get3A_817 = tpu.vector_load %arg5[%get3A_816] {strides = array<i32>} : memref<16384xf32, #tpu.memory_space<vmem>>, vector<16xf32>,
        %add3A_818 = arith.constant 0 : i32
        %add3A_819 = arith.addi %add3A_810, %add3A_818 : i32
        %swap3A_820 = arith.index_cast %add3A_819 : i32 to index
        %swap3A_821 = tpu.vector_load %arg6[%swap3A_820] {strides = array<i32>} : memref<65536xf32, #tpu.memory_space<vmem>>, vector<16xf32>,
        tpu.vector_store %arg6[%swap3A_820], %get3A_817 {strides = array<i32>} : memref<65536xf32, #tpu.memory_space<vmem>>, vector<16xf32>,
        %add3A_822 = arith.constant 384 : i32
        %add3A_823 = arith.addi %add3A_539, %add3A_822 : i32
        %add3A_824 = arith.constant 16 : i32
        %add3A_825 = arith.addi %add3A_823, %add3A_824 : i32
        %multiple_of3A_826 = tpu.assume_multiple %add3A_825, 16 : i32
        %get3A_827 = arith.index_cast %multiple_of3A_826 : i32 to index
        %get3A_828 = tpu.vector_load %arg5[%get3A_827] {strides = array<i32>} : memref<16384xf32, #tpu.memory_space<vmem>>, vector<16xf32>,
        %add3A_829 = arith.constant 16 : i32
        %add3A_830 = arith.addi %add3A_810, %add3A_829 : i32
        %swap3A_831 = arith.index_cast %add3A_830 : i32 to index
        %swap3A_832 = tpu.vector_load %arg6[%swap3A_831] {strides = array<i32>} : memref<65536xf32, #tpu.memory_space<vmem>>, vector<16xf32>,
        tpu.vector_store %arg6[%swap3A_831], %get3A_828 {strides = array<i32>} : memref<65536xf32, #tpu.memory_space<vmem>>, vector<16xf32>,
        %add3A_833 = arith.constant 384 : i32
        %add3A_834 = arith.addi %add3A_539, %add3A_833 : i32
        %add3A_835 = arith.constant 32 : i32
        %add3A_836 = arith.addi %add3A_834, %add3A_835 : i32
        %multiple_of3A_837 = tpu.assume_multiple %add3A_836, 16 : i32
        %get3A_838 = arith.index_cast %multiple_of3A_837 : i32 to index
        %get3A_839 = tpu.vector_load %arg5[%get3A_838] {strides = array<i32>} : memref<16384xf32, #tpu.memory_space<vmem>>, vector<16xf32>,
        %add3A_840 = arith.constant 32 : i32
        %add3A_841 = arith.addi %add3A_810, %add3A_840 : i32
        %swap3A_842 = arith.index_cast %add3A_841 : i32 to index
        %swap3A_843 = tpu.vector_load %arg6[%swap3A_842] {strides = array<i32>} : memref<65536xf32, #tpu.memory_space<vmem>>, vector<16xf32>,
        tpu.vector_store %arg6[%swap3A_842], %get3A_839 {strides = array<i32>} : memref<65536xf32, #tpu.memory_space<vmem>>, vector<16xf32>,
        %add3A_844 = arith.constant 384 : i32
        %add3A_845 = arith.addi %add3A_539, %add3A_844 : i32
        %add3A_846 = arith.constant 48 : i32
        %add3A_847 = arith.addi %add3A_845, %add3A_846 : i32
        %multiple_of3A_848 = tpu.assume_multiple %add3A_847, 16 : i32
        %get3A_849 = arith.index_cast %multiple_of3A_848 : i32 to index
        %get3A_850 = tpu.vector_load %arg5[%get3A_849] {strides = array<i32>} : memref<16384xf32, #tpu.memory_space<vmem>>, vector<16xf32>,
        %add3A_851 = arith.constant 48 : i32
        %add3A_852 = arith.addi %add3A_810, %add3A_851 : i32
        %swap3A_853 = arith.index_cast %add3A_852 : i32 to index
        %swap3A_854 = tpu.vector_load %arg6[%swap3A_853] {strides = array<i32>} : memref<65536xf32, #tpu.memory_space<vmem>>, vector<16xf32>,
        tpu.vector_store %arg6[%swap3A_853], %get3A_850 {strides = array<i32>} : memref<65536xf32, #tpu.memory_space<vmem>>, vector<16xf32>,
        %add3A_855 = arith.constant 384 : i32
        %add3A_856 = arith.addi %add3A_539, %add3A_855 : i32
        %add3A_857 = arith.constant 64 : i32
        %add3A_858 = arith.addi %add3A_856, %add3A_857 : i32
        %multiple_of3A_859 = tpu.assume_multiple %add3A_858, 16 : i32
        %get3A_860 = arith.index_cast %multiple_of3A_859 : i32 to index
        %get3A_861 = tpu.vector_load %arg5[%get3A_860] {strides = array<i32>} : memref<16384xf32, #tpu.memory_space<vmem>>, vector<16xf32>,
        %add3A_862 = arith.constant 64 : i32
        %add3A_863 = arith.addi %add3A_810, %add3A_862 : i32
        %swap3A_864 = arith.index_cast %add3A_863 : i32 to index
        %swap3A_865 = tpu.vector_load %arg6[%swap3A_864] {strides = array<i32>} : memref<65536xf32, #tpu.memory_space<vmem>>, vector<16xf32>,
        tpu.vector_store %arg6[%swap3A_864], %get3A_861 {strides = array<i32>} : memref<65536xf32, #tpu.memory_space<vmem>>, vector<16xf32>,
        %add3A_866 = arith.constant 384 : i32
        %add3A_867 = arith.addi %add3A_539, %add3A_866 : i32
        %add3A_868 = arith.constant 80 : i32
        %add3A_869 = arith.addi %add3A_867, %add3A_868 : i32
        %multiple_of3A_870 = tpu.assume_multiple %add3A_869, 16 : i32
        %get3A_871 = arith.index_cast %multiple_of3A_870 : i32 to index
        %get3A_872 = tpu.vector_load %arg5[%get3A_871] {strides = array<i32>} : memref<16384xf32, #tpu.memory_space<vmem>>, vector<16xf32>,
        %add3A_873 = arith.constant 80 : i32
        %add3A_874 = arith.addi %add3A_810, %add3A_873 : i32
        %swap3A_875 = arith.index_cast %add3A_874 : i32 to index
        %swap3A_876 = tpu.vector_load %arg6[%swap3A_875] {strides = array<i32>} : memref<65536xf32, #tpu.memory_space<vmem>>, vector<16xf32>,
        tpu.vector_store %arg6[%swap3A_875], %get3A_872 {strides = array<i32>} : memref<65536xf32, #tpu.memory_space<vmem>>, vector<16xf32>,
        %add3A_877 = arith.constant 384 : i32
        %add3A_878 = arith.addi %add3A_539, %add3A_877 : i32
        %add3A_879 = arith.constant 96 : i32
        %add3A_880 = arith.addi %add3A_878, %add3A_879 : i32
        %multiple_of3A_881 = tpu.assume_multiple %add3A_880, 16 : i32
        %get3A_882 = arith.index_cast %multiple_of3A_881 : i32 to index
        %get3A_883 = tpu.vector_load %arg5[%get3A_882] {strides = array<i32>} : memref<16384xf32, #tpu.memory_space<vmem>>, vector<16xf32>,
        %add3A_884 = arith.constant 96 : i32
        %add3A_885 = arith.addi %add3A_810, %add3A_884 : i32
        %swap3A_886 = arith.index_cast %add3A_885 : i32 to index
        %swap3A_887 = tpu.vector_load %arg6[%swap3A_886] {strides = array<i32>} : memref<65536xf32, #tpu.memory_space<vmem>>, vector<16xf32>,
        tpu.vector_store %arg6[%swap3A_886], %get3A_883 {strides = array<i32>} : memref<65536xf32, #tpu.memory_space<vmem>>, vector<16xf32>,
        %add3A_888 = arith.constant 384 : i32
        %add3A_889 = arith.addi %add3A_539, %add3A_888 : i32
        %add3A_890 = arith.constant 112 : i32
        %add3A_891 = arith.addi %add3A_889, %add3A_890 : i32
        %multiple_of3A_892 = tpu.assume_multiple %add3A_891, 16 : i32
        %get3A_893 = arith.index_cast %multiple_of3A_892 : i32 to index
        %get3A_894 = tpu.vector_load %arg5[%get3A_893] {strides = array<i32>} : memref<16384xf32, #tpu.memory_space<vmem>>, vector<16xf32>,
        %add3A_895 = arith.constant 112 : i32
        %add3A_896 = arith.addi %add3A_810, %add3A_895 : i32
        %swap3A_897 = arith.index_cast %add3A_896 : i32 to index
        %swap3A_898 = tpu.vector_load %arg6[%swap3A_897] {strides = array<i32>} : memref<65536xf32, #tpu.memory_space<vmem>>, vector<16xf32>,
        tpu.vector_store %arg6[%swap3A_897], %get3A_894 {strides = array<i32>} : memref<65536xf32, #tpu.memory_space<vmem>>, vector<16xf32>,
      }
      %scan3A_516 = arith.constant 8 : i32
      %mul3A_517 = arith.constant 128 : i32
      %mul3A_518 = arith.muli %add3A, %mul3A_517 : i32
      %mul3A_519 = arith.constant 1 : i32
      %mul3A_520 = arith.muli %add3A_483, %mul3A_519 : i32
      %add3A_521 = arith.addi %mul3A_518, %mul3A_520 : i32
      %mul3A_522 = arith.constant 16384 : i32
      %mul3A_523 = arith.muli %add3A_521, %mul3A_522 : i32
      %multiple_of3A_524 = tpu.assume_multiple %mul3A_523, 8 : i32
      %dma_start3A_525 = arith.constant 49152 : i32
      %dma_start3A_526 = tpu.memref_slice %arg6[%dma_start3A_525] : memref<65536xf32, #tpu.memory_space<vmem>> -> memref<16384xf32, #tpu.memory_space<vmem>>
      %dma_start3A_527 = tpu.memref_slice %arg4[%multiple_of3A_524] : memref<67108864xf32, #tpu.memory_space<hbm>> -> memref<16384xf32, #tpu.memory_space<hbm>>
      %dma_start3A_528 = tpu.memref_slice %arg4[%multiple_of3A_524] : memref<67108864xf32, #tpu.memory_space<hbm>> -> memref<16384xf32, #tpu.memory_space<hbm>>
      %dma_start3A_529 = arith.constant 49152 : i32
      %dma_start3A_530 = tpu.memref_slice %arg6[%dma_start3A_529] : memref<65536xf32, #tpu.memory_space<vmem>> -> memref<16384xf32, #tpu.memory_space<vmem>>
      tpu.enqueue_dma source(%dma_start3A_530 : memref<16384xf32, #tpu.memory_space<vmem>>) target(%dma_start3A_528 : memref<16384xf32, #tpu.memory_space<hbm>>) target_semaphore(%arg15 : memref<!tpu.dma_semaphore, #tpu.memory_space<semaphore_mem>>)
    }
    %scan3A_273 = arith.constant 32 : i32
    %mul3A_274 = arith.constant 128 : i32
    %mul3A_275 = arith.muli %add3A, %mul3A_274 : i32
    %add3A_276 = arith.constant 124 : i32
    %add3A_277 = arith.addi %mul3A_275, %add3A_276 : i32
    %mul3A_278 = arith.constant 16384 : i32
    %mul3A_279 = arith.muli %add3A_277, %mul3A_278 : i32
    %multiple_of3A_280 = tpu.assume_multiple %mul3A_279, 8 : i32
    %dma_wait3A = arith.constant 0 : i32
    %dma_wait3A_281 = tpu.memref_slice %arg6[%dma_wait3A] : memref<65536xf32, #tpu.memory_space<vmem>> -> memref<16384xf32, #tpu.memory_space<vmem>>
    %dma_wait3A_282 = tpu.memref_slice %arg4[%multiple_of3A_280] : memref<67108864xf32, #tpu.memory_space<hbm>> -> memref<16384xf32, #tpu.memory_space<hbm>>
    %dma_wait3A_283 = tpu.memref_slice %arg4[%multiple_of3A_280] : memref<67108864xf32, #tpu.memory_space<hbm>> -> memref<16384xf32, #tpu.memory_space<hbm>>
    %dma_wait3A_284 = arith.constant 0 : i32
    %dma_wait3A_285 = tpu.memref_slice %arg6[%dma_wait3A_284] : memref<65536xf32, #tpu.memory_space<vmem>> -> memref<16384xf32, #tpu.memory_space<vmem>>
    tpu.wait_dma2 semaphore(%arg12 : memref<!tpu.dma_semaphore, #tpu.memory_space<semaphore_mem>>) src(%dma_wait3A_285 : memref<16384xf32, #tpu.memory_space<vmem>>) dst(%dma_wait3A_283 : memref<16384xf32, #tpu.memory_space<hbm>>)
    %mul3A_286 = arith.constant 128 : i32
    %mul3A_287 = arith.muli %add3A, %mul3A_286 : i32
    %add3A_288 = arith.constant 125 : i32
    %add3A_289 = arith.addi %mul3A_287, %add3A_288 : i32
    %mul3A_290 = arith.constant 16384 : i32
    %mul3A_291 = arith.muli %add3A_289, %mul3A_290 : i32
    %multiple_of3A_292 = tpu.assume_multiple %mul3A_291, 8 : i32
    %dma_wait3A_293 = arith.constant 16384 : i32
    %dma_wait3A_294 = tpu.memref_slice %arg6[%dma_wait3A_293] : memref<65536xf32, #tpu.memory_space<vmem>> -> memref<16384xf32, #tpu.memory_space<vmem>>
    %dma_wait3A_295 = tpu.memref_slice %arg4[%multiple_of3A_292] : memref<67108864xf32, #tpu.memory_space<hbm>> -> memref<16384xf32, #tpu.memory_space<hbm>>
    %dma_wait3A_296 = tpu.memref_slice %arg4[%multiple_of3A_292] : memref<67108864xf32, #tpu.memory_space<hbm>> -> memref<16384xf32, #tpu.memory_space<hbm>>
    %dma_wait3A_297 = arith.constant 16384 : i32
    %dma_wait3A_298 = tpu.memref_slice %arg6[%dma_wait3A_297] : memref<65536xf32, #tpu.memory_space<vmem>> -> memref<16384xf32, #tpu.memory_space<vmem>>
    tpu.wait_dma2 semaphore(%arg13 : memref<!tpu.dma_semaphore, #tpu.memory_space<semaphore_mem>>) src(%dma_wait3A_298 : memref<16384xf32, #tpu.memory_space<vmem>>) dst(%dma_wait3A_296 : memref<16384xf32, #tpu.memory_space<hbm>>)
    %mul3A_299 = arith.constant 128 : i32
    %mul3A_300 = arith.muli %add3A, %mul3A_299 : i32
    %add3A_301 = arith.constant 126 : i32
    %add3A_302 = arith.addi %mul3A_300, %add3A_301 : i32
    %mul3A_303 = arith.constant 16384 : i32
    %mul3A_304 = arith.muli %add3A_302, %mul3A_303 : i32
    %multiple_of3A_305 = tpu.assume_multiple %mul3A_304, 8 : i32
    %dma_wait3A_306 = arith.constant 32768 : i32
    %dma_wait3A_307 = tpu.memref_slice %arg6[%dma_wait3A_306] : memref<65536xf32, #tpu.memory_space<vmem>> -> memref<16384xf32, #tpu.memory_space<vmem>>
    %dma_wait3A_308 = tpu.memref_slice %arg4[%multiple_of3A_305] : memref<67108864xf32, #tpu.memory_space<hbm>> -> memref<16384xf32, #tpu.memory_space<hbm>>
    %dma_wait3A_309 = tpu.memref_slice %arg4[%multiple_of3A_305] : memref<67108864xf32, #tpu.memory_space<hbm>> -> memref<16384xf32, #tpu.memory_space<hbm>>
    %dma_wait3A_310 = arith.constant 32768 : i32
    %dma_wait3A_311 = tpu.memref_slice %arg6[%dma_wait3A_310] : memref<65536xf32, #tpu.memory_space<vmem>> -> memref<16384xf32, #tpu.memory_space<vmem>>
    tpu.wait_dma2 semaphore(%arg14 : memref<!tpu.dma_semaphore, #tpu.memory_space<semaphore_mem>>) src(%dma_wait3A_311 : memref<16384xf32, #tpu.memory_space<vmem>>) dst(%dma_wait3A_309 : memref<16384xf32, #tpu.memory_space<hbm>>)
    %mul3A_312 = arith.constant 128 : i32
    %mul3A_313 = arith.muli %add3A, %mul3A_312 : i32
    %add3A_314 = arith.constant 127 : i32
    %add3A_315 = arith.addi %mul3A_313, %add3A_314 : i32
    %mul3A_316 = arith.constant 16384 : i32
    %mul3A_317 = arith.muli %add3A_315, %mul3A_316 : i32
    %multiple_of3A_318 = tpu.assume_multiple %mul3A_317, 8 : i32
    %dma_wait3A_319 = arith.constant 49152 : i32
    %dma_wait3A_320 = tpu.memref_slice %arg6[%dma_wait3A_319] : memref<65536xf32, #tpu.memory_space<vmem>> -> memref<16384xf32, #tpu.memory_space<vmem>>
    %dma_wait3A_321 = tpu.memref_slice %arg4[%multiple_of3A_318] : memref<67108864xf32, #tpu.memory_space<hbm>> -> memref<16384xf32, #tpu.memory_space<hbm>>
    %dma_wait3A_322 = tpu.memref_slice %arg4[%multiple_of3A_318] : memref<67108864xf32, #tpu.memory_space<hbm>> -> memref<16384xf32, #tpu.memory_space<hbm>>
    %dma_wait3A_323 = arith.constant 49152 : i32
    %dma_wait3A_324 = tpu.memref_slice %arg6[%dma_wait3A_323] : memref<65536xf32, #tpu.memory_space<vmem>> -> memref<16384xf32, #tpu.memory_space<vmem>>
    tpu.wait_dma2 semaphore(%arg15 : memref<!tpu.dma_semaphore, #tpu.memory_space<semaphore_mem>>) src(%dma_wait3A_324 : memref<16384xf32, #tpu.memory_space<vmem>>) dst(%dma_wait3A_322 : memref<16384xf32, #tpu.memory_space<hbm>>)
    return
  }
}

</mosaic_0001>

<sc_bundles>
// kernel: kernel.3.cloned.1.call-start
scs
__scs_entry_jumppad:
0x0: {  	(pc) =	sbr.rel $0x88, $3  }
0x1: {  	(tag) =	ssettag $0x0;
	lr =	simm.s32 $0x1  }
0x2: {  	[smem:$0x3F9F] =	sst lr;
	_ =	strace $0xD0000000  }
0x3: {  	_ = 	snop  }
0x4: {  	_ = 	snop  }
0x5: {  	_ = 	snop  }
0x6: {  	_ = 	snop  }
0x7: {  	_ = 	snop  }
__scs_overlays_trampoline_lowered:
0x8: {  	[smem:$0x3FAE] =	sst s0  }
0x9: {  	[smem:$0x3FAF] =	sst s1  }
0xa: {  	[smem:$0x3FB0] =	sst s2  }
0xb: {  	[smem:$0x3FB1] =	sst s3  }
0xc: {  	[smem:$0x3FB2] =	sst s4  }
0xd: {  	[smem:$0x3FB3] =	sst s5  }
0xe: {  	[smem:$0x3FB4] =	sst s6  }
0xf: {  	[smem:$0x3FB5] =	sst s7  }
0x10: {  	[smem:$0x3FB6] =	sst s8  }
0x11: {  	[smem:$0x3FB7] =	sst s9;
	s0 =	simm.s32 @!p0 $0x0  }
0x12: {  	s1 =	sld [smem:$0x3F9D];
	s0 =	simm.s32 @p0 $0x1  }
0x13: {  	[smem:$0x3FB8] =	sst s0;
	s0 =	simm.s32 @!p1 $0x0  }
0x14: {  	s2 =	sld [smem:$0x3F9C];
	s0 =	simm.s32 @p1 $0x1  }
0x15: {  	[smem:$0x3FB9] =	sst s0;
	s0 =	simm.s32 @!p2 $0x0  }
0x16: {  	s3 =	sld [smem:$0x3FDB];
	s0 =	simm.s32 @p2 $0x1  }
0x17: {  	s4 =	simm.s32 $0x1BF5;
	[smem:$0x3FBB] =	sst s0  }
0x18: {  	s0 =	sld [smem:$0x3F9E];
	_ =	swait.ge [sflag:s4], $0x0  }
0x19: {  	s7 =	sld [smem:$0x3F9F]  }
0x1a: {  	s8 =	sadd.s32 $0xFFFFE003, lr  }
0x1b: {  	s9 =	sadd.s32 $0xFFFFFEF7, lr;
	s5 =	simm.s32 $0xFFFFFFFF;
	p2 =	slt.u32 s8, $0xFFFFF086  }
0x1c: {  	p1 =	slt.u32 s9, $0xF7A;
	s5 =	simm.s32 @!p2 $0x0  }
0x1d: {  	s5 =	simm.s32 @p1 $0x1;
	p0 =	seq.s32 s7, s2  }
0x1e: {  	s7 =	smul.u32 @!p0 $0xF7A, s2;
	p2 =	seq.s32 @!p0 s5, $0x0  }
0x1f: {  	s9 =	smul.u32 $0xF7A, s1;
	s8 =	simm.s32 @!p0 $0x1BF5;
	p2 =	por !p2, p0  }
0x20: {  	[sflag:s8] =	ssyncset.s32 @!p0 $0xFFFFF086;
	s6 =	sadd.s32 @!p0 s3, s7;
	s7 =	simm.s32 @!p0 $0x108  }
0x21: {  	s3 =	sadd.s32 s3, s9;
	s6 =	sadd.s32 @!p0 $0x88, s6;
	s7 =	simm.s32 @p2 $0x1082  }
0x22: {  	[simem:s7], [sflag:s8] =	dma.local @!p0 [hbm:s6], $0xF7A  }
0x23: {  	s9 =	sor.u32 $0xD0000000, s2;
	s6 =	simm.s32 $0x108;
	_ =	swait.ge @!p0 [sflag:s8], $0x0  }
0x24: {  	s3 =	sadd.s32 $0x88, s3;
	s6 =	simm.s32 @!p1 $0x1082;
	[sflag:s4] =	ssyncset.s32 $0xFFFFF086  }
0x25: {  	[simem:s6], [sflag:s4] =	dma.local [hbm:s3], $0xF7A  }
0x26: {  	[smem:$0x3F9F] =	sst s1;
	(tag) =	ssettag s2;
	_ =	strace s9  }
0x27: {  	s1 =	sld [smem:$0x3FAF]  }
0x28: {  	s2 =	sld [smem:$0x3FB0]  }
0x29: {  	s4 =	sld [smem:$0x3FB2]  }
0x2a: {  	p0 =	seq.s32 s5, $0x0;
	s5 =	sld [smem:$0x3FB3]  }
0x2b: {  	s6 =	sld [smem:$0x3FB4]  }
0x2c: {  	s7 =	sld [smem:$0x3FB5]  }
0x2d: {  	s3 =	simm.s32 $0x108;
	s8 =	sld [smem:$0x3FB6]  }
0x2e: {  	s3 =	simm.s32 @!p0 $0x1082;
	s9 =	sld [smem:$0x3FB7]  }
0x2f: {  	lr =	sadd.s32 s0, s3;
	s0 =	sld [smem:$0x3FAE]  }
0x30: {  	s3 =	sld [smem:$0x3FB1]  }
0x31: {  	[smem:$0x3FBA] =	sst s10  }
0x32: {  	s10 =	sld [smem:$0x3FB8];
	_ =	sdelay $0x3  }
0x33: {  	p0 =	seq.s32 s10, $0x1;
	s10 =	sld [smem:$0x3FBA];
	_ =	sdelay $0x3  }
0x34: {  	[smem:$0x3FBA] =	sst s10  }
0x35: {  	s10 =	sld [smem:$0x3FB9];
	_ =	sdelay $0x3  }
0x36: {  	p1 =	seq.s32 s10, $0x1;
	s10 =	sld [smem:$0x3FBA];
	_ =	sdelay $0x3  }
0x37: {  	[smem:$0x3FBA] =	sst s10  }
0x38: {  	s10 =	sld [smem:$0x3FBB]  }
0x39: {  	_ = 	snop;
	(pc) =	sbr.ind lr, $3  }
0x3a: {  	_ = 	snop  }
0x3b: {  	_ = 	snop  }
0x3c: {  	p2 =	seq.s32 s10, $0x1;
	s10 =	sld [smem:$0x3FBA]  }
0x3d: {  	_ =	shalt  }
0x3e: {  	_ =	shalt  }
0x3f: {  	_ =	shalt  }
0x40: {  	_ =	shalt  }
0x41: {  	_ =	shalt  }
0x42: {  	_ =	shalt  }
0x43: {  	_ =	shalt  }
0x44: {  	_ =	shalt  }
0x45: {  	_ =	shalt  }
0x46: {  	_ =	shalt  }
0x47: {  	_ =	shalt  }
0x48: {  	_ =	shalt  }
0x49: {  	_ =	shalt  }
0x4a: {  	_ =	shalt  }
0x4b: {  	_ =	shalt  }
0x4c: {  	_ =	shalt  }
0x4d: {  	_ =	shalt  }
0x4e: {  	_ =	shalt  }
0x4f: {  	_ =	shalt  }
0x50: {  	_ =	shalt  }
0x51: {  	_ =	shalt  }
0x52: {  	_ =	shalt  }
0x53: {  	_ =	shalt  }
0x54: {  	_ =	shalt  }
0x55: {  	_ =	shalt  }
0x56: {  	_ =	shalt  }
0x57: {  	_ =	shalt  }
0x58: {  	_ =	shalt  }
0x59: {  	_ =	shalt  }
0x5a: {  	_ =	shalt  }
0x5b: {  	_ =	shalt  }
0x5c: {  	_ =	shalt  }
0x5d: {  	_ =	shalt  }
0x5e: {  	_ =	shalt  }
0x5f: {  	_ =	shalt  }
0x60: {  	_ =	shalt  }
0x61: {  	_ =	shalt  }
0x62: {  	_ =	shalt  }
0x63: {  	_ =	shalt  }
0x64: {  	_ =	shalt  }
0x65: {  	_ =	shalt  }
0x66: {  	_ =	shalt  }
0x67: {  	_ =	shalt  }
0x68: {  	_ =	shalt  }
0x69: {  	_ =	shalt  }
0x6a: {  	_ =	shalt  }
0x6b: {  	_ =	shalt  }
0x6c: {  	_ =	shalt  }
0x6d: {  	_ =	shalt  }
0x6e: {  	_ =	shalt  }
0x6f: {  	_ =	shalt  }
0x70: {  	_ =	shalt  }
0x71: {  	_ =	shalt  }
0x72: {  	_ =	shalt  }
0x73: {  	_ =	shalt  }
0x74: {  	_ =	shalt  }
0x75: {  	_ =	shalt  }
0x76: {  	_ =	shalt  }
0x77: {  	_ =	shalt  }
0x78: {  	_ =	shalt  }
0x79: {  	_ =	shalt  }
0x7a: {  	_ =	shalt  }
0x7b: {  	_ =	shalt  }
0x7c: {  	_ =	shalt  }
0x7d: {  	_ =	shalt  }
0x7e: {  	_ =	shalt  }
0x7f: {  	_ =	shalt  }
0x80: {  	_ =	shalt  }
0x81: {  	_ =	shalt  }
0x82: {  	_ =	shalt  }
0x83: {  	_ =	shalt  }
0x84: {  	_ =	shalt  }
0x85: {  	_ =	shalt  }
0x86: {  	_ =	shalt  }
0x87: {  	_ =	shalt  }
.Lfunc_end0:
.L_simem_size_0:
called_computation_lowered:
.L_overlay_start_0:
0x88: {  	s2 =	sld [smem:$0x3FD9]  }
0x89: {  	s3 =	sld [smem:$0x3FFE];
	_ =	sdelay $0x1  }
0x8a: {  	s1 =	srdreg.scid  }
0x8b: {  	s0 =	sand.u32 $0x1, s1  }
0x8c: {  	s18 =	sshll.u32 s0, $0xA;
	s2 =	sadd.s32 s3, s2  }
0x8d: {  	s2 =	sadd.s32 s2, s18  }
0x8e: {  	[smem:$0x3FC6] =	sst s2  }
0x8f: {  	_ = 	snop  }
0x90: {  	s2 =	sld [smem:$0x3FC9]  }
0x91: {  	s19 =	sld [smem:$0x3FC8]  }
0x92: {  	s4 =	sld [smem:$0x3FD0];
	(tm) =	ssettm $0x1  }
0x93: {  	s5 =	sld [smem:$0x3FFB];
	_ =	sdelay $0x3  }
0x94: {  	_ =	strace s5  }
0x95: {  	s5 =	sld [smem:$0x3FFC];
	_ =	sdelay $0x3  }
0x96: {  	_ =	strace s5  }
0x97: {  	s5 =	sld [smem:$0x3FFD];
	_ =	sdelay $0x3  }
0x98: {  	_ =	strace s5  }
0x99: {  	_ =	strace $0x8FFFFFFF  }
0x9a: {  	s20 =	sld [smem:$0x3FDB];
	_ =	sdelay $0x1  }
0x9b: {  	s6 =	simm.s32 $_scs_section_size  }
0x9c: {  	s7 =	simm.s32 $_size__tile_overlayer_lowered;
	s8 =	simm.s32 $_tile_overlayer_lowered  }
0x9d: {  	s23 =	simm.s32 $0x1BFF;
	s22 =	sshll.u32 s8, $0x1;
	s5 =	sadd.s32 s6, s20  }
0x9e: {  	s9 =	simm.s32 $0x0;
	s21 =	sshll.u32 s7, $0x1;
	s7 =	sadd.s32 s22, s5  }
0x9f: {  	[timem:s9], [sflag:s23] =	dma.local [hbm:s7], s21  }
0xa0: {  	_ =	swait.ge [sflag:s23], s21  }
0xa1: {  	s6 =	ssub.s32 $0x0, s21;
	[sflag:s23] =	ssyncset.done $0x0  }
0xa2: {  	[sflag:s23] =	ssyncadd.s32 s6;
	_ =	sdelay $0x1  }
0xa3: {  	s24 =	simm.s32 $0x1B8B  }
0xa4: {  	_ =	swait.ge [sflag:s24], $0x1  }
0xa5: {  	[sflag:s24] =	ssyncset.done $0x0  }
0xa6: {  	s25 =	simm.s32 $0x1B8E;
	[sflag:s24] =	ssyncadd.s32 $0xFFFFFFFF  }
0xa7: {  	s26 =	simm.s32 $execute0_lowered;
	[smem:$0x3FD2] =	sst s25  }
0xa8: {  	s6 =	sshll.u32 s26, $0x1;
	_ =	strace $0x80000046;
	[dreg:$0x1] =	wrdreg $0xFFFFFFFF  }
0xa9: {  	s28 =	simm.s32 $_size_execute0_lowered;
	s5 =	sadd.s32 s5, s6;
	[dreg:$0x0] =	wrdreg $0x0  }
0xaa: {  	s6 =	sshll.u32 s28, $0x1;
	[dreg:$0x2] =	wrdreg s5  }
0xab: {  	[dreg:$0x3] =	wrdreg s6  }
0xac: {  	[dreg:$0x4] =	wrdreg $0xC0  }
0xad: {  	_ =	task [dreg:s9], $0x5FFFF  }
0xae: {  	[dreg:$0x1] =	wrdreg $0xFFFFFFFF  }
0xaf: {  	[dreg:$0x0] =	wrdreg $0x60  }
0xb0: {  	[dreg:$0x2] =	wrdreg s2  }
0xb1: {  	[dreg:$0x3] =	wrdreg s19  }
0xb2: {  	[dreg:$0x4] =	wrdreg s4  }
0xb3: {  	[dreg:$0x5] =	wrdreg $0x9  }
0xb4: {  	_ =	task.clear_ibuf [dreg:s9], $0x6FFFF;
	_ =	strace $0x90000046  }
0xb5: {  	s29 =	simm.s32 $0x9;
	_ =	strace $0x80000048  }
0xb6: {  	_ =	swait.ge [sflag:s29], $0x1  }
0xb7: {  	[sflag:s29] =	ssyncadd.s32 $0xFFFFFFFF  }
0xb8: {  	_ =	strace $0x90000048  }
0xb9: {  	_ =	sfence  }
0xba: {  	s30 =	sld [smem:$0x0];
	_ =	sdelay $0x2  }
0xbb: {  	s31 =	sshll.u32 s1, $0xD;
	s1 =	sshrl.u32 s1, $0x2  }
0xbc: {  	s3 =	sand.u32 $0x4000, s31;
	s1 =	sadd.s32 s1, s30  }
0xbd: {  	s0 =	sor.u32 s3, s0;
	s1 =	sshll.u32 s1, $0x11  }
0xbe: {  	s0 =	sor.u32 s1, s0  }
0xbf: {  	s0 =	sadd.s32 $0x8F2B, s0  }
0xc0: {  	[sflag:s0] =	ssyncadd.remote.s32 $0x1  }
0xc1: {  	_ =	sfence.sel $0xFFFF  }
0xc2: {  	[dreg:$0x0] =	wrdreg $0xFFFFFFFF;
	(pc) =	sbr.abs _section_cstart, $3  }
0xc3: {  	[dreg:$0x1] =	wrdreg $0xFFFFFFFF  }
0xc4: {  	_ =	task.clear_ibuf [dreg:s9], $0x2FFFF;
	_ =	strace $0x9FFFFFFF  }
0xc5: {  	(tm) =	ssettm $0x7FFFFFFF  }
tec
execute0_lowered:
.L_overlay_start_1:
0x0: {  	(tag) =	ssettag $0x1  }
0x1: {  	s1 =	rddreg [dreg:$0x0];
	s0 =	srdreg.scid  }
0x2: {  	s2 =	stileid.u32;
	s4 =	rddreg [dreg:$0x2];
	s5 =	simm.s32 $0x0  }
0x3: {  	s17 =	simm.s32 $0x1;
	s20 =	simm.s32 $0x3000;
	s21 =	simm.s32 $0x4000  }
0x4: {  	s22 =	simm.s32 $0x2;
	s23 =	simm.s32 $0x8000;
	s24 =	simm.s32 $0x3  }
0x5: {  	s25 =	simm.s32 $0xC000;
	s26 =	simm.s32 $0x4;
	s28 =	simm.s32 $0x8  }
0x6: {  	s29 =	simm.s32 $0x10000;
	s0 =	sand.u32 $0x1, s0;
	s2 =	sshll.u32 s2, $0x1  }
0x7: {  	[smem:$0x7FF] =	sst s5;
	s2 =	sor.u32 s0, s2;
	s0 =	ssub.s32 $0x2, s0  }
0x8: {  	_ =	strace $0x80000047;
	s3 =	sshll.u32 s2, $0x10;
	s6 =	sshrl.u32 s0, $0x1  }
0x9: {  	s7 =	sshll.u32 s2, $0x7;
	s2 =	simm.s32 $0x0;
	s3 =	sadd.s32 s1, s3  }
0xa: {  	s0 =	ssub.s32 s0, s6;
	s30 =	sadd.s32 $0x200, s3;
	[dreg:$0x4] =	wrdreg s3  }
0xb: {  	s10 =	sor.u32 $0x4, s7;
	s31 =	sadd.s32 $0x400, s3;
	[dreg:$0x5] =	wrdreg s30  }
0xc: {  	v0 =	vimm.f32 $0.0e+00;
	vm0 =	vmmov $0x1;
	s11 =	sor.u32 $0x5, s7;
	s0 =	smax.u32 s0, $0x1;
	[dreg:$0x6] =	wrdreg s31  }
0xd: {  	vm1 =	vcmask $0x308;
	vm2 =	vcmask $0x70C;
	vm3 =	vcmask $0xB10;
	s12 =	sor.u32 $0x6, s7;
	s14 =	sor.u32 $0x3, s7;
	[dreg:$0x7] =	wrdreg s0  }
.LBB2_1:
0xe: {  	[dreg:$0x8] =	wrdreg s2  }
0xf: {  	s0 =	rddreg [dreg:$0x1];
	s30 =	simm.s32 $0x14000;
	s31 =	simm.s32 $0x9  }
0x10: {  	[tilespmem:s30], [sflag:$0x9] =	stream.linear.gather [hbm4b:s0+s5], $0x4, $0x38;
	[tilespmem:$0x14080] =	vst v63  }
0x11: {  	_ =	swait.ge [sflag:s31], $0x4  }
0x12: {  	[sflag:s31] =	ssyncset.done $0x0  }
0x13: {  	[sflag:s31] =	ssyncadd.s32 $0xFFFFFFFC  }
0x14: {  	s6 =	simm.s32 $0x40;
	s3 =	simm.s32 $0x0;
	v1 =	vld [tilespmem:$0x14000]  }
.LBB2_2:
0x15: {  	p0 =	sne.s32 s6, $0x3FFC0;
	[tilespmem:s3+$0x4000] =	vst v0;
	s3 =	smov.u32 s6;
	s6 =	sadd.s32 $0x40, s6  }
.Ltmp0:
0x16: {  	(pc) =	sbr.rel @p0 .LBB2_2-.Ltmp0, $2  }
0x17: {  	_ =	sdelay $0x2  }
0x18: {  	s3 =	sshra.s32 s3, $0x2  }
0x19: {  	v2 =	vnsel vm0, $0x0, v1  }
0x1a: {  	v2 =	vxor.u32 $0x80000000, v2  }
0x1b: {  	(xrf0) =	vmax.scan.msk.u32 $0xffff, v2  }
0x1c: {  	v2 =	vsel vm1, $0x0, v1  }
0x1d: {  	v2 =	vxor.u32 $0x80000000, v2  }
0x1e: {  	(xrf0) =	vmax.scan.msk.u32 $0xffff, v2;
	_ =	sdelay $0x1  }
0x1f: {  	v2 =	vsel vm2, $0x0, v1  }
0x20: {  	v2 =	vxor.u32 $0x80000000, v2;
	v3, _, _ =	vpop (xrf0)  }
0x21: {  	(v2sf) =	vpush v3, $0xF  }
0x22: {  	(xrf0) =	vmax.scan.msk.u32 $0xffff, v2  }
0x23: {  	v2, _, _ =	vpop (xrf0)  }
0x24: {  	(v2sf) =	vpush v2, $0xF;
	_ =	sdelay $0x3  }
0x25: {  	v2, _, _ =	vpop (xrf0)  }
0x26: {  	(v2sf) =	vpush v2, $0xF;
	_ =	sdelay $0x1  }
0x27: {  	v1 =	vsel vm3, $0x0, v1  }
0x28: {  	v1 =	vxor.u32 $0x80000000, v1  }
0x29: {  	(xrf0) =	vmax.scan.msk.u32 $0xffff, v1;
	_ =	sdelay $0x2  }
0x2a: {  	s16 =	simm.s32 $0x1;
	s8 =	spop (v2sf)  }
0x2b: {  	[tilespmem:s3+$0x4000] =	vst v0;
	s3 =	simm.s32 $0x0;
	s9 =	sxor.u32 $0x80000000, s8;
	p1 =	sgt.s32 s8, $0xFFFFFFFF  }
0x2c: {  	s8 =	sand.u32 $0x7, s8;
	s6 =	sshra.s32 s9, $0x1F;
	p0 =	slt.s32 s9, $0x1  }
0x2d: {  	v1, _, _ =	vpop (xrf0);
	s8 =	sshll.u32 s8, $0x9;
	s13 =	sshrl.u32 s6, $0x1D;
	s6 =	spop (v2sf)  }
0x2e: {  	(v2sf) =	vpush v1, $0xF;
	p0 =	por p1, p0;
	s13 =	sadd.s32 s13, s9;
	s31 =	sxor.u32 $0x80000000, s6  }
0x2f: {  	p5 =	sgt.s32 s6, $0xFFFFFFFF;
	s6 =	sand.u32 $0x7, s6;
	s15 =	sand.u32 $0xFFFFFFF8, s13  }
0x30: {  	s18 =	sshra.s32 s31, $0x1F;
	s13 =	sshrl.u32 s13, $0x3;
	p4 =	slt.s32 s31, $0x1  }
0x31: {  	s6 =	sshll.u32 s6, $0x9;
	p3 =	sne.s32 s9, s15;
	s18 =	sshrl.u32 s18, $0x1D  }
0x32: {  	s9 =	spop (v2sf);
	p0 =	por !p0, !p3;
	s18 =	sadd.s32 s18, s31  }
0x33: {  	s0 =	sxor.u32 $0x80000000, s9;
	p2 =	sgt.s32 s9, $0xFFFFFFFF;
	s9 =	sand.u32 $0x7, s9  }
0x34: {  	p0 =	por !p0, !p0;
	s30 =	sand.u32 $0xFFFFFFF8, s18;
	s2 =	sshra.s32 s0, $0x1F  }
0x35: {  	p1 =	slt.s32 s0, $0x1;
	s18 =	sshrl.u32 s18, $0x3;
	s9 =	sshll.u32 s9, $0x9  }
0x36: {  	s16 =	simm.s32 @!p0 $0x0;
	p0 =	por p5, p4;
	p6 =	sne.s32 s31, s30  }
0x37: {  	s13 =	ssub.s32 s13, s16;
	p0 =	por !p0, !p6;
	s16 =	sshrl.u32 s2, $0x1D  }
0x38: {  	s30 =	simm.s32 $0x1;
	p0 =	por !p0, !p0;
	s16 =	sadd.s32 s16, s0  }
0x39: {  	s13 =	sshll.u32 s13, $0xF;
	s30 =	simm.s32 @!p0 $0x0;
	s31 =	sand.u32 $0xFFFFFFF8, s16  }
0x3a: {  	p0 =	por p2, p1;
	s16 =	sshrl.u32 s16, $0x3;
	s8 =	sor.u32 s8, s13  }
0x3b: {  	p3 =	sne.s32 s0, s31;
	s0 =	simm.s32 $0x1;
	s18 =	ssub.s32 s18, s30  }
0x3c: {  	s8 =	sshra.s32 s8, $0x2;
	p0 =	por !p0, !p3;
	s18 =	sshll.u32 s18, $0xF  }
0x3d: {  	s13 =	sadd.s32 $0x4070, s8;
	s2 =	spop (v2sf);
	p0 =	por !p0, !p0  }
0x3e: {  	s6 =	sor.u32 s6, s18;
	s15 =	sxor.u32 $0x80000000, s2;
	s0 =	simm.s32 @!p0 $0x0  }
0x3f: {  	p5 =	sgt.s32 s2, $0xFFFFFFFF;
	s2 =	sand.u32 $0x7, s2;
	s6 =	sshra.s32 s6, $0x2  }
0x40: {  	s19 =	sshra.s32 s15, $0x1F;
	p4 =	slt.s32 s15, $0x1;
	s0 =	ssub.s32 s16, s0  }
0x41: {  	s16 =	simm.s32 $0x1;
	s2 =	sshll.u32 s2, $0x9;
	s31 =	sshrl.u32 s19, $0x1D  }
0x42: {  	p0 =	por p5, p4;
	s19 =	rddreg [dreg:$0x4];
	s0 =	sshll.u32 s0, $0xF  }
0x43: {  	[tilespmem:s3], [sflag:$0x1] =	stream.linear.gather [hbm4b:s19+s3], $0x1000, $0x38;
	[tilespmem:$0x14080] =	vst v63  }
0x44: {  	s30 =	sadd.s32 s31, s15;
	s19 =	simm.s32 $0x1000;
	s0 =	sor.u32 s9, s0  }
0x45: {  	s31 =	sand.u32 $0xFFFFFFF8, s30;
	s30 =	sshra.s32 s30, $0x3;
	s0 =	sshra.s32 s0, $0x2  }
0x46: {  	p6 =	sne.s32 s15, s31;
	s15 =	simm.s32 $0xFFFFFFFF;
	s31 =	rddreg [dreg:$0x5]  }
0x47: {  	[tilespmem:s19], [sflag:$0x2] =	stream.linear.gather [hbm4b:s31+s3], $0x1000, $0x38;
	[tilespmem:$0x14080] =	vst v63  }
0x48: {  	s18 =	sadd.s32 $0x4070, s0;
	p0 =	por !p0, !p6;
	s31 =	rddreg [dreg:$0x6]  }
0x49: {  	s19 =	simm.s32 $0x2000;
	v3 =	vmov s18;
	s18 =	sadd.s32 $0xC040, s6;
	p0 =	por !p0, !p0  }
0x4a: {  	[tilespmem:s19], [sflag:$0x3] =	stream.linear.gather [hbm4b:s31+s3], $0x1000, $0x38;
	[tilespmem:$0x14080] =	vst v63  }
0x4b: {  	s15 =	simm.s32 @!p0 $0x0;
	s16 =	simm.s32 @!p0 $0x0;
	s31 =	sshll.u32 s30, $0xF  }
0x4c: {  	s16 =	ssub.s32 s30, s16;
	s15 =	sshll.u32 s15, $0xF;
	s30 =	sadd.s32 $0x8040, s8  }
0x4d: {  	s16 =	sshll.u32 s16, $0xF;
	s15 =	sadd.s32 s15, s31;
	s31 =	sadd.s32 $0x8040, s0  }
0x4e: {  	s9 =	sor.u32 s2, s15;
	s15 =	sadd.s32 $0x4070, s6;
	s2 =	sor.u32 s2, s16  }
0x4f: {  	v1 =	vmov s13;
	v10 =	vmov s18;
	s16 =	sadd.s32 $0x8040, s6;
	v7 =	vmov s31;
	s31 =	sadd.s32 $0xC040, s0;
	s6 =	sadd.s32 $0x10040, s6  }
0x50: {  	v5 =	vmov s30;
	s0 =	sadd.s32 $0x10040, s0;
	s9 =	sshra.s32 s9, $0x2;
	s2 =	sshra.s32 s2, $0x2;
	v2 =	vmov s15;
	v6 =	vmov s16  }
0x51: {  	s15 =	sadd.s32 $0xC040, s8;
	s8 =	sadd.s32 $0x10040, s8;
	v11 =	vmov s31;
	v14 =	vmov s6;
	v15 =	vmov s0;
	s9 =	sadd.s32 $0x4000, s9  }
0x52: {  	s30 =	sadd.s32 $0xC040, s2;
	v9 =	vmov s15;
	v13 =	vmov s8;
	v4 =	vmov s9;
	s9 =	sadd.s32 $0x8040, s2;
	s2 =	sadd.s32 $0x10040, s2  }
0x53: {  	v12 =	vmov s30;
	v8 =	vmov s9;
	v16 =	vmov s2  }
.LBB2_4:
0x54: {  	s18 =	sshll.u32 s3, $0x2  }
0x55: {  	s15 =	sor.u32 s14, s18  }
0x56: {  	s0 =	sshll.u32 s15, $0x9  }
0x57: {  	s0 =	sand.u32 $0x1FFFFE00, s0  }
0x58: {  	s0 =	sadd.s32 s1, s0  }
0x59: {  	[tilespmem:s20], [sflag:$0x4] =	stream.linear.gather [hbm4b:s0+s5], $0x1000, $0x38;
	[tilespmem:$0x14080] =	vst v63  }
0x5a: {  	_ =	swait.ge [sflag:s17], $0x1000  }
0x5b: {  	p0 =	seq.s32 s3, $0x0;
	[sflag:s17] =	ssyncset.done $0x0  }
0x5c: {  	s0 =	simm.s32 @!p0 $0x5;
	[sflag:s17] =	ssyncadd.s32 $0xFFFFF000  }
0x5d: {  	_ =	swait.ge @!p0 [sflag:s0], $0x4000  }
0x5e: {  	[sflag:s0] =	ssyncset.done @!p0 $0x0  }
0x5f: {  	s8 =	simm.s32 $0x100;
	[sflag:s0] =	ssyncadd.s32 @!p0 $0xFFFFC000  }
0x60: {  	v17 =	vld [tilespmem:s8+$0xFFFFFF00];
	_ =	sdelay $0x3  }
0x61: {  	s9 =	simm.s32 $0x0  }
0x62: {  	[tilespmem:v1+s9+$0xFFFFFF90 ss:$0x1] =	vst.idx.msk $0xffff, v17  }
0x63: {  	v17 =	vld [tilespmem:s8+$0xFFFFFF10];
	_ =	sdelay $0x4  }
0x64: {  	[tilespmem:v1+s9+$0xFFFFFFA0 ss:$0x1] =	vst.idx.msk $0xffff, v17  }
0x65: {  	v17 =	vld [tilespmem:s8+$0xFFFFFF20];
	_ =	sdelay $0x4  }
0x66: {  	[tilespmem:v1+s9+$0xFFFFFFB0 ss:$0x1] =	vst.idx.msk $0xffff, v17  }
0x67: {  	v17 =	vld [tilespmem:s8+$0xFFFFFF30];
	_ =	sdelay $0x4  }
0x68: {  	[tilespmem:v1+s9+$0xFFFFFFC0 ss:$0x1] =	vst.idx.msk $0xffff, v17  }
0x69: {  	v17 =	vld [tilespmem:s8+$0xFFFFFF40];
	_ =	sdelay $0x4  }
0x6a: {  	[tilespmem:v1+s9+$0xFFFFFFD0 ss:$0x1] =	vst.idx.msk $0xffff, v17  }
0x6b: {  	v17 =	vld [tilespmem:s8+$0xFFFFFF50];
	_ =	sdelay $0x4  }
0x6c: {  	[tilespmem:v1+s9+$0xFFFFFFE0 ss:$0x1] =	vst.idx.msk $0xffff, v17  }
0x6d: {  	v17 =	vld [tilespmem:s8+$0xFFFFFF60];
	_ =	sdelay $0x4  }
0x6e: {  	[tilespmem:v1+s9+$0xFFFFFFF0 ss:$0x1] =	vst.idx.msk $0xffff, v17  }
0x6f: {  	v17 =	vld [tilespmem:s8+$0xFFFFFF70];
	_ =	sdelay $0x4  }
0x70: {  	[tilespmem:v1+s9+$0x0 ss:$0x1] =	vst.idx.msk $0xffff, v17  }
0x71: {  	v17 =	vld [tilespmem:s8+$0xFFFFFF80];
	_ =	sdelay $0x4  }
0x72: {  	[tilespmem:v2+s9+$0xFFFFFF90 ss:$0x1] =	vst.idx.msk $0xffff, v17  }
0x73: {  	v17 =	vld [tilespmem:s8+$0xFFFFFF90];
	_ =	sdelay $0x4  }
0x74: {  	[tilespmem:v2+s9+$0xFFFFFFA0 ss:$0x1] =	vst.idx.msk $0xffff, v17  }
0x75: {  	v17 =	vld [tilespmem:s8+$0xFFFFFFA0];
	_ =	sdelay $0x4  }
0x76: {  	[tilespmem:v2+s9+$0xFFFFFFB0 ss:$0x1] =	vst.idx.msk $0xffff, v17  }
0x77: {  	v17 =	vld [tilespmem:s8+$0xFFFFFFB0];
	_ =	sdelay $0x4  }
0x78: {  	[tilespmem:v2+s9+$0xFFFFFFC0 ss:$0x1] =	vst.idx.msk $0xffff, v17  }
0x79: {  	v17 =	vld [tilespmem:s8+$0xFFFFFFC0];
	_ =	sdelay $0x4  }
0x7a: {  	[tilespmem:v2+s9+$0xFFFFFFD0 ss:$0x1] =	vst.idx.msk $0xffff, v17  }
0x7b: {  	v17 =	vld [tilespmem:s8+$0xFFFFFFD0];
	_ =	sdelay $0x4  }
0x7c: {  	[tilespmem:v2+s9+$0xFFFFFFE0 ss:$0x1] =	vst.idx.msk $0xffff, v17  }
0x7d: {  	v17 =	vld [tilespmem:s8+$0xFFFFFFE0];
	_ =	sdelay $0x4  }
0x7e: {  	[tilespmem:v2+s9+$0xFFFFFFF0 ss:$0x1] =	vst.idx.msk $0xffff, v17  }
0x7f: {  	v17 =	vld [tilespmem:s8+$0xFFFFFFF0];
	_ =	sdelay $0x4  }
0x80: {  	[tilespmem:v2+s9+$0x0 ss:$0x1] =	vst.idx.msk $0xffff, v17  }
0x81: {  	v17 =	vld [tilespmem:s8+$0x0];
	_ =	sdelay $0x4  }
0x82: {  	[tilespmem:v3+s9+$0xFFFFFF90 ss:$0x1] =	vst.idx.msk $0xffff, v17  }
0x83: {  	v17 =	vld [tilespmem:s8+$0x10];
	_ =	sdelay $0x4  }
0x84: {  	[tilespmem:v3+s9+$0xFFFFFFA0 ss:$0x1] =	vst.idx.msk $0xffff, v17  }
0x85: {  	v17 =	vld [tilespmem:s8+$0x20];
	_ =	sdelay $0x4  }
0x86: {  	[tilespmem:v3+s9+$0xFFFFFFB0 ss:$0x1] =	vst.idx.msk $0xffff, v17  }
0x87: {  	v17 =	vld [tilespmem:s8+$0x30];
	_ =	sdelay $0x4  }
0x88: {  	[tilespmem:v3+s9+$0xFFFFFFC0 ss:$0x1] =	vst.idx.msk $0xffff, v17  }
0x89: {  	v17 =	vld [tilespmem:s8+$0x40];
	_ =	sdelay $0x4  }
0x8a: {  	[tilespmem:v3+s9+$0xFFFFFFD0 ss:$0x1] =	vst.idx.msk $0xffff, v17  }
0x8b: {  	v17 =	vld [tilespmem:s8+$0x50];
	_ =	sdelay $0x4  }
0x8c: {  	[tilespmem:v3+s9+$0xFFFFFFE0 ss:$0x1] =	vst.idx.msk $0xffff, v17  }
0x8d: {  	v17 =	vld [tilespmem:s8+$0x60];
	_ =	sdelay $0x4  }
0x8e: {  	[tilespmem:v3+s9+$0xFFFFFFF0 ss:$0x1] =	vst.idx.msk $0xffff, v17  }
0x8f: {  	v17 =	vld [tilespmem:s8+$0x70];
	_ =	sdelay $0x4  }
0x90: {  	[tilespmem:v3+s9+$0x0 ss:$0x1] =	vst.idx.msk $0xffff, v17  }
0x91: {  	v17 =	vld [tilespmem:s8+$0x80];
	_ =	sdelay $0x4  }
0x92: {  	[tilespmem:v4+s9+$0x0 ss:$0x1] =	vst.idx.msk $0xffff, v17  }
0x93: {  	v17 =	vld [tilespmem:s8+$0x90];
	_ =	sdelay $0x4  }
0x94: {  	[tilespmem:v4+s9+$0x10 ss:$0x1] =	vst.idx.msk $0xffff, v17  }
0x95: {  	v17 =	vld [tilespmem:s8+$0xA0];
	_ =	sdelay $0x4  }
0x96: {  	[tilespmem:v4+s9+$0x20 ss:$0x1] =	vst.idx.msk $0xffff, v17  }
0x97: {  	v17 =	vld [tilespmem:s8+$0xB0];
	_ =	sdelay $0x4  }
0x98: {  	[tilespmem:v4+s9+$0x30 ss:$0x1] =	vst.idx.msk $0xffff, v17  }
0x99: {  	v17 =	vld [tilespmem:s8+$0xC0];
	_ =	sdelay $0x4  }
0x9a: {  	[tilespmem:v4+s9+$0x40 ss:$0x1] =	vst.idx.msk $0xffff, v17  }
0x9b: {  	v17 =	vld [tilespmem:s8+$0xD0];
	_ =	sdelay $0x4  }
0x9c: {  	[tilespmem:v4+s9+$0x50 ss:$0x1] =	vst.idx.msk $0xffff, v17  }
0x9d: {  	v17 =	vld [tilespmem:s8+$0xE0];
	_ =	sdelay $0x4  }
0x9e: {  	[tilespmem:v4+s9+$0x60 ss:$0x1] =	vst.idx.msk $0xffff, v17  }
0x9f: {  	s6 =	simm.s32 $0x1000;
	s13 =	sadd.s32 s7, s18;
	v17 =	vld [tilespmem:s8+$0xF0]  }
.LBB2_5:
0xa0: {  	_ =	sdelay $0x2  }
0xa1: {  	p1 =	sne.s32 s6, $0x7000  }
0xa2: {  	s8 =	sadd.s32 $0x200, s8;
	s0 =	smov.u32 s6;
	s6 =	sadd.s32 $0x1000, s6;
	[tilespmem:v4+s9+$0x70 ss:$0x1] =	vst.idx.msk $0xffff, v17  }
0xa3: {  	v17 =	vld [tilespmem:s8+$0xFFFFFF00];
	_ =	sdelay $0x3  }
0xa4: {  	s9 =	sshra.s32 s0, $0x2  }
0xa5: {  	[tilespmem:v1+s9+$0xFFFFFF90 ss:$0x1] =	vst.idx.msk $0xffff, v17  }
0xa6: {  	v17 =	vld [tilespmem:s8+$0xFFFFFF10];
	_ =	sdelay $0x4  }
0xa7: {  	[tilespmem:v1+s9+$0xFFFFFFA0 ss:$0x1] =	vst.idx.msk $0xffff, v17  }
0xa8: {  	v17 =	vld [tilespmem:s8+$0xFFFFFF20];
	_ =	sdelay $0x4  }
0xa9: {  	[tilespmem:v1+s9+$0xFFFFFFB0 ss:$0x1] =	vst.idx.msk $0xffff, v17  }
0xaa: {  	v17 =	vld [tilespmem:s8+$0xFFFFFF30];
	_ =	sdelay $0x4  }
0xab: {  	[tilespmem:v1+s9+$0xFFFFFFC0 ss:$0x1] =	vst.idx.msk $0xffff, v17  }
0xac: {  	v17 =	vld [tilespmem:s8+$0xFFFFFF40];
	_ =	sdelay $0x4  }
0xad: {  	[tilespmem:v1+s9+$0xFFFFFFD0 ss:$0x1] =	vst.idx.msk $0xffff, v17  }
0xae: {  	v17 =	vld [tilespmem:s8+$0xFFFFFF50];
	_ =	sdelay $0x4  }
0xaf: {  	[tilespmem:v1+s9+$0xFFFFFFE0 ss:$0x1] =	vst.idx.msk $0xffff, v17  }
0xb0: {  	v17 =	vld [tilespmem:s8+$0xFFFFFF60];
	_ =	sdelay $0x4  }
0xb1: {  	[tilespmem:v1+s9+$0xFFFFFFF0 ss:$0x1] =	vst.idx.msk $0xffff, v17  }
0xb2: {  	v17 =	vld [tilespmem:s8+$0xFFFFFF70];
	_ =	sdelay $0x4  }
0xb3: {  	[tilespmem:v1+s9+$0x0 ss:$0x1] =	vst.idx.msk $0xffff, v17  }
0xb4: {  	v17 =	vld [tilespmem:s8+$0xFFFFFF80];
	_ =	sdelay $0x4  }
0xb5: {  	[tilespmem:v2+s9+$0xFFFFFF90 ss:$0x1] =	vst.idx.msk $0xffff, v17  }
0xb6: {  	v17 =	vld [tilespmem:s8+$0xFFFFFF90];
	_ =	sdelay $0x4  }
0xb7: {  	[tilespmem:v2+s9+$0xFFFFFFA0 ss:$0x1] =	vst.idx.msk $0xffff, v17  }
0xb8: {  	v17 =	vld [tilespmem:s8+$0xFFFFFFA0];
	_ =	sdelay $0x4  }
0xb9: {  	[tilespmem:v2+s9+$0xFFFFFFB0 ss:$0x1] =	vst.idx.msk $0xffff, v17  }
0xba: {  	v17 =	vld [tilespmem:s8+$0xFFFFFFB0];
	_ =	sdelay $0x4  }
0xbb: {  	[tilespmem:v2+s9+$0xFFFFFFC0 ss:$0x1] =	vst.idx.msk $0xffff, v17  }
0xbc: {  	v17 =	vld [tilespmem:s8+$0xFFFFFFC0];
	_ =	sdelay $0x4  }
0xbd: {  	[tilespmem:v2+s9+$0xFFFFFFD0 ss:$0x1] =	vst.idx.msk $0xffff, v17  }
0xbe: {  	v17 =	vld [tilespmem:s8+$0xFFFFFFD0];
	_ =	sdelay $0x4  }
0xbf: {  	[tilespmem:v2+s9+$0xFFFFFFE0 ss:$0x1] =	vst.idx.msk $0xffff, v17  }
0xc0: {  	v17 =	vld [tilespmem:s8+$0xFFFFFFE0];
	_ =	sdelay $0x4  }
0xc1: {  	[tilespmem:v2+s9+$0xFFFFFFF0 ss:$0x1] =	vst.idx.msk $0xffff, v17  }
0xc2: {  	v17 =	vld [tilespmem:s8+$0xFFFFFFF0];
	_ =	sdelay $0x4  }
0xc3: {  	[tilespmem:v2+s9+$0x0 ss:$0x1] =	vst.idx.msk $0xffff, v17  }
0xc4: {  	v17 =	vld [tilespmem:s8+$0x0];
	_ =	sdelay $0x4  }
0xc5: {  	[tilespmem:v3+s9+$0xFFFFFF90 ss:$0x1] =	vst.idx.msk $0xffff, v17  }
0xc6: {  	v17 =	vld [tilespmem:s8+$0x10];
	_ =	sdelay $0x4  }
0xc7: {  	[tilespmem:v3+s9+$0xFFFFFFA0 ss:$0x1] =	vst.idx.msk $0xffff, v17  }
0xc8: {  	v17 =	vld [tilespmem:s8+$0x20];
	_ =	sdelay $0x4  }
0xc9: {  	[tilespmem:v3+s9+$0xFFFFFFB0 ss:$0x1] =	vst.idx.msk $0xffff, v17  }
0xca: {  	v17 =	vld [tilespmem:s8+$0x30];
	_ =	sdelay $0x4  }
0xcb: {  	[tilespmem:v3+s9+$0xFFFFFFC0 ss:$0x1] =	vst.idx.msk $0xffff, v17  }
0xcc: {  	v17 =	vld [tilespmem:s8+$0x40];
	_ =	sdelay $0x4  }
0xcd: {  	[tilespmem:v3+s9+$0xFFFFFFD0 ss:$0x1] =	vst.idx.msk $0xffff, v17  }
0xce: {  	v17 =	vld [tilespmem:s8+$0x50];
	_ =	sdelay $0x4  }
0xcf: {  	[tilespmem:v3+s9+$0xFFFFFFE0 ss:$0x1] =	vst.idx.msk $0xffff, v17  }
0xd0: {  	v17 =	vld [tilespmem:s8+$0x60];
	_ =	sdelay $0x4  }
0xd1: {  	[tilespmem:v3+s9+$0xFFFFFFF0 ss:$0x1] =	vst.idx.msk $0xffff, v17  }
0xd2: {  	v17 =	vld [tilespmem:s8+$0x70];
	_ =	sdelay $0x4  }
0xd3: {  	[tilespmem:v3+s9+$0x0 ss:$0x1] =	vst.idx.msk $0xffff, v17  }
0xd4: {  	v17 =	vld [tilespmem:s8+$0x80];
	_ =	sdelay $0x4  }
0xd5: {  	[tilespmem:v4+s9+$0x0 ss:$0x1] =	vst.idx.msk $0xffff, v17  }
0xd6: {  	v17 =	vld [tilespmem:s8+$0x90];
	_ =	sdelay $0x4  }
0xd7: {  	[tilespmem:v4+s9+$0x10 ss:$0x1] =	vst.idx.msk $0xffff, v17  }
0xd8: {  	v17 =	vld [tilespmem:s8+$0xA0];
	_ =	sdelay $0x4  }
0xd9: {  	[tilespmem:v4+s9+$0x20 ss:$0x1] =	vst.idx.msk $0xffff, v17  }
0xda: {  	v17 =	vld [tilespmem:s8+$0xB0];
	_ =	sdelay $0x4  }
0xdb: {  	[tilespmem:v4+s9+$0x30 ss:$0x1] =	vst.idx.msk $0xffff, v17  }
0xdc: {  	v17 =	vld [tilespmem:s8+$0xC0];
	_ =	sdelay $0x4  }
0xdd: {  	[tilespmem:v4+s9+$0x40 ss:$0x1] =	vst.idx.msk $0xffff, v17  }
0xde: {  	v17 =	vld [tilespmem:s8+$0xD0];
	_ =	sdelay $0x4  }
0xdf: {  	[tilespmem:v4+s9+$0x50 ss:$0x1] =	vst.idx.msk $0xffff, v17  }
0xe0: {  	v17 =	vld [tilespmem:s8+$0xE0];
	_ =	sdelay $0x1  }
.Ltmp1:
0xe1: {  	(pc) =	sbr.rel @p1 .LBB2_5-.Ltmp1, $3  }
0xe2: {  	_ =	sdelay $0x1  }
0xe3: {  	[tilespmem:v4+s9+$0x60 ss:$0x1] =	vst.idx.msk $0xffff, v17  }
0xe4: {  	v17 =	vld [tilespmem:s8+$0xF0]  }
0xe5: {  	_ =	sdelay $0x2  }
0xe6: {  	s0 =	sshll.u32 s13, $0xB  }
0xe7: {  	p1 =	seq.s32 s3, $0x1F;
	s0 =	sadd.s32 s4, s0;
	[tilespmem:v4+s9+$0x70 ss:$0x1] =	vst.idx.msk $0xffff, v17  }
0xe8: {  	[hbm4b:s0+s5] =	stream.linear.scatter [tilespmem:s21], [sflag:$0x5], $0x4000, $0x38;
	[tilespmem:$0x14080] =	vst v63  }
0xe9: {  	s0 =	sadd.s32 @!p1 s18, s10  }
0xea: {  	s0 =	sshll.u32 @!p1 s0, $0x9  }
0xeb: {  	s0 =	sand.u32 @!p1 $0x1FFFF800, s0  }
0xec: {  	s2 =	simm.s32 @!p1 $0x0;
	s0 =	sadd.s32 @!p1 s1, s0  }
0xed: {  	[tilespmem:s2], [sflag:$0x1] =	stream.linear.gather @!p1 [hbm4b:s0+s2], $0x1000, $0x38;
	[tilespmem:$0x14080] =	vst v63  }
0xee: {  	_ =	swait.ge [sflag:s22], $0x1000  }
0xef: {  	[sflag:s22] =	ssyncset.done $0x0  }
0xf0: {  	s0 =	simm.s32 @!p0 $0x6;
	[sflag:s22] =	ssyncadd.s32 $0xFFFFF000  }
0xf1: {  	_ =	swait.ge @!p0 [sflag:s0], $0x4000  }
0xf2: {  	[sflag:s0] =	ssyncset.done @!p0 $0x0  }
0xf3: {  	s8 =	simm.s32 $0x11F0;
	[sflag:s0] =	ssyncadd.s32 @!p0 $0xFFFFC000  }
0xf4: {  	v17 =	vld [tilespmem:s8+$0xFFFFFE10];
	_ =	sdelay $0x3  }
0xf5: {  	s9 =	simm.s32 $0x0  }
0xf6: {  	[tilespmem:v5+s9+$0xFFFFFFC0 ss:$0x1] =	vst.idx.msk $0xffff, v17  }
0xf7: {  	v17 =	vld [tilespmem:s8+$0xFFFFFE20];
	_ =	sdelay $0x4  }
0xf8: {  	[tilespmem:v5+s9+$0xFFFFFFD0 ss:$0x1] =	vst.idx.msk $0xffff, v17  }
0xf9: {  	v17 =	vld [tilespmem:s8+$0xFFFFFE30];
	_ =	sdelay $0x4  }
0xfa: {  	[tilespmem:v5+s9+$0xFFFFFFE0 ss:$0x1] =	vst.idx.msk $0xffff, v17  }
0xfb: {  	v17 =	vld [tilespmem:s8+$0xFFFFFE40];
	_ =	sdelay $0x4  }
0xfc: {  	[tilespmem:v5+s9+$0xFFFFFFF0 ss:$0x1] =	vst.idx.msk $0xffff, v17  }
0xfd: {  	v17 =	vld [tilespmem:s8+$0xFFFFFE50];
	_ =	sdelay $0x4  }
0xfe: {  	[tilespmem:v5+s9+$0x0 ss:$0x1] =	vst.idx.msk $0xffff, v17  }
0xff: {  	v17 =	vld [tilespmem:s8+$0xFFFFFE60];
	_ =	sdelay $0x4  }
0x100: {  	[tilespmem:v5+s9+$0x10 ss:$0x1] =	vst.idx.msk $0xffff, v17  }
0x101: {  	v17 =	vld [tilespmem:s8+$0xFFFFFE70];
	_ =	sdelay $0x4  }
0x102: {  	[tilespmem:v5+s9+$0x20 ss:$0x1] =	vst.idx.msk $0xffff, v17  }
0x103: {  	v17 =	vld [tilespmem:s8+$0xFFFFFE80];
	_ =	sdelay $0x4  }
0x104: {  	[tilespmem:v5+s9+$0x30 ss:$0x1] =	vst.idx.msk $0xffff, v17  }
0x105: {  	v17 =	vld [tilespmem:s8+$0xFFFFFE90];
	_ =	sdelay $0x4  }
0x106: {  	[tilespmem:v6+s9+$0xFFFFFFC0 ss:$0x1] =	vst.idx.msk $0xffff, v17  }
0x107: {  	v17 =	vld [tilespmem:s8+$0xFFFFFEA0];
	_ =	sdelay $0x4  }
0x108: {  	[tilespmem:v6+s9+$0xFFFFFFD0 ss:$0x1] =	vst.idx.msk $0xffff, v17  }
0x109: {  	v17 =	vld [tilespmem:s8+$0xFFFFFEB0];
	_ =	sdelay $0x4  }
0x10a: {  	[tilespmem:v6+s9+$0xFFFFFFE0 ss:$0x1] =	vst.idx.msk $0xffff, v17  }
0x10b: {  	v17 =	vld [tilespmem:s8+$0xFFFFFEC0];
	_ =	sdelay $0x4  }
0x10c: {  	[tilespmem:v6+s9+$0xFFFFFFF0 ss:$0x1] =	vst.idx.msk $0xffff, v17  }
0x10d: {  	v17 =	vld [tilespmem:s8+$0xFFFFFED0];
	_ =	sdelay $0x4  }
0x10e: {  	[tilespmem:v6+s9+$0x0 ss:$0x1] =	vst.idx.msk $0xffff, v17  }
0x10f: {  	v17 =	vld [tilespmem:s8+$0xFFFFFEE0];
	_ =	sdelay $0x4  }
0x110: {  	[tilespmem:v6+s9+$0x10 ss:$0x1] =	vst.idx.msk $0xffff, v17  }
0x111: {  	v17 =	vld [tilespmem:s8+$0xFFFFFEF0];
	_ =	sdelay $0x4  }
0x112: {  	[tilespmem:v6+s9+$0x20 ss:$0x1] =	vst.idx.msk $0xffff, v17  }
0x113: {  	v17 =	vld [tilespmem:s8+$0xFFFFFF00];
	_ =	sdelay $0x4  }
0x114: {  	[tilespmem:v6+s9+$0x30 ss:$0x1] =	vst.idx.msk $0xffff, v17  }
0x115: {  	v17 =	vld [tilespmem:s8+$0xFFFFFF10];
	_ =	sdelay $0x4  }
0x116: {  	[tilespmem:v7+s9+$0xFFFFFFC0 ss:$0x1] =	vst.idx.msk $0xffff, v17  }
0x117: {  	v17 =	vld [tilespmem:s8+$0xFFFFFF20];
	_ =	sdelay $0x4  }
0x118: {  	[tilespmem:v7+s9+$0xFFFFFFD0 ss:$0x1] =	vst.idx.msk $0xffff, v17  }
0x119: {  	v17 =	vld [tilespmem:s8+$0xFFFFFF30];
	_ =	sdelay $0x4  }
0x11a: {  	[tilespmem:v7+s9+$0xFFFFFFE0 ss:$0x1] =	vst.idx.msk $0xffff, v17  }
0x11b: {  	v17 =	vld [tilespmem:s8+$0xFFFFFF40];
	_ =	sdelay $0x4  }
0x11c: {  	[tilespmem:v7+s9+$0xFFFFFFF0 ss:$0x1] =	vst.idx.msk $0xffff, v17  }
0x11d: {  	v17 =	vld [tilespmem:s8+$0xFFFFFF50];
	_ =	sdelay $0x4  }
0x11e: {  	[tilespmem:v7+s9+$0x0 ss:$0x1] =	vst.idx.msk $0xffff, v17  }
0x11f: {  	v17 =	vld [tilespmem:s8+$0xFFFFFF60];
	_ =	sdelay $0x4  }
0x120: {  	[tilespmem:v7+s9+$0x10 ss:$0x1] =	vst.idx.msk $0xffff, v17  }
0x121: {  	v17 =	vld [tilespmem:s8+$0xFFFFFF70];
	_ =	sdelay $0x4  }
0x122: {  	[tilespmem:v7+s9+$0x20 ss:$0x1] =	vst.idx.msk $0xffff, v17  }
0x123: {  	v17 =	vld [tilespmem:s8+$0xFFFFFF80];
	_ =	sdelay $0x4  }
0x124: {  	[tilespmem:v7+s9+$0x30 ss:$0x1] =	vst.idx.msk $0xffff, v17  }
0x125: {  	v17 =	vld [tilespmem:s8+$0xFFFFFF90];
	_ =	sdelay $0x4  }
0x126: {  	[tilespmem:v8+s9+$0xFFFFFFC0 ss:$0x1] =	vst.idx.msk $0xffff, v17  }
0x127: {  	v17 =	vld [tilespmem:s8+$0xFFFFFFA0];
	_ =	sdelay $0x4  }
0x128: {  	[tilespmem:v8+s9+$0xFFFFFFD0 ss:$0x1] =	vst.idx.msk $0xffff, v17  }
0x129: {  	v17 =	vld [tilespmem:s8+$0xFFFFFFB0];
	_ =	sdelay $0x4  }
0x12a: {  	[tilespmem:v8+s9+$0xFFFFFFE0 ss:$0x1] =	vst.idx.msk $0xffff, v17  }
0x12b: {  	v17 =	vld [tilespmem:s8+$0xFFFFFFC0];
	_ =	sdelay $0x4  }
0x12c: {  	[tilespmem:v8+s9+$0xFFFFFFF0 ss:$0x1] =	vst.idx.msk $0xffff, v17  }
0x12d: {  	v17 =	vld [tilespmem:s8+$0xFFFFFFD0];
	_ =	sdelay $0x4  }
0x12e: {  	[tilespmem:v8+s9+$0x0 ss:$0x1] =	vst.idx.msk $0xffff, v17  }
0x12f: {  	v17 =	vld [tilespmem:s8+$0xFFFFFFE0];
	_ =	sdelay $0x4  }
0x130: {  	[tilespmem:v8+s9+$0x10 ss:$0x1] =	vst.idx.msk $0xffff, v17  }
0x131: {  	v17 =	vld [tilespmem:s8+$0xFFFFFFF0];
	_ =	sdelay $0x4  }
0x132: {  	s31 =	sor.u32 $0x1, s18;
	[tilespmem:v8+s9+$0x20 ss:$0x1] =	vst.idx.msk $0xffff, v17  }
0x133: {  	s6 =	simm.s32 $0x1000;
	s13 =	sadd.s32 s7, s31;
	v17 =	vld [tilespmem:s8+$0x0]  }
.LBB2_7:
0x134: {  	_ =	sdelay $0x2  }
0x135: {  	p2 =	sne.s32 s6, $0x7000  }
0x136: {  	s8 =	sadd.s32 $0x200, s8;
	s0 =	smov.u32 s6;
	s6 =	sadd.s32 $0x1000, s6;
	[tilespmem:v8+s9+$0x30 ss:$0x1] =	vst.idx.msk $0xffff, v17  }
0x137: {  	v17 =	vld [tilespmem:s8+$0xFFFFFE10];
	_ =	sdelay $0x3  }
0x138: {  	s9 =	sshra.s32 s0, $0x2  }
0x139: {  	[tilespmem:v5+s9+$0xFFFFFFC0 ss:$0x1] =	vst.idx.msk $0xffff, v17  }
0x13a: {  	v17 =	vld [tilespmem:s8+$0xFFFFFE20];
	_ =	sdelay $0x4  }
0x13b: {  	[tilespmem:v5+s9+$0xFFFFFFD0 ss:$0x1] =	vst.idx.msk $0xffff, v17  }
0x13c: {  	v17 =	vld [tilespmem:s8+$0xFFFFFE30];
	_ =	sdelay $0x4  }
0x13d: {  	[tilespmem:v5+s9+$0xFFFFFFE0 ss:$0x1] =	vst.idx.msk $0xffff, v17  }
0x13e: {  	v17 =	vld [tilespmem:s8+$0xFFFFFE40];
	_ =	sdelay $0x4  }
0x13f: {  	[tilespmem:v5+s9+$0xFFFFFFF0 ss:$0x1] =	vst.idx.msk $0xffff, v17  }
0x140: {  	v17 =	vld [tilespmem:s8+$0xFFFFFE50];
	_ =	sdelay $0x4  }
0x141: {  	[tilespmem:v5+s9+$0x0 ss:$0x1] =	vst.idx.msk $0xffff, v17  }
0x142: {  	v17 =	vld [tilespmem:s8+$0xFFFFFE60];
	_ =	sdelay $0x4  }
0x143: {  	[tilespmem:v5+s9+$0x10 ss:$0x1] =	vst.idx.msk $0xffff, v17  }
0x144: {  	v17 =	vld [tilespmem:s8+$0xFFFFFE70];
	_ =	sdelay $0x4  }
0x145: {  	[tilespmem:v5+s9+$0x20 ss:$0x1] =	vst.idx.msk $0xffff, v17  }
0x146: {  	v17 =	vld [tilespmem:s8+$0xFFFFFE80];
	_ =	sdelay $0x4  }
0x147: {  	[tilespmem:v5+s9+$0x30 ss:$0x1] =	vst.idx.msk $0xffff, v17  }
0x148: {  	v17 =	vld [tilespmem:s8+$0xFFFFFE90];
	_ =	sdelay $0x4  }
0x149: {  	[tilespmem:v6+s9+$0xFFFFFFC0 ss:$0x1] =	vst.idx.msk $0xffff, v17  }
0x14a: {  	v17 =	vld [tilespmem:s8+$0xFFFFFEA0];
	_ =	sdelay $0x4  }
0x14b: {  	[tilespmem:v6+s9+$0xFFFFFFD0 ss:$0x1] =	vst.idx.msk $0xffff, v17  }
0x14c: {  	v17 =	vld [tilespmem:s8+$0xFFFFFEB0];
	_ =	sdelay $0x4  }
0x14d: {  	[tilespmem:v6+s9+$0xFFFFFFE0 ss:$0x1] =	vst.idx.msk $0xffff, v17  }
0x14e: {  	v17 =	vld [tilespmem:s8+$0xFFFFFEC0];
	_ =	sdelay $0x4  }
0x14f: {  	[tilespmem:v6+s9+$0xFFFFFFF0 ss:$0x1] =	vst.idx.msk $0xffff, v17  }
0x150: {  	v17 =	vld [tilespmem:s8+$0xFFFFFED0];
	_ =	sdelay $0x4  }
0x151: {  	[tilespmem:v6+s9+$0x0 ss:$0x1] =	vst.idx.msk $0xffff, v17  }
0x152: {  	v17 =	vld [tilespmem:s8+$0xFFFFFEE0];
	_ =	sdelay $0x4  }
0x153: {  	[tilespmem:v6+s9+$0x10 ss:$0x1] =	vst.idx.msk $0xffff, v17  }
0x154: {  	v17 =	vld [tilespmem:s8+$0xFFFFFEF0];
	_ =	sdelay $0x4  }
0x155: {  	[tilespmem:v6+s9+$0x20 ss:$0x1] =	vst.idx.msk $0xffff, v17  }
0x156: {  	v17 =	vld [tilespmem:s8+$0xFFFFFF00];
	_ =	sdelay $0x4  }
0x157: {  	[tilespmem:v6+s9+$0x30 ss:$0x1] =	vst.idx.msk $0xffff, v17  }
0x158: {  	v17 =	vld [tilespmem:s8+$0xFFFFFF10];
	_ =	sdelay $0x4  }
0x159: {  	[tilespmem:v7+s9+$0xFFFFFFC0 ss:$0x1] =	vst.idx.msk $0xffff, v17  }
0x15a: {  	v17 =	vld [tilespmem:s8+$0xFFFFFF20];
	_ =	sdelay $0x4  }
0x15b: {  	[tilespmem:v7+s9+$0xFFFFFFD0 ss:$0x1] =	vst.idx.msk $0xffff, v17  }
0x15c: {  	v17 =	vld [tilespmem:s8+$0xFFFFFF30];
	_ =	sdelay $0x4  }
0x15d: {  	[tilespmem:v7+s9+$0xFFFFFFE0 ss:$0x1] =	vst.idx.msk $0xffff, v17  }
0x15e: {  	v17 =	vld [tilespmem:s8+$0xFFFFFF40];
	_ =	sdelay $0x4  }
0x15f: {  	[tilespmem:v7+s9+$0xFFFFFFF0 ss:$0x1] =	vst.idx.msk $0xffff, v17  }
0x160: {  	v17 =	vld [tilespmem:s8+$0xFFFFFF50];
	_ =	sdelay $0x4  }
0x161: {  	[tilespmem:v7+s9+$0x0 ss:$0x1] =	vst.idx.msk $0xffff, v17  }
0x162: {  	v17 =	vld [tilespmem:s8+$0xFFFFFF60];
	_ =	sdelay $0x4  }
0x163: {  	[tilespmem:v7+s9+$0x10 ss:$0x1] =	vst.idx.msk $0xffff, v17  }
0x164: {  	v17 =	vld [tilespmem:s8+$0xFFFFFF70];
	_ =	sdelay $0x4  }
0x165: {  	[tilespmem:v7+s9+$0x20 ss:$0x1] =	vst.idx.msk $0xffff, v17  }
0x166: {  	v17 =	vld [tilespmem:s8+$0xFFFFFF80];
	_ =	sdelay $0x4  }
0x167: {  	[tilespmem:v7+s9+$0x30 ss:$0x1] =	vst.idx.msk $0xffff, v17  }
0x168: {  	v17 =	vld [tilespmem:s8+$0xFFFFFF90];
	_ =	sdelay $0x4  }
0x169: {  	[tilespmem:v8+s9+$0xFFFFFFC0 ss:$0x1] =	vst.idx.msk $0xffff, v17  }
0x16a: {  	v17 =	vld [tilespmem:s8+$0xFFFFFFA0];
	_ =	sdelay $0x4  }
0x16b: {  	[tilespmem:v8+s9+$0xFFFFFFD0 ss:$0x1] =	vst.idx.msk $0xffff, v17  }
0x16c: {  	v17 =	vld [tilespmem:s8+$0xFFFFFFB0];
	_ =	sdelay $0x4  }
0x16d: {  	[tilespmem:v8+s9+$0xFFFFFFE0 ss:$0x1] =	vst.idx.msk $0xffff, v17  }
0x16e: {  	v17 =	vld [tilespmem:s8+$0xFFFFFFC0];
	_ =	sdelay $0x4  }
0x16f: {  	[tilespmem:v8+s9+$0xFFFFFFF0 ss:$0x1] =	vst.idx.msk $0xffff, v17  }
0x170: {  	v17 =	vld [tilespmem:s8+$0xFFFFFFD0];
	_ =	sdelay $0x4  }
0x171: {  	[tilespmem:v8+s9+$0x0 ss:$0x1] =	vst.idx.msk $0xffff, v17  }
0x172: {  	v17 =	vld [tilespmem:s8+$0xFFFFFFE0];
	_ =	sdelay $0x4  }
0x173: {  	[tilespmem:v8+s9+$0x10 ss:$0x1] =	vst.idx.msk $0xffff, v17  }
0x174: {  	v17 =	vld [tilespmem:s8+$0xFFFFFFF0];
	_ =	sdelay $0x1  }
.Ltmp2:
0x175: {  	(pc) =	sbr.rel @p2 .LBB2_7-.Ltmp2, $3  }
0x176: {  	_ =	sdelay $0x1  }
0x177: {  	[tilespmem:v8+s9+$0x20 ss:$0x1] =	vst.idx.msk $0xffff, v17  }
0x178: {  	v17 =	vld [tilespmem:s8+$0x0]  }
0x179: {  	_ =	sdelay $0x1  }
0x17a: {  	s0 =	sshll.u32 s13, $0xB  }
0x17b: {  	s0 =	sand.u32 $0x1FFFE800, s0  }
0x17c: {  	s0 =	sadd.s32 s4, s0;
	[tilespmem:v8+s9+$0x30 ss:$0x1] =	vst.idx.msk $0xffff, v17  }
0x17d: {  	[hbm4b:s0+s5] =	stream.linear.scatter [tilespmem:s23], [sflag:$0x6], $0x4000, $0x38;
	[tilespmem:$0x14080] =	vst v63  }
0x17e: {  	s0 =	sadd.s32 @!p1 s18, s11  }
0x17f: {  	s0 =	sshll.u32 @!p1 s0, $0x9  }
0x180: {  	s0 =	sand.u32 @!p1 $0x1FFFFA00, s0  }
0x181: {  	s2 =	simm.s32 @!p1 $0x0;
	s6 =	simm.s32 @!p1 $0x1000;
	s0 =	sadd.s32 @!p1 s1, s0  }
0x182: {  	[tilespmem:s6], [sflag:$0x2] =	stream.linear.gather @!p1 [hbm4b:s0+s2], $0x1000, $0x38;
	[tilespmem:$0x14080] =	vst v63  }
0x183: {  	_ =	swait.ge [sflag:s24], $0x1000  }
0x184: {  	[sflag:s24] =	ssyncset.done $0x0  }
0x185: {  	s0 =	simm.s32 @!p0 $0x7;
	[sflag:s24] =	ssyncadd.s32 $0xFFFFF000  }
0x186: {  	_ =	swait.ge @!p0 [sflag:s0], $0x4000  }
0x187: {  	[sflag:s0] =	ssyncset.done @!p0 $0x0  }
0x188: {  	s8 =	simm.s32 $0x21F0;
	[sflag:s0] =	ssyncadd.s32 @!p0 $0xFFFFC000  }
0x189: {  	v17 =	vld [tilespmem:s8+$0xFFFFFE10];
	_ =	sdelay $0x3  }
0x18a: {  	s9 =	simm.s32 $0x0  }
0x18b: {  	[tilespmem:v9+s9+$0xFFFFFFC0 ss:$0x1] =	vst.idx.msk $0xffff, v17  }
0x18c: {  	v17 =	vld [tilespmem:s8+$0xFFFFFE20];
	_ =	sdelay $0x4  }
0x18d: {  	[tilespmem:v9+s9+$0xFFFFFFD0 ss:$0x1] =	vst.idx.msk $0xffff, v17  }
0x18e: {  	v17 =	vld [tilespmem:s8+$0xFFFFFE30];
	_ =	sdelay $0x4  }
0x18f: {  	[tilespmem:v9+s9+$0xFFFFFFE0 ss:$0x1] =	vst.idx.msk $0xffff, v17  }
0x190: {  	v17 =	vld [tilespmem:s8+$0xFFFFFE40];
	_ =	sdelay $0x4  }
0x191: {  	[tilespmem:v9+s9+$0xFFFFFFF0 ss:$0x1] =	vst.idx.msk $0xffff, v17  }
0x192: {  	v17 =	vld [tilespmem:s8+$0xFFFFFE50];
	_ =	sdelay $0x4  }
0x193: {  	[tilespmem:v9+s9+$0x0 ss:$0x1] =	vst.idx.msk $0xffff, v17  }
0x194: {  	v17 =	vld [tilespmem:s8+$0xFFFFFE60];
	_ =	sdelay $0x4  }
0x195: {  	[tilespmem:v9+s9+$0x10 ss:$0x1] =	vst.idx.msk $0xffff, v17  }
0x196: {  	v17 =	vld [tilespmem:s8+$0xFFFFFE70];
	_ =	sdelay $0x4  }
0x197: {  	[tilespmem:v9+s9+$0x20 ss:$0x1] =	vst.idx.msk $0xffff, v17  }
0x198: {  	v17 =	vld [tilespmem:s8+$0xFFFFFE80];
	_ =	sdelay $0x4  }
0x199: {  	[tilespmem:v9+s9+$0x30 ss:$0x1] =	vst.idx.msk $0xffff, v17  }
0x19a: {  	v17 =	vld [tilespmem:s8+$0xFFFFFE90];
	_ =	sdelay $0x4  }
0x19b: {  	[tilespmem:v10+s9+$0xFFFFFFC0 ss:$0x1] =	vst.idx.msk $0xffff, v17  }
0x19c: {  	v17 =	vld [tilespmem:s8+$0xFFFFFEA0];
	_ =	sdelay $0x4  }
0x19d: {  	[tilespmem:v10+s9+$0xFFFFFFD0 ss:$0x1] =	vst.idx.msk $0xffff, v17  }
0x19e: {  	v17 =	vld [tilespmem:s8+$0xFFFFFEB0];
	_ =	sdelay $0x4  }
0x19f: {  	[tilespmem:v10+s9+$0xFFFFFFE0 ss:$0x1] =	vst.idx.msk $0xffff, v17  }
0x1a0: {  	v17 =	vld [tilespmem:s8+$0xFFFFFEC0];
	_ =	sdelay $0x4  }
0x1a1: {  	[tilespmem:v10+s9+$0xFFFFFFF0 ss:$0x1] =	vst.idx.msk $0xffff, v17  }
0x1a2: {  	v17 =	vld [tilespmem:s8+$0xFFFFFED0];
	_ =	sdelay $0x4  }
0x1a3: {  	[tilespmem:v10+s9+$0x0 ss:$0x1] =	vst.idx.msk $0xffff, v17  }
0x1a4: {  	v17 =	vld [tilespmem:s8+$0xFFFFFEE0];
	_ =	sdelay $0x4  }
0x1a5: {  	[tilespmem:v10+s9+$0x10 ss:$0x1] =	vst.idx.msk $0xffff, v17  }
0x1a6: {  	v17 =	vld [tilespmem:s8+$0xFFFFFEF0];
	_ =	sdelay $0x4  }
0x1a7: {  	[tilespmem:v10+s9+$0x20 ss:$0x1] =	vst.idx.msk $0xffff, v17  }
0x1a8: {  	v17 =	vld [tilespmem:s8+$0xFFFFFF00];
	_ =	sdelay $0x4  }
0x1a9: {  	[tilespmem:v10+s9+$0x30 ss:$0x1] =	vst.idx.msk $0xffff, v17  }
0x1aa: {  	v17 =	vld [tilespmem:s8+$0xFFFFFF10];
	_ =	sdelay $0x4  }
0x1ab: {  	[tilespmem:v11+s9+$0xFFFFFFC0 ss:$0x1] =	vst.idx.msk $0xffff, v17  }
0x1ac: {  	v17 =	vld [tilespmem:s8+$0xFFFFFF20];
	_ =	sdelay $0x4  }
0x1ad: {  	[tilespmem:v11+s9+$0xFFFFFFD0 ss:$0x1] =	vst.idx.msk $0xffff, v17  }
0x1ae: {  	v17 =	vld [tilespmem:s8+$0xFFFFFF30];
	_ =	sdelay $0x4  }
0x1af: {  	[tilespmem:v11+s9+$0xFFFFFFE0 ss:$0x1] =	vst.idx.msk $0xffff, v17  }
0x1b0: {  	v17 =	vld [tilespmem:s8+$0xFFFFFF40];
	_ =	sdelay $0x4  }
0x1b1: {  	[tilespmem:v11+s9+$0xFFFFFFF0 ss:$0x1] =	vst.idx.msk $0xffff, v17  }
0x1b2: {  	v17 =	vld [tilespmem:s8+$0xFFFFFF50];
	_ =	sdelay $0x4  }
0x1b3: {  	[tilespmem:v11+s9+$0x0 ss:$0x1] =	vst.idx.msk $0xffff, v17  }
0x1b4: {  	v17 =	vld [tilespmem:s8+$0xFFFFFF60];
	_ =	sdelay $0x4  }
0x1b5: {  	[tilespmem:v11+s9+$0x10 ss:$0x1] =	vst.idx.msk $0xffff, v17  }
0x1b6: {  	v17 =	vld [tilespmem:s8+$0xFFFFFF70];
	_ =	sdelay $0x4  }
0x1b7: {  	[tilespmem:v11+s9+$0x20 ss:$0x1] =	vst.idx.msk $0xffff, v17  }
0x1b8: {  	v17 =	vld [tilespmem:s8+$0xFFFFFF80];
	_ =	sdelay $0x4  }
0x1b9: {  	[tilespmem:v11+s9+$0x30 ss:$0x1] =	vst.idx.msk $0xffff, v17  }
0x1ba: {  	v17 =	vld [tilespmem:s8+$0xFFFFFF90];
	_ =	sdelay $0x4  }
0x1bb: {  	[tilespmem:v12+s9+$0xFFFFFFC0 ss:$0x1] =	vst.idx.msk $0xffff, v17  }
0x1bc: {  	v17 =	vld [tilespmem:s8+$0xFFFFFFA0];
	_ =	sdelay $0x4  }
0x1bd: {  	[tilespmem:v12+s9+$0xFFFFFFD0 ss:$0x1] =	vst.idx.msk $0xffff, v17  }
0x1be: {  	v17 =	vld [tilespmem:s8+$0xFFFFFFB0];
	_ =	sdelay $0x4  }
0x1bf: {  	[tilespmem:v12+s9+$0xFFFFFFE0 ss:$0x1] =	vst.idx.msk $0xffff, v17  }
0x1c0: {  	v17 =	vld [tilespmem:s8+$0xFFFFFFC0];
	_ =	sdelay $0x4  }
0x1c1: {  	[tilespmem:v12+s9+$0xFFFFFFF0 ss:$0x1] =	vst.idx.msk $0xffff, v17  }
0x1c2: {  	v17 =	vld [tilespmem:s8+$0xFFFFFFD0];
	_ =	sdelay $0x4  }
0x1c3: {  	[tilespmem:v12+s9+$0x0 ss:$0x1] =	vst.idx.msk $0xffff, v17  }
0x1c4: {  	v17 =	vld [tilespmem:s8+$0xFFFFFFE0];
	_ =	sdelay $0x4  }
0x1c5: {  	[tilespmem:v12+s9+$0x10 ss:$0x1] =	vst.idx.msk $0xffff, v17  }
0x1c6: {  	v17 =	vld [tilespmem:s8+$0xFFFFFFF0];
	_ =	sdelay $0x4  }
0x1c7: {  	s31 =	sor.u32 $0x2, s18;
	[tilespmem:v12+s9+$0x20 ss:$0x1] =	vst.idx.msk $0xffff, v17  }
0x1c8: {  	s13 =	sadd.s32 s7, s31;
	s6 =	simm.s32 $0x1000;
	v17 =	vld [tilespmem:s8+$0x0]  }
.LBB2_9:
0x1c9: {  	_ =	sdelay $0x2  }
0x1ca: {  	p1 =	sne.s32 s6, $0x7000  }
0x1cb: {  	s8 =	sadd.s32 $0x200, s8;
	s0 =	smov.u32 s6;
	s6 =	sadd.s32 $0x1000, s6;
	[tilespmem:v12+s9+$0x30 ss:$0x1] =	vst.idx.msk $0xffff, v17  }
0x1cc: {  	v17 =	vld [tilespmem:s8+$0xFFFFFE10];
	_ =	sdelay $0x3  }
0x1cd: {  	s9 =	sshra.s32 s0, $0x2  }
0x1ce: {  	[tilespmem:v9+s9+$0xFFFFFFC0 ss:$0x1] =	vst.idx.msk $0xffff, v17  }
0x1cf: {  	v17 =	vld [tilespmem:s8+$0xFFFFFE20];
	_ =	sdelay $0x4  }
0x1d0: {  	[tilespmem:v9+s9+$0xFFFFFFD0 ss:$0x1] =	vst.idx.msk $0xffff, v17  }
0x1d1: {  	v17 =	vld [tilespmem:s8+$0xFFFFFE30];
	_ =	sdelay $0x4  }
0x1d2: {  	[tilespmem:v9+s9+$0xFFFFFFE0 ss:$0x1] =	vst.idx.msk $0xffff, v17  }
0x1d3: {  	v17 =	vld [tilespmem:s8+$0xFFFFFE40];
	_ =	sdelay $0x4  }
0x1d4: {  	[tilespmem:v9+s9+$0xFFFFFFF0 ss:$0x1] =	vst.idx.msk $0xffff, v17  }
0x1d5: {  	v17 =	vld [tilespmem:s8+$0xFFFFFE50];
	_ =	sdelay $0x4  }
0x1d6: {  	[tilespmem:v9+s9+$0x0 ss:$0x1] =	vst.idx.msk $0xffff, v17  }
0x1d7: {  	v17 =	vld [tilespmem:s8+$0xFFFFFE60];
	_ =	sdelay $0x4  }
0x1d8: {  	[tilespmem:v9+s9+$0x10 ss:$0x1] =	vst.idx.msk $0xffff, v17  }
0x1d9: {  	v17 =	vld [tilespmem:s8+$0xFFFFFE70];
	_ =	sdelay $0x4  }
0x1da: {  	[tilespmem:v9+s9+$0x20 ss:$0x1] =	vst.idx.msk $0xffff, v17  }
0x1db: {  	v17 =	vld [tilespmem:s8+$0xFFFFFE80];
	_ =	sdelay $0x4  }
0x1dc: {  	[tilespmem:v9+s9+$0x30 ss:$0x1] =	vst.idx.msk $0xffff, v17  }
0x1dd: {  	v17 =	vld [tilespmem:s8+$0xFFFFFE90];
	_ =	sdelay $0x4  }
0x1de: {  	[tilespmem:v10+s9+$0xFFFFFFC0 ss:$0x1] =	vst.idx.msk $0xffff, v17  }
0x1df: {  	v17 =	vld [tilespmem:s8+$0xFFFFFEA0];
	_ =	sdelay $0x4  }
0x1e0: {  	[tilespmem:v10+s9+$0xFFFFFFD0 ss:$0x1] =	vst.idx.msk $0xffff, v17  }
0x1e1: {  	v17 =	vld [tilespmem:s8+$0xFFFFFEB0];
	_ =	sdelay $0x4  }
0x1e2: {  	[tilespmem:v10+s9+$0xFFFFFFE0 ss:$0x1] =	vst.idx.msk $0xffff, v17  }
0x1e3: {  	v17 =	vld [tilespmem:s8+$0xFFFFFEC0];
	_ =	sdelay $0x4  }
0x1e4: {  	[tilespmem:v10+s9+$0xFFFFFFF0 ss:$0x1] =	vst.idx.msk $0xffff, v17  }
0x1e5: {  	v17 =	vld [tilespmem:s8+$0xFFFFFED0];
	_ =	sdelay $0x4  }
0x1e6: {  	[tilespmem:v10+s9+$0x0 ss:$0x1] =	vst.idx.msk $0xffff, v17  }
0x1e7: {  	v17 =	vld [tilespmem:s8+$0xFFFFFEE0];
	_ =	sdelay $0x4  }
0x1e8: {  	[tilespmem:v10+s9+$0x10 ss:$0x1] =	vst.idx.msk $0xffff, v17  }
0x1e9: {  	v17 =	vld [tilespmem:s8+$0xFFFFFEF0];
	_ =	sdelay $0x4  }
0x1ea: {  	[tilespmem:v10+s9+$0x20 ss:$0x1] =	vst.idx.msk $0xffff, v17  }
0x1eb: {  	v17 =	vld [tilespmem:s8+$0xFFFFFF00];
	_ =	sdelay $0x4  }
0x1ec: {  	[tilespmem:v10+s9+$0x30 ss:$0x1] =	vst.idx.msk $0xffff, v17  }
0x1ed: {  	v17 =	vld [tilespmem:s8+$0xFFFFFF10];
	_ =	sdelay $0x4  }
0x1ee: {  	[tilespmem:v11+s9+$0xFFFFFFC0 ss:$0x1] =	vst.idx.msk $0xffff, v17  }
0x1ef: {  	v17 =	vld [tilespmem:s8+$0xFFFFFF20];
	_ =	sdelay $0x4  }
0x1f0: {  	[tilespmem:v11+s9+$0xFFFFFFD0 ss:$0x1] =	vst.idx.msk $0xffff, v17  }
0x1f1: {  	v17 =	vld [tilespmem:s8+$0xFFFFFF30];
	_ =	sdelay $0x4  }
0x1f2: {  	[tilespmem:v11+s9+$0xFFFFFFE0 ss:$0x1] =	vst.idx.msk $0xffff, v17  }
0x1f3: {  	v17 =	vld [tilespmem:s8+$0xFFFFFF40];
	_ =	sdelay $0x4  }
0x1f4: {  	[tilespmem:v11+s9+$0xFFFFFFF0 ss:$0x1] =	vst.idx.msk $0xffff, v17  }
0x1f5: {  	v17 =	vld [tilespmem:s8+$0xFFFFFF50];
	_ =	sdelay $0x4  }
0x1f6: {  	[tilespmem:v11+s9+$0x0 ss:$0x1] =	vst.idx.msk $0xffff, v17  }
0x1f7: {  	v17 =	vld [tilespmem:s8+$0xFFFFFF60];
	_ =	sdelay $0x4  }
0x1f8: {  	[tilespmem:v11+s9+$0x10 ss:$0x1] =	vst.idx.msk $0xffff, v17  }
0x1f9: {  	v17 =	vld [tilespmem:s8+$0xFFFFFF70];
	_ =	sdelay $0x4  }
0x1fa: {  	[tilespmem:v11+s9+$0x20 ss:$0x1] =	vst.idx.msk $0xffff, v17  }
0x1fb: {  	v17 =	vld [tilespmem:s8+$0xFFFFFF80];
	_ =	sdelay $0x4  }
0x1fc: {  	[tilespmem:v11+s9+$0x30 ss:$0x1] =	vst.idx.msk $0xffff, v17  }
0x1fd: {  	v17 =	vld [tilespmem:s8+$0xFFFFFF90];
	_ =	sdelay $0x4  }
0x1fe: {  	[tilespmem:v12+s9+$0xFFFFFFC0 ss:$0x1] =	vst.idx.msk $0xffff, v17  }
0x1ff: {  	v17 =	vld [tilespmem:s8+$0xFFFFFFA0];
	_ =	sdelay $0x4  }
0x200: {  	[tilespmem:v12+s9+$0xFFFFFFD0 ss:$0x1] =	vst.idx.msk $0xffff, v17  }
0x201: {  	v17 =	vld [tilespmem:s8+$0xFFFFFFB0];
	_ =	sdelay $0x4  }
0x202: {  	[tilespmem:v12+s9+$0xFFFFFFE0 ss:$0x1] =	vst.idx.msk $0xffff, v17  }
0x203: {  	v17 =	vld [tilespmem:s8+$0xFFFFFFC0];
	_ =	sdelay $0x4  }
0x204: {  	[tilespmem:v12+s9+$0xFFFFFFF0 ss:$0x1] =	vst.idx.msk $0xffff, v17  }
0x205: {  	v17 =	vld [tilespmem:s8+$0xFFFFFFD0];
	_ =	sdelay $0x4  }
0x206: {  	[tilespmem:v12+s9+$0x0 ss:$0x1] =	vst.idx.msk $0xffff, v17  }
0x207: {  	v17 =	vld [tilespmem:s8+$0xFFFFFFE0];
	_ =	sdelay $0x4  }
0x208: {  	[tilespmem:v12+s9+$0x10 ss:$0x1] =	vst.idx.msk $0xffff, v17  }
0x209: {  	v17 =	vld [tilespmem:s8+$0xFFFFFFF0];
	_ =	sdelay $0x1  }
.Ltmp3:
0x20a: {  	(pc) =	sbr.rel @p1 .LBB2_9-.Ltmp3, $3  }
0x20b: {  	_ =	sdelay $0x1  }
0x20c: {  	[tilespmem:v12+s9+$0x20 ss:$0x1] =	vst.idx.msk $0xffff, v17  }
0x20d: {  	v17 =	vld [tilespmem:s8+$0x0]  }
0x20e: {  	p1 =	sne.s32 s3, $0x1F  }
.Ltmp4:
0x20f: {  	_ = 	snop;
	(pc) =	sbr.rel @p1 .LBB2_12-.Ltmp4, $4  }
0x210: {  	s0 =	sshll.u32 s13, $0xB  }
0x211: {  	s0 =	sand.u32 $0x1FFFF000, s0  }
0x212: {  	s0 =	sadd.s32 s4, s0;
	[tilespmem:v12+s9+$0x30 ss:$0x1] =	vst.idx.msk $0xffff, v17  }
0x213: {  	[hbm4b:s0+s5] =	stream.linear.scatter [tilespmem:s25], [sflag:$0x7], $0x4000, $0x38;
	[tilespmem:$0x14080] =	vst v63  }
.Ltmp5:
0x214: {  	(pc) =	sbr.rel .LBB2_13-.Ltmp5, $4  }
0x215: {  	_ = 	snop  }
0x216: {  	_ =	swait.ge [sflag:s26], $0x1000  }
0x217: {  	[sflag:s26] =	ssyncset.done $0x0  }
0x218: {  	[sflag:s26] =	ssyncadd.s32 $0xFFFFF000  }
.LBB2_12:
0x219: {  	s0 =	sadd.s32 s18, s12  }
0x21a: {  	s0 =	sshll.u32 s0, $0x9  }
0x21b: {  	s0 =	sand.u32 $0x1FFFFC00, s0  }
.Ltmp6:
0x21c: {  	s0 =	sadd.s32 s1, s0;
	(pc) =	sbr.rel @p0 .LBB2_14-.Ltmp6, $4  }
0x21d: {  	[tilespmem:s19], [sflag:$0x3] =	stream.linear.gather [hbm4b:s0+s5], $0x1000, $0x38;
	[tilespmem:$0x14080] =	vst v63  }
0x21e: {  	_ =	swait.ge [sflag:s26], $0x1000  }
0x21f: {  	[sflag:s26] =	ssyncset.done $0x0  }
0x220: {  	[sflag:s26] =	ssyncadd.s32 $0xFFFFF000  }
.LBB2_13:
0x221: {  	_ =	swait.ge [sflag:s28], $0x4000  }
0x222: {  	[sflag:s28] =	ssyncset.done $0x0  }
0x223: {  	[sflag:s28] =	ssyncadd.s32 $0xFFFFC000  }
.LBB2_14:
0x224: {  	s8 =	simm.s32 $0x31F0  }
0x225: {  	v17 =	vld [tilespmem:s8+$0xFFFFFE10];
	_ =	sdelay $0x3  }
0x226: {  	s9 =	simm.s32 $0x0  }
0x227: {  	[tilespmem:v13+s9+$0xFFFFFFC0 ss:$0x1] =	vst.idx.msk $0xffff, v17  }
0x228: {  	v17 =	vld [tilespmem:s8+$0xFFFFFE20];
	_ =	sdelay $0x4  }
0x229: {  	[tilespmem:v13+s9+$0xFFFFFFD0 ss:$0x1] =	vst.idx.msk $0xffff, v17  }
0x22a: {  	v17 =	vld [tilespmem:s8+$0xFFFFFE30];
	_ =	sdelay $0x4  }
0x22b: {  	[tilespmem:v13+s9+$0xFFFFFFE0 ss:$0x1] =	vst.idx.msk $0xffff, v17  }
0x22c: {  	v17 =	vld [tilespmem:s8+$0xFFFFFE40];
	_ =	sdelay $0x4  }
0x22d: {  	[tilespmem:v13+s9+$0xFFFFFFF0 ss:$0x1] =	vst.idx.msk $0xffff, v17  }
0x22e: {  	v17 =	vld [tilespmem:s8+$0xFFFFFE50];
	_ =	sdelay $0x4  }
0x22f: {  	[tilespmem:v13+s9+$0x0 ss:$0x1] =	vst.idx.msk $0xffff, v17  }
0x230: {  	v17 =	vld [tilespmem:s8+$0xFFFFFE60];
	_ =	sdelay $0x4  }
0x231: {  	[tilespmem:v13+s9+$0x10 ss:$0x1] =	vst.idx.msk $0xffff, v17  }
0x232: {  	v17 =	vld [tilespmem:s8+$0xFFFFFE70];
	_ =	sdelay $0x4  }
0x233: {  	[tilespmem:v13+s9+$0x20 ss:$0x1] =	vst.idx.msk $0xffff, v17  }
0x234: {  	v17 =	vld [tilespmem:s8+$0xFFFFFE80];
	_ =	sdelay $0x4  }
0x235: {  	[tilespmem:v13+s9+$0x30 ss:$0x1] =	vst.idx.msk $0xffff, v17  }
0x236: {  	v17 =	vld [tilespmem:s8+$0xFFFFFE90];
	_ =	sdelay $0x4  }
0x237: {  	[tilespmem:v14+s9+$0xFFFFFFC0 ss:$0x1] =	vst.idx.msk $0xffff, v17  }
0x238: {  	v17 =	vld [tilespmem:s8+$0xFFFFFEA0];
	_ =	sdelay $0x4  }
0x239: {  	[tilespmem:v14+s9+$0xFFFFFFD0 ss:$0x1] =	vst.idx.msk $0xffff, v17  }
0x23a: {  	v17 =	vld [tilespmem:s8+$0xFFFFFEB0];
	_ =	sdelay $0x4  }
0x23b: {  	[tilespmem:v14+s9+$0xFFFFFFE0 ss:$0x1] =	vst.idx.msk $0xffff, v17  }
0x23c: {  	v17 =	vld [tilespmem:s8+$0xFFFFFEC0];
	_ =	sdelay $0x4  }
0x23d: {  	[tilespmem:v14+s9+$0xFFFFFFF0 ss:$0x1] =	vst.idx.msk $0xffff, v17  }
0x23e: {  	v17 =	vld [tilespmem:s8+$0xFFFFFED0];
	_ =	sdelay $0x4  }
0x23f: {  	[tilespmem:v14+s9+$0x0 ss:$0x1] =	vst.idx.msk $0xffff, v17  }
0x240: {  	v17 =	vld [tilespmem:s8+$0xFFFFFEE0];
	_ =	sdelay $0x4  }
0x241: {  	[tilespmem:v14+s9+$0x10 ss:$0x1] =	vst.idx.msk $0xffff, v17  }
0x242: {  	v17 =	vld [tilespmem:s8+$0xFFFFFEF0];
	_ =	sdelay $0x4  }
0x243: {  	[tilespmem:v14+s9+$0x20 ss:$0x1] =	vst.idx.msk $0xffff, v17  }
0x244: {  	v17 =	vld [tilespmem:s8+$0xFFFFFF00];
	_ =	sdelay $0x4  }
0x245: {  	[tilespmem:v14+s9+$0x30 ss:$0x1] =	vst.idx.msk $0xffff, v17  }
0x246: {  	v17 =	vld [tilespmem:s8+$0xFFFFFF10];
	_ =	sdelay $0x4  }
0x247: {  	[tilespmem:v15+s9+$0xFFFFFFC0 ss:$0x1] =	vst.idx.msk $0xffff, v17  }
0x248: {  	v17 =	vld [tilespmem:s8+$0xFFFFFF20];
	_ =	sdelay $0x4  }
0x249: {  	[tilespmem:v15+s9+$0xFFFFFFD0 ss:$0x1] =	vst.idx.msk $0xffff, v17  }
0x24a: {  	v17 =	vld [tilespmem:s8+$0xFFFFFF30];
	_ =	sdelay $0x4  }
0x24b: {  	[tilespmem:v15+s9+$0xFFFFFFE0 ss:$0x1] =	vst.idx.msk $0xffff, v17  }
0x24c: {  	v17 =	vld [tilespmem:s8+$0xFFFFFF40];
	_ =	sdelay $0x4  }
0x24d: {  	[tilespmem:v15+s9+$0xFFFFFFF0 ss:$0x1] =	vst.idx.msk $0xffff, v17  }
0x24e: {  	v17 =	vld [tilespmem:s8+$0xFFFFFF50];
	_ =	sdelay $0x4  }
0x24f: {  	[tilespmem:v15+s9+$0x0 ss:$0x1] =	vst.idx.msk $0xffff, v17  }
0x250: {  	v17 =	vld [tilespmem:s8+$0xFFFFFF60];
	_ =	sdelay $0x4  }
0x251: {  	[tilespmem:v15+s9+$0x10 ss:$0x1] =	vst.idx.msk $0xffff, v17  }
0x252: {  	v17 =	vld [tilespmem:s8+$0xFFFFFF70];
	_ =	sdelay $0x4  }
0x253: {  	[tilespmem:v15+s9+$0x20 ss:$0x1] =	vst.idx.msk $0xffff, v17  }
0x254: {  	v17 =	vld [tilespmem:s8+$0xFFFFFF80];
	_ =	sdelay $0x4  }
0x255: {  	[tilespmem:v15+s9+$0x30 ss:$0x1] =	vst.idx.msk $0xffff, v17  }
0x256: {  	v17 =	vld [tilespmem:s8+$0xFFFFFF90];
	_ =	sdelay $0x4  }
0x257: {  	[tilespmem:v16+s9+$0xFFFFFFC0 ss:$0x1] =	vst.idx.msk $0xffff, v17  }
0x258: {  	v17 =	vld [tilespmem:s8+$0xFFFFFFA0];
	_ =	sdelay $0x4  }
0x259: {  	[tilespmem:v16+s9+$0xFFFFFFD0 ss:$0x1] =	vst.idx.msk $0xffff, v17  }
0x25a: {  	v17 =	vld [tilespmem:s8+$0xFFFFFFB0];
	_ =	sdelay $0x4  }
0x25b: {  	[tilespmem:v16+s9+$0xFFFFFFE0 ss:$0x1] =	vst.idx.msk $0xffff, v17  }
0x25c: {  	v17 =	vld [tilespmem:s8+$0xFFFFFFC0];
	_ =	sdelay $0x4  }
0x25d: {  	[tilespmem:v16+s9+$0xFFFFFFF0 ss:$0x1] =	vst.idx.msk $0xffff, v17  }
0x25e: {  	v17 =	vld [tilespmem:s8+$0xFFFFFFD0];
	_ =	sdelay $0x4  }
0x25f: {  	[tilespmem:v16+s9+$0x0 ss:$0x1] =	vst.idx.msk $0xffff, v17  }
0x260: {  	v17 =	vld [tilespmem:s8+$0xFFFFFFE0];
	_ =	sdelay $0x4  }
0x261: {  	[tilespmem:v16+s9+$0x10 ss:$0x1] =	vst.idx.msk $0xffff, v17  }
0x262: {  	v17 =	vld [tilespmem:s8+$0xFFFFFFF0];
	_ =	sdelay $0x4  }
0x263: {  	[tilespmem:v16+s9+$0x20 ss:$0x1] =	vst.idx.msk $0xffff, v17  }
0x264: {  	s6 =	simm.s32 $0x1000;
	v17 =	vld [tilespmem:s8+$0x0]  }
.LBB2_15:
0x265: {  	_ =	sdelay $0x2  }
0x266: {  	p0 =	sne.s32 s6, $0x7000  }
0x267: {  	s8 =	sadd.s32 $0x200, s8;
	s0 =	smov.u32 s6;
	s6 =	sadd.s32 $0x1000, s6;
	[tilespmem:v16+s9+$0x30 ss:$0x1] =	vst.idx.msk $0xffff, v17  }
0x268: {  	v17 =	vld [tilespmem:s8+$0xFFFFFE10];
	_ =	sdelay $0x3  }
0x269: {  	s9 =	sshra.s32 s0, $0x2  }
0x26a: {  	[tilespmem:v13+s9+$0xFFFFFFC0 ss:$0x1] =	vst.idx.msk $0xffff, v17  }
0x26b: {  	v17 =	vld [tilespmem:s8+$0xFFFFFE20];
	_ =	sdelay $0x4  }
0x26c: {  	[tilespmem:v13+s9+$0xFFFFFFD0 ss:$0x1] =	vst.idx.msk $0xffff, v17  }
0x26d: {  	v17 =	vld [tilespmem:s8+$0xFFFFFE30];
	_ =	sdelay $0x4  }
0x26e: {  	[tilespmem:v13+s9+$0xFFFFFFE0 ss:$0x1] =	vst.idx.msk $0xffff, v17  }
0x26f: {  	v17 =	vld [tilespmem:s8+$0xFFFFFE40];
	_ =	sdelay $0x4  }
0x270: {  	[tilespmem:v13+s9+$0xFFFFFFF0 ss:$0x1] =	vst.idx.msk $0xffff, v17  }
0x271: {  	v17 =	vld [tilespmem:s8+$0xFFFFFE50];
	_ =	sdelay $0x4  }
0x272: {  	[tilespmem:v13+s9+$0x0 ss:$0x1] =	vst.idx.msk $0xffff, v17  }
0x273: {  	v17 =	vld [tilespmem:s8+$0xFFFFFE60];
	_ =	sdelay $0x4  }
0x274: {  	[tilespmem:v13+s9+$0x10 ss:$0x1] =	vst.idx.msk $0xffff, v17  }
0x275: {  	v17 =	vld [tilespmem:s8+$0xFFFFFE70];
	_ =	sdelay $0x4  }
0x276: {  	[tilespmem:v13+s9+$0x20 ss:$0x1] =	vst.idx.msk $0xffff, v17  }
0x277: {  	v17 =	vld [tilespmem:s8+$0xFFFFFE80];
	_ =	sdelay $0x4  }
0x278: {  	[tilespmem:v13+s9+$0x30 ss:$0x1] =	vst.idx.msk $0xffff, v17  }
0x279: {  	v17 =	vld [tilespmem:s8+$0xFFFFFE90];
	_ =	sdelay $0x4  }
0x27a: {  	[tilespmem:v14+s9+$0xFFFFFFC0 ss:$0x1] =	vst.idx.msk $0xffff, v17  }
0x27b: {  	v17 =	vld [tilespmem:s8+$0xFFFFFEA0];
	_ =	sdelay $0x4  }
0x27c: {  	[tilespmem:v14+s9+$0xFFFFFFD0 ss:$0x1] =	vst.idx.msk $0xffff, v17  }
0x27d: {  	v17 =	vld [tilespmem:s8+$0xFFFFFEB0];
	_ =	sdelay $0x4  }
0x27e: {  	[tilespmem:v14+s9+$0xFFFFFFE0 ss:$0x1] =	vst.idx.msk $0xffff, v17  }
0x27f: {  	v17 =	vld [tilespmem:s8+$0xFFFFFEC0];
	_ =	sdelay $0x4  }
0x280: {  	[tilespmem:v14+s9+$0xFFFFFFF0 ss:$0x1] =	vst.idx.msk $0xffff, v17  }
0x281: {  	v17 =	vld [tilespmem:s8+$0xFFFFFED0];
	_ =	sdelay $0x4  }
0x282: {  	[tilespmem:v14+s9+$0x0 ss:$0x1] =	vst.idx.msk $0xffff, v17  }
0x283: {  	v17 =	vld [tilespmem:s8+$0xFFFFFEE0];
	_ =	sdelay $0x4  }
0x284: {  	[tilespmem:v14+s9+$0x10 ss:$0x1] =	vst.idx.msk $0xffff, v17  }
0x285: {  	v17 =	vld [tilespmem:s8+$0xFFFFFEF0];
	_ =	sdelay $0x4  }
0x286: {  	[tilespmem:v14+s9+$0x20 ss:$0x1] =	vst.idx.msk $0xffff, v17  }
0x287: {  	v17 =	vld [tilespmem:s8+$0xFFFFFF00];
	_ =	sdelay $0x4  }
0x288: {  	[tilespmem:v14+s9+$0x30 ss:$0x1] =	vst.idx.msk $0xffff, v17  }
0x289: {  	v17 =	vld [tilespmem:s8+$0xFFFFFF10];
	_ =	sdelay $0x4  }
0x28a: {  	[tilespmem:v15+s9+$0xFFFFFFC0 ss:$0x1] =	vst.idx.msk $0xffff, v17  }
0x28b: {  	v17 =	vld [tilespmem:s8+$0xFFFFFF20];
	_ =	sdelay $0x4  }
0x28c: {  	[tilespmem:v15+s9+$0xFFFFFFD0 ss:$0x1] =	vst.idx.msk $0xffff, v17  }
0x28d: {  	v17 =	vld [tilespmem:s8+$0xFFFFFF30];
	_ =	sdelay $0x4  }
0x28e: {  	[tilespmem:v15+s9+$0xFFFFFFE0 ss:$0x1] =	vst.idx.msk $0xffff, v17  }
0x28f: {  	v17 =	vld [tilespmem:s8+$0xFFFFFF40];
	_ =	sdelay $0x4  }
0x290: {  	[tilespmem:v15+s9+$0xFFFFFFF0 ss:$0x1] =	vst.idx.msk $0xffff, v17  }
0x291: {  	v17 =	vld [tilespmem:s8+$0xFFFFFF50];
	_ =	sdelay $0x4  }
0x292: {  	[tilespmem:v15+s9+$0x0 ss:$0x1] =	vst.idx.msk $0xffff, v17  }
0x293: {  	v17 =	vld [tilespmem:s8+$0xFFFFFF60];
	_ =	sdelay $0x4  }
0x294: {  	[tilespmem:v15+s9+$0x10 ss:$0x1] =	vst.idx.msk $0xffff, v17  }
0x295: {  	v17 =	vld [tilespmem:s8+$0xFFFFFF70];
	_ =	sdelay $0x4  }
0x296: {  	[tilespmem:v15+s9+$0x20 ss:$0x1] =	vst.idx.msk $0xffff, v17  }
0x297: {  	v17 =	vld [tilespmem:s8+$0xFFFFFF80];
	_ =	sdelay $0x4  }
0x298: {  	[tilespmem:v15+s9+$0x30 ss:$0x1] =	vst.idx.msk $0xffff, v17  }
0x299: {  	v17 =	vld [tilespmem:s8+$0xFFFFFF90];
	_ =	sdelay $0x4  }
0x29a: {  	[tilespmem:v16+s9+$0xFFFFFFC0 ss:$0x1] =	vst.idx.msk $0xffff, v17  }
0x29b: {  	v17 =	vld [tilespmem:s8+$0xFFFFFFA0];
	_ =	sdelay $0x4  }
0x29c: {  	[tilespmem:v16+s9+$0xFFFFFFD0 ss:$0x1] =	vst.idx.msk $0xffff, v17  }
0x29d: {  	v17 =	vld [tilespmem:s8+$0xFFFFFFB0];
	_ =	sdelay $0x4  }
0x29e: {  	[tilespmem:v16+s9+$0xFFFFFFE0 ss:$0x1] =	vst.idx.msk $0xffff, v17  }
0x29f: {  	v17 =	vld [tilespmem:s8+$0xFFFFFFC0];
	_ =	sdelay $0x4  }
0x2a0: {  	[tilespmem:v16+s9+$0xFFFFFFF0 ss:$0x1] =	vst.idx.msk $0xffff, v17  }
0x2a1: {  	v17 =	vld [tilespmem:s8+$0xFFFFFFD0];
	_ =	sdelay $0x4  }
0x2a2: {  	[tilespmem:v16+s9+$0x0 ss:$0x1] =	vst.idx.msk $0xffff, v17  }
0x2a3: {  	v17 =	vld [tilespmem:s8+$0xFFFFFFE0];
	_ =	sdelay $0x4  }
0x2a4: {  	[tilespmem:v16+s9+$0x10 ss:$0x1] =	vst.idx.msk $0xffff, v17  }
0x2a5: {  	v17 =	vld [tilespmem:s8+$0xFFFFFFF0];
	_ =	sdelay $0x1  }
.Ltmp7:
0x2a6: {  	(pc) =	sbr.rel @p0 .LBB2_15-.Ltmp7, $3  }
0x2a7: {  	_ =	sdelay $0x1  }
0x2a8: {  	[tilespmem:v16+s9+$0x20 ss:$0x1] =	vst.idx.msk $0xffff, v17  }
0x2a9: {  	v17 =	vld [tilespmem:s8+$0x0]  }
0x2aa: {  	s3 =	sadd.s32 $0x1, s3  }
0x2ab: {  	p0 =	sne.s32 s3, $0x20  }
.Ltmp8:
0x2ac: {  	_ = 	snop;
	(pc) =	sbr.rel @p0 .LBB2_4-.Ltmp8, $4  }
0x2ad: {  	s0 =	sshll.u32 s15, $0xB  }
0x2ae: {  	s0 =	sand.u32 $0x1FFFF800, s0  }
0x2af: {  	s0 =	sadd.s32 s4, s0;
	[tilespmem:v16+s9+$0x30 ss:$0x1] =	vst.idx.msk $0xffff, v17  }
0x2b0: {  	[hbm4b:s0+s5] =	stream.linear.scatter [tilespmem:s29], [sflag:$0x8], $0x4000, $0x38;
	[tilespmem:$0x14080] =	vst v63  }
0x2b1: {  	s0 =	simm.s32 $0x5  }
0x2b2: {  	_ =	swait.ge [sflag:s0], $0x4000  }
0x2b3: {  	[sflag:s0] =	ssyncset.done $0x0  }
0x2b4: {  	s19 =	simm.s32 $0x6;
	[sflag:s0] =	ssyncadd.s32 $0xFFFFC000  }
0x2b5: {  	_ =	swait.ge [sflag:s19], $0x4000  }
0x2b6: {  	[sflag:s19] =	ssyncset.done $0x0  }
0x2b7: {  	s30 =	simm.s32 $0x7;
	[sflag:s19] =	ssyncadd.s32 $0xFFFFC000  }
0x2b8: {  	_ =	swait.ge [sflag:s30], $0x4000  }
0x2b9: {  	[sflag:s30] =	ssyncset.done $0x0  }
0x2ba: {  	[sflag:s30] =	ssyncadd.s32 $0xFFFFC000  }
0x2bb: {  	_ =	swait.ge [sflag:s28], $0x4000  }
0x2bc: {  	s2 =	rddreg [dreg:$0x8]  }
0x2bd: {  	s31 =	rddreg [dreg:$0x7];
	s2 =	sadd.s32 $0x1, s2  }
0x2be: {  	p0 =	sne.s32 s2, s31  }
.Ltmp9:
0x2bf: {  	_ = 	snop;
	(pc) =	sbr.rel @p0 .LBB2_1-.Ltmp9, $3  }
0x2c0: {  	_ =	sdelay $0x1  }
0x2c1: {  	[sflag:s28] =	ssyncset.done $0x0  }
0x2c2: {  	[sflag:s28] =	ssyncadd.s32 $0xFFFFC000  }
0x2c3: {  	_ =	sfence.sel $0x180000  }
0x2c4: {  	[bflag:$0x0] =	sbarrier.arrive $0xFFFF  }
0x2c5: {  	_ =	strace $0x90000047  }
0x2c6: {  	s0 =	stileid.u32;
	[bflag:$0x2] =	sbarrier.arrive $0xFFFF  }
0x2c7: {  	p0 =	sne.s32 s0, $0x0;
	s0 =	rddreg [dreg:$0x3]  }
0x2c8: {  	s0 =	sadd.s32 @!p0 $0x100000, s0  }
0x2c9: {  	[sflag:s0] =	ssyncadd.tile.s32 @!p0 $0x1;
	_ =	shalt  }
.Lfunc_end2:
_tile_overlayer_lowered:
.L_overlay_start_2:
0x2ca: {  	(tag) =	ssettag $0x2  }
0x2cb: {  	s0 =	rddreg [dreg:$0x0];
	s2 =	stileid.u32  }
0x2cc: {  	s1 =	rddreg [dreg:$0x1];
	p0 =	sne.s32 s2, $0x0  }
0x2cd: {  	s3 =	rddreg [dreg:$0x2];
	[bflag:$0x3] =	sbarrier.arrive $0xFFFF;
	s2 =	simm.s32 @!p0 $0x1C09  }
0x2ce: {  	[timem:s3], [sflag:s2] =	dma.local @!p0 [hbm:s0], s1  }
0x2cf: {  	s0 =	simm.s32 @!p0 $0x9  }
0x2d0: {  	_ =	swait.ge @!p0 [sflag:s0], s1  }
0x2d1: {  	s1 =	ssub.s32 @!p0 $0x0, s1;
	[sflag:s0] =	ssyncset.done @!p0 $0x0  }
0x2d2: {  	[sflag:s0] =	ssyncadd.s32 @!p0 s1  }
0x2d3: {  	[bflag:$0x3] =	sbarrier.arrive $0xFFFF  }
0x2d4: {  	_ =	shalt  }

</sc_bundles>
